<compile_context>
chip_gen: v7x
topology: tpu7x:2x2x1
jax: 0.10.2.dev20260603
libtpu: 0.0.44.dev20260713+nightly
codegen_flags: <defaults>
</compile_context>

<pallas_src>
import functools

import jax
import jax.numpy as jnp
import numpy as np
from jax import lax
from jax.experimental import pallas as pl
from jax.experimental.pallas import tpu as pltpu
from jax.experimental.pallas import tpu_sc as plsc


_B, _S, _D = 2, 4096, 4096
_DK = 512
_K = 512
_NV = _S // 16




def _matvec_body(x_ref, w_ref, o_ref):
    def _dot(ww, xx):
        return jax.lax.dot_general(
            ww, xx,
            dimension_numbers=(((1,), (1,)), ((), ())),
            preferred_element_type=jnp.float32,
        )

    def _chunk(c):
        lo, hi = 256 * c, 256 * c + 128
        return (_dot(w_ref[:, lo:lo + 128], x_ref[:, lo:lo + 128])
                + _dot(w_ref[:, hi:hi + 128], x_ref[:, hi:hi + 128]))

    k = pl.program_id(0)

    @pl.when(k == 0)
    def _init():
        a = _chunk(0)
        for c in range(1, _DK // 256):
            a = a + _chunk(c)
        o_ref[...] = a

    @pl.when(k != 0)
    def _acc():
        a = o_ref[...]
        for c in range(_DK // 256):
            a = a + _chunk(c)
        o_ref[...] = a


def _router_logits(hidden_states, W_router):
    wt = W_router.T
    nb = hidden_states.shape[0]
    xf = hidden_states.reshape(nb * _S, _D)
    out = pl.pallas_call(
        _matvec_body,
        grid=(_D // _DK,),
        in_specs=[
            pl.BlockSpec((nb * _S, _DK), lambda k: (0, k)),
            pl.BlockSpec((1, _DK), lambda k: (0, k)),
        ],
        out_specs=pl.BlockSpec((1, nb * _S), lambda k: (0, 0)),
        out_shape=jax.ShapeDtypeStruct((1, nb * _S), jnp.float32),
        compiler_params=pltpu.CompilerParams(
            fuse_transposed_lhs_in_matmul=True),
    )(xf, wt)
    return out.reshape(nb, _S)




def _radix_pass(src_k, src_i, dst_k, dst_i, hist, shift, nbuckets, nveg):
    mask = jnp.int32(nbuckets - 1)
    ones = jnp.ones((16,), jnp.int32)

    for j in range(nbuckets // 16):
        hist[pl.ds(j * 16, 16)] = jnp.zeros((16,), jnp.int32)

    def _hist(i, carry):
        k = src_k[pl.ds(i * 16, 16)]
        d = lax.bitwise_and(lax.shift_right_logical(k, shift), mask)
        plsc.addupdate_scatter(hist, [d], ones)
        return carry

    lax.fori_loop(0, nveg, _hist, 0)

    def _scan(j, carry):
        h = hist[pl.ds(j * 16, 16)]
        inc = plsc.cumsum(h)
        hist[pl.ds(j * 16, 16)] = inc - h + carry
        return carry + jnp.sum(h)

    lax.fori_loop(0, nbuckets // 16, _scan, jnp.int32(0))

    def _scatter(i, carry):
        k = src_k[pl.ds(i * 16, 16)]
        v = src_i[pl.ds(i * 16, 16)]
        d = lax.bitwise_and(lax.shift_right_logical(k, shift), mask)
        cnt, _ = plsc.scan_count(d)
        base = plsc.load_gather(hist, [d])
        p = base + cnt - 1
        plsc.store_scatter(dst_k, [p], k)
        plsc.store_scatter(dst_i, [p], v)
        plsc.addupdate_scatter(hist, [d], ones)
        return carry

    lax.fori_loop(0, nveg, _scatter, 0)


_MIN32 = np.int32(-(2 ** 31))


def _routing_body(logits_hbm, topk_hbm, sorted_hbm, w_hbm,
                  vals, ka, sk, si, sv, rk, ri, hist):
    c = lax.axis_index("c")
    s = lax.axis_index("s")
    nb = logits_hbm.shape[0]

    @pl.when((s == 0) & (c < nb))
    def _route():
        row = c
        pltpu.sync_copy(logits_hbm.at[row], vals)
        ones = jnp.ones((16,), jnp.int32)

        for j in range(16):
            hist[pl.ds(j * 16, 16)] = jnp.zeros((16,), jnp.int32)

        def _keys(i, carry):
            bits = plsc.bitcast(vals[pl.ds(i * 16, 16)], jnp.int32)
            sgn = lax.shift_right_arithmetic(bits, 31)
            k = lax.bitwise_not(
                lax.bitwise_xor(bits, lax.bitwise_or(sgn, _MIN32)))
            ka[pl.ds(i * 16, 16)] = k
            d = lax.shift_right_logical(k, 24)
            plsc.addupdate_scatter(hist, [d], ones)
            return carry

        lax.fori_loop(0, _NV, _keys, 0)

        def _pick(need):
            def _scan(j, carry):
                cum, fb, fe = carry
                h = hist[pl.ds(j * 16, 16)]
                inc = plsc.cumsum(h)
                excl = inc - h + cum
                hit = (excl < need) & (excl + h >= need)
                lane = lax.iota(jnp.int32, 16) + j * 16
                fb = jnp.maximum(fb, jnp.max(jnp.where(hit, lane, -1)))
                fe = jnp.maximum(fe, jnp.max(jnp.where(hit, excl, -1)))
                return cum + jnp.sum(h), fb, fe

            _, fb, fe = lax.fori_loop(
                0, 16, _scan, (jnp.int32(0), jnp.int32(-1), jnp.int32(-1)))
            return fb, fe

        need = jnp.int32(_K)
        b0, fe = _pick(need)
        need = need - fe
        pref = lax.shift_left(b0, 24)

        b0v = jnp.full((16,), 1, jnp.int32) * b0

        def _cand(i, carry):
            base = carry
            k = ka[pl.ds(i * 16, 16)]
            m = lax.shift_right_logical(k, 24) == b0v
            p = base + plsc.cumsum(m.astype(jnp.int32)) - 1
            idx = lax.iota(jnp.int32, 16) + i * 16
            plsc.store_scatter(rk, [p], k, mask=m)
            plsc.store_scatter(ri, [p], idx, mask=m)
            return base + plsc.all_reduce_population_count(m)

        n1v = lax.fori_loop(0, _NV, _cand, jnp.zeros((16,), jnp.int32))
        n1 = jnp.max(n1v)
        nv1 = lax.shift_right_logical(n1 + 15, 4)

        def _level(shift, maskhi, pref, need):
            for j in range(16):
                hist[pl.ds(j * 16, 16)] = jnp.zeros((16,), jnp.int32)

            n1s = jnp.full((16,), 1, jnp.int32) * n1

            def _h(i, carry):
                k = rk[pl.ds(i * 16, 16)]
                lane = lax.iota(jnp.int32, 16) + i * 16
                match = (lax.bitwise_and(k, maskhi) == pref) & (lane < n1s)
                d = lax.bitwise_and(lax.shift_right_logical(k, shift),
                                    jnp.int32(255))
                plsc.addupdate_scatter(hist, [d], ones, mask=match)
                return carry

            lax.fori_loop(0, nv1, _h, 0)
            fb, fe = _pick(need)
            return pref | lax.shift_left(fb, shift), need - fe

        pref, need = _level(16, jnp.int32(-(2 ** 24)), pref, need)
        pref, need = _level(8, jnp.int32(-(2 ** 16)), pref, need)
        pref, need = _level(0, jnp.int32(-(2 ** 8)), pref, need)

        tf = lax.bitwise_xor(pref, _MIN32)
        needv = jnp.full((16,), 1, jnp.int32) * need

        def _compact(i, carry):
            base, eqb = carry
            k = ka[pl.ds(i * 16, 16)]
            v = vals[pl.ds(i * 16, 16)]
            idx = lax.iota(jnp.int32, 16) + i * 16
            m_lt = lax.bitwise_xor(k, _MIN32) < tf
            m_eq = k == pref
            ceq = plsc.cumsum(m_eq.astype(jnp.int32))
            m = m_lt | (m_eq & ((eqb + ceq) <= needv))
            p = base + plsc.cumsum(m.astype(jnp.int32)) - 1
            plsc.store_scatter(sk, [p], k, mask=m)
            plsc.store_scatter(si, [p], idx, mask=m)
            plsc.store_scatter(sv, [p], v, mask=m)
            return (base + plsc.all_reduce_population_count(m),
                    eqb + plsc.all_reduce_population_count(m_eq))

        lax.fori_loop(0, _NV, _compact,
                      (jnp.zeros((16,), jnp.int32), jnp.zeros((16,), jnp.int32)))

        pltpu.sync_copy(si, sorted_hbm.at[row])

        def _gmax(i, m):
            return jnp.maximum(m, sv[pl.ds(i * 16, 16)])

        m = lax.fori_loop(0, _K // 16, _gmax,
                          jnp.full((16,), -jnp.inf, jnp.float32))
        mx = jnp.max(m)

        def _gexp(i, acc):
            e = jnp.exp(sv[pl.ds(i * 16, 16)] - mx)
            sv[pl.ds(i * 16, 16)] = e
            return acc + e

        acc = lax.fori_loop(0, _K // 16, _gexp, jnp.zeros((16,), jnp.float32))
        tot = jnp.full((16,), 1.0, jnp.float32) * jnp.sum(acc)

        def _gdiv(i, carry):
            sv[pl.ds(i * 16, 16)] = sv[pl.ds(i * 16, 16)] / tot
            return carry

        lax.fori_loop(0, _K // 16, _gdiv, 0)
        pltpu.sync_copy(sv, w_hbm.at[row])

        _radix_pass(sk, si, rk, ri, hist, 0, 256, _K // 16)
        _radix_pass(rk, ri, sk, si, hist, 8, 256, _K // 16)
        _radix_pass(sk, si, rk, ri, hist, 16, 256, _K // 16)
        _radix_pass(rk, ri, sk, si, hist, 24, 256, _K // 16)
        pltpu.sync_copy(si, topk_hbm.at[row])


def _routing(router_logits):
    nb = router_logits.shape[0]
    mesh = plsc.VectorSubcoreMesh(core_axis_name="c", subcore_axis_name="s")
    fn = pl.kernel(
        _routing_body,
        out_type=[
            jax.ShapeDtypeStruct((nb, _K), jnp.int32),
            jax.ShapeDtypeStruct((nb, _K), jnp.int32),
            jax.ShapeDtypeStruct((nb, _K), jnp.float32),
        ],
        mesh=mesh,
        compiler_params=pltpu.CompilerParams(needs_layout_passes=False),
        scratch_types=[
            pltpu.VMEM((_S,), jnp.float32),
            pltpu.VMEM((_S,), jnp.int32),
            pltpu.VMEM((_K,), jnp.int32),
            pltpu.VMEM((_K,), jnp.int32),
            pltpu.VMEM((_K,), jnp.float32),
            pltpu.VMEM((_S,), jnp.int32),
            pltpu.VMEM((_S,), jnp.int32),
            pltpu.VMEM((256,), jnp.int32),
        ],
    )
    return fn(router_logits)


def kernel(hidden_states, W_router):
    router_logits = _router_logits(hidden_states, W_router)
    topk_indices, sorted_indices, router_weights = _routing(router_logits)
    return (sorted_indices, router_weights, router_logits, topk_indices)

# --- scband reference (transcript-rebuilt; emitter-appended) ---
"""Pipeline reference for scband-mo-drouter-62423054680314 (READ-ONLY COPY).

The authoritative reference and input builder live on the scoring server;
editing this copy changes nothing except your own understanding.
"""

import jax, jax.numpy as jnp
import numpy as np

CAPACITY_FACTOR = 0.125

def setup_inputs(seed: int = 0) -> dict:
    key = jax.random.key(seed)
    k1, k2 = jax.random.split(key)
    hidden_states = jax.random.normal(k1, (2, 4096, 4096), dtype=jnp.float32)
    W_router = jax.random.normal(k2, (4096, 1), dtype=jnp.float32) * 0.02
    return {"hidden_states": hidden_states, "W_router": W_router}

def reference(hidden_states, W_router):
    # MoDRouter.forward in eval mode (aux loss path inactive, not returned).
    B, S, D = hidden_states.shape
    # router_logits = Linear(d_model -> 1, bias=False)(hidden_states).squeeze(-1)
    router_logits = jnp.einsum('bsd,do->bso', hidden_states, W_router)[..., 0]  # (B, S)
    k = max(1, min(S, int(S * CAPACITY_FACTOR)))  # 512
    topk_logits, topk_indices = jax.lax.top_k(router_logits, k)  # (B, k) each
    # sort selected indices for causality; carry logits along
    sort_order = jnp.argsort(topk_indices, axis=-1)
    sorted_indices = jnp.take_along_axis(topk_indices, sort_order, axis=-1)
    sorted_logits = jnp.take_along_axis(topk_logits, sort_order, axis=-1)
    router_weights = jax.nn.softmax(sorted_logits, axis=-1)
    return (sorted_indices, router_weights, router_logits, topk_indices)

if __name__ == "__main__":
    import jax
    _d = setup_inputs()
    print(jax.jit(kernel)(*tuple(_d.values())))

</pallas_src>

<mosaic_0001>
#map = affine_map<(d0, d1) -> (0, 0)>
module attributes {stable_mosaic.version = 14 : i64} {
  func.func @_routing_body(%arg0: i32, %arg1: i32, %arg2: memref<2x4096xf32, #tpu.memory_space<hbm>>, %arg3: memref<2x512xi32, #tpu.memory_space<hbm>>, %arg4: memref<2x512xi32, #tpu.memory_space<hbm>>, %arg5: memref<2x512xf32, #tpu.memory_space<hbm>>, %arg6: memref<4096xf32, #tpu.memory_space<vmem>>, %arg7: memref<4096xi32, #tpu.memory_space<vmem>>, %arg8: memref<512xi32, #tpu.memory_space<vmem>>, %arg9: memref<512xi32, #tpu.memory_space<vmem>>, %arg10: memref<512xf32, #tpu.memory_space<vmem>>, %arg11: memref<4096xi32, #tpu.memory_space<vmem>>, %arg12: memref<4096xi32, #tpu.memory_space<vmem>>, %arg13: memref<256xi32, #tpu.memory_space<vmem>>) attributes {dimension_semantics = [#tpu.dimension_semantics<core_parallel>, #tpu.dimension_semantics<subcore_parallel>], iteration_bounds = array<i64: 2, 16>, scalar_prefetch = 0 : i64, scratch_operands = 8 : i64, tpu.core_type = #tpu.core_type<sc_vector_subcore>, window_params = [{transform_indices = #map}, {transform_indices = #map}, {transform_indices = #map}, {transform_indices = #map}]} {
    %eq3A = arith.constant 0 : i32
    %eq3A_0 = arith.cmpi eq, %arg1, %eq3A : i32
    %lt3A = arith.constant 2 : i32
    %lt3A_1 = arith.cmpi slt, %arg0, %lt3A : i32
    %and3A = arith.andi %eq3A_0, %lt3A_1 : i1
    %convert_element_type3A = arith.extui %and3A : i1 to i32
    %cond3A = arith.constant 0 : i32
    %cond3A_2 = arith.cmpi ne, %convert_element_type3A, %cond3A : i32
    scf.if %cond3A_2 {
      "tpu.region"() ({
        %run_scoped3A = tpu.sem_alloc : memref<!tpu.dma_semaphore, #tpu.memory_space<semaphore_mem>>
        %dma_start3A = arith.constant 0 : i32
        %dma_start3A_774 = tpu.memref_slice %arg2[%arg0, %dma_start3A] : memref<2x4096xf32, #tpu.memory_space<hbm>> -> memref<1x4096xf32, #tpu.memory_space<hbm>>
        %dma_start3A_775 = tpu.memref_squeeze %dma_start3A_774 : memref<1x4096xf32, #tpu.memory_space<hbm>> -> memref<4096xf32, #tpu.memory_space<hbm>>
        %dma_start3A_776 = arith.constant 0 : i32
        %dma_start3A_777 = tpu.memref_slice %arg2[%arg0, %dma_start3A_776] : memref<2x4096xf32, #tpu.memory_space<hbm>> -> memref<1x4096xf32, #tpu.memory_space<hbm>>
        %dma_start3A_778 = tpu.memref_squeeze %dma_start3A_777 : memref<1x4096xf32, #tpu.memory_space<hbm>> -> memref<4096xf32, #tpu.memory_space<hbm>>
        tpu.enqueue_dma source(%dma_start3A_778 : memref<4096xf32, #tpu.memory_space<hbm>>) target(%arg6 : memref<4096xf32, #tpu.memory_space<vmem>>) target_semaphore(%run_scoped3A : memref<!tpu.dma_semaphore, #tpu.memory_space<semaphore_mem>>)
        %dma_wait3A = arith.constant 0 : i32
        %dma_wait3A_779 = tpu.memref_slice %arg2[%arg0, %dma_wait3A] : memref<2x4096xf32, #tpu.memory_space<hbm>> -> memref<1x4096xf32, #tpu.memory_space<hbm>>
        %dma_wait3A_780 = tpu.memref_squeeze %dma_wait3A_779 : memref<1x4096xf32, #tpu.memory_space<hbm>> -> memref<4096xf32, #tpu.memory_space<hbm>>
        %dma_wait3A_781 = arith.constant 0 : i32
        %dma_wait3A_782 = tpu.memref_slice %arg2[%arg0, %dma_wait3A_781] : memref<2x4096xf32, #tpu.memory_space<hbm>> -> memref<1x4096xf32, #tpu.memory_space<hbm>>
        %dma_wait3A_783 = tpu.memref_squeeze %dma_wait3A_782 : memref<1x4096xf32, #tpu.memory_space<hbm>> -> memref<4096xf32, #tpu.memory_space<hbm>>
        tpu.wait_dma2 semaphore(%run_scoped3A : memref<!tpu.dma_semaphore, #tpu.memory_space<semaphore_mem>>) src(%dma_wait3A_783 : memref<4096xf32, #tpu.memory_space<hbm>>) dst(%arg6 : memref<4096xf32, #tpu.memory_space<vmem>>)
        tpu.yield
      }) : () -> ()
      %broadcast_in_dim3A = arith.constant 1 : i32
      %broadcast_in_dim3A_3 = vector.broadcast %broadcast_in_dim3A : i32 to vector<16xi32>
      %broadcast_in_dim3A_4 = arith.constant 0 : i32
      %broadcast_in_dim3A_5 = vector.broadcast %broadcast_in_dim3A_4 : i32 to vector<16xi32>
      %swap3A = arith.constant 0 : index
      %swap3A_6 = tpu.vector_load %arg13[%swap3A] {strides = array<i32>} : memref<256xi32, #tpu.memory_space<vmem>>, vector<16xi32>,
      tpu.vector_store %arg13[%swap3A], %broadcast_in_dim3A_5 {strides = array<i32>} : memref<256xi32, #tpu.memory_space<vmem>>, vector<16xi32>,
      %broadcast_in_dim3A_7 = arith.constant 0 : i32
      %broadcast_in_dim3A_8 = vector.broadcast %broadcast_in_dim3A_7 : i32 to vector<16xi32>
      %swap3A_9 = arith.constant 16 : index
      %swap3A_10 = tpu.vector_load %arg13[%swap3A_9] {strides = array<i32>} : memref<256xi32, #tpu.memory_space<vmem>>, vector<16xi32>,
      tpu.vector_store %arg13[%swap3A_9], %broadcast_in_dim3A_8 {strides = array<i32>} : memref<256xi32, #tpu.memory_space<vmem>>, vector<16xi32>,
      %broadcast_in_dim3A_11 = arith.constant 0 : i32
      %broadcast_in_dim3A_12 = vector.broadcast %broadcast_in_dim3A_11 : i32 to vector<16xi32>
      %swap3A_13 = arith.constant 32 : index
      %swap3A_14 = tpu.vector_load %arg13[%swap3A_13] {strides = array<i32>} : memref<256xi32, #tpu.memory_space<vmem>>, vector<16xi32>,
      tpu.vector_store %arg13[%swap3A_13], %broadcast_in_dim3A_12 {strides = array<i32>} : memref<256xi32, #tpu.memory_space<vmem>>, vector<16xi32>,
      %broadcast_in_dim3A_15 = arith.constant 0 : i32
      %broadcast_in_dim3A_16 = vector.broadcast %broadcast_in_dim3A_15 : i32 to vector<16xi32>
      %swap3A_17 = arith.constant 48 : index
      %swap3A_18 = tpu.vector_load %arg13[%swap3A_17] {strides = array<i32>} : memref<256xi32, #tpu.memory_space<vmem>>, vector<16xi32>,
      tpu.vector_store %arg13[%swap3A_17], %broadcast_in_dim3A_16 {strides = array<i32>} : memref<256xi32, #tpu.memory_space<vmem>>, vector<16xi32>,
      %broadcast_in_dim3A_19 = arith.constant 0 : i32
      %broadcast_in_dim3A_20 = vector.broadcast %broadcast_in_dim3A_19 : i32 to vector<16xi32>
      %swap3A_21 = arith.constant 64 : index
      %swap3A_22 = tpu.vector_load %arg13[%swap3A_21] {strides = array<i32>} : memref<256xi32, #tpu.memory_space<vmem>>, vector<16xi32>,
      tpu.vector_store %arg13[%swap3A_21], %broadcast_in_dim3A_20 {strides = array<i32>} : memref<256xi32, #tpu.memory_space<vmem>>, vector<16xi32>,
      %broadcast_in_dim3A_23 = arith.constant 0 : i32
      %broadcast_in_dim3A_24 = vector.broadcast %broadcast_in_dim3A_23 : i32 to vector<16xi32>
      %swap3A_25 = arith.constant 80 : index
      %swap3A_26 = tpu.vector_load %arg13[%swap3A_25] {strides = array<i32>} : memref<256xi32, #tpu.memory_space<vmem>>, vector<16xi32>,
      tpu.vector_store %arg13[%swap3A_25], %broadcast_in_dim3A_24 {strides = array<i32>} : memref<256xi32, #tpu.memory_space<vmem>>, vector<16xi32>,
      %broadcast_in_dim3A_27 = arith.constant 0 : i32
      %broadcast_in_dim3A_28 = vector.broadcast %broadcast_in_dim3A_27 : i32 to vector<16xi32>
      %swap3A_29 = arith.constant 96 : index
      %swap3A_30 = tpu.vector_load %arg13[%swap3A_29] {strides = array<i32>} : memref<256xi32, #tpu.memory_space<vmem>>, vector<16xi32>,
      tpu.vector_store %arg13[%swap3A_29], %broadcast_in_dim3A_28 {strides = array<i32>} : memref<256xi32, #tpu.memory_space<vmem>>, vector<16xi32>,
      %broadcast_in_dim3A_31 = arith.constant 0 : i32
      %broadcast_in_dim3A_32 = vector.broadcast %broadcast_in_dim3A_31 : i32 to vector<16xi32>
      %swap3A_33 = arith.constant 112 : index
      %swap3A_34 = tpu.vector_load %arg13[%swap3A_33] {strides = array<i32>} : memref<256xi32, #tpu.memory_space<vmem>>, vector<16xi32>,
      tpu.vector_store %arg13[%swap3A_33], %broadcast_in_dim3A_32 {strides = array<i32>} : memref<256xi32, #tpu.memory_space<vmem>>, vector<16xi32>,
      %broadcast_in_dim3A_35 = arith.constant 0 : i32
      %broadcast_in_dim3A_36 = vector.broadcast %broadcast_in_dim3A_35 : i32 to vector<16xi32>
      %swap3A_37 = arith.constant 128 : index
      %swap3A_38 = tpu.vector_load %arg13[%swap3A_37] {strides = array<i32>} : memref<256xi32, #tpu.memory_space<vmem>>, vector<16xi32>,
      tpu.vector_store %arg13[%swap3A_37], %broadcast_in_dim3A_36 {strides = array<i32>} : memref<256xi32, #tpu.memory_space<vmem>>, vector<16xi32>,
      %broadcast_in_dim3A_39 = arith.constant 0 : i32
      %broadcast_in_dim3A_40 = vector.broadcast %broadcast_in_dim3A_39 : i32 to vector<16xi32>
      %swap3A_41 = arith.constant 144 : index
      %swap3A_42 = tpu.vector_load %arg13[%swap3A_41] {strides = array<i32>} : memref<256xi32, #tpu.memory_space<vmem>>, vector<16xi32>,
      tpu.vector_store %arg13[%swap3A_41], %broadcast_in_dim3A_40 {strides = array<i32>} : memref<256xi32, #tpu.memory_space<vmem>>, vector<16xi32>,
      %broadcast_in_dim3A_43 = arith.constant 0 : i32
      %broadcast_in_dim3A_44 = vector.broadcast %broadcast_in_dim3A_43 : i32 to vector<16xi32>
      %swap3A_45 = arith.constant 160 : index
      %swap3A_46 = tpu.vector_load %arg13[%swap3A_45] {strides = array<i32>} : memref<256xi32, #tpu.memory_space<vmem>>, vector<16xi32>,
      tpu.vector_store %arg13[%swap3A_45], %broadcast_in_dim3A_44 {strides = array<i32>} : memref<256xi32, #tpu.memory_space<vmem>>, vector<16xi32>,
      %broadcast_in_dim3A_47 = arith.constant 0 : i32
      %broadcast_in_dim3A_48 = vector.broadcast %broadcast_in_dim3A_47 : i32 to vector<16xi32>
      %swap3A_49 = arith.constant 176 : index
      %swap3A_50 = tpu.vector_load %arg13[%swap3A_49] {strides = array<i32>} : memref<256xi32, #tpu.memory_space<vmem>>, vector<16xi32>,
      tpu.vector_store %arg13[%swap3A_49], %broadcast_in_dim3A_48 {strides = array<i32>} : memref<256xi32, #tpu.memory_space<vmem>>, vector<16xi32>,
      %broadcast_in_dim3A_51 = arith.constant 0 : i32
      %broadcast_in_dim3A_52 = vector.broadcast %broadcast_in_dim3A_51 : i32 to vector<16xi32>
      %swap3A_53 = arith.constant 192 : index
      %swap3A_54 = tpu.vector_load %arg13[%swap3A_53] {strides = array<i32>} : memref<256xi32, #tpu.memory_space<vmem>>, vector<16xi32>,
      tpu.vector_store %arg13[%swap3A_53], %broadcast_in_dim3A_52 {strides = array<i32>} : memref<256xi32, #tpu.memory_space<vmem>>, vector<16xi32>,
      %broadcast_in_dim3A_55 = arith.constant 0 : i32
      %broadcast_in_dim3A_56 = vector.broadcast %broadcast_in_dim3A_55 : i32 to vector<16xi32>
      %swap3A_57 = arith.constant 208 : index
      %swap3A_58 = tpu.vector_load %arg13[%swap3A_57] {strides = array<i32>} : memref<256xi32, #tpu.memory_space<vmem>>, vector<16xi32>,
      tpu.vector_store %arg13[%swap3A_57], %broadcast_in_dim3A_56 {strides = array<i32>} : memref<256xi32, #tpu.memory_space<vmem>>, vector<16xi32>,
      %broadcast_in_dim3A_59 = arith.constant 0 : i32
      %broadcast_in_dim3A_60 = vector.broadcast %broadcast_in_dim3A_59 : i32 to vector<16xi32>
      %swap3A_61 = arith.constant 224 : index
      %swap3A_62 = tpu.vector_load %arg13[%swap3A_61] {strides = array<i32>} : memref<256xi32, #tpu.memory_space<vmem>>, vector<16xi32>,
      tpu.vector_store %arg13[%swap3A_61], %broadcast_in_dim3A_60 {strides = array<i32>} : memref<256xi32, #tpu.memory_space<vmem>>, vector<16xi32>,
      %broadcast_in_dim3A_63 = arith.constant 0 : i32
      %broadcast_in_dim3A_64 = vector.broadcast %broadcast_in_dim3A_63 : i32 to vector<16xi32>
      %swap3A_65 = arith.constant 240 : index
      %swap3A_66 = tpu.vector_load %arg13[%swap3A_65] {strides = array<i32>} : memref<256xi32, #tpu.memory_space<vmem>>, vector<16xi32>,
      tpu.vector_store %arg13[%swap3A_65], %broadcast_in_dim3A_64 {strides = array<i32>} : memref<256xi32, #tpu.memory_space<vmem>>, vector<16xi32>,
      %scan3A = arith.constant 0 : i32
      %scan3A_67 = arith.constant 0 : i32
      %scan3A_68 = arith.constant 256 : i32
      %scan3A_69 = arith.addi %scan3A_67, %scan3A_68 : i32
      %scan3A_70 = arith.constant 1 : i32
      scf.for %scan3A_774 = %scan3A_67 to %scan3A_69 step %scan3A_70  : i32 {
        %mul3A_775 = arith.constant 16 : i32
        %mul3A_776 = arith.muli %scan3A_774, %mul3A_775 : i32
        %get3A = arith.index_cast %mul3A_776 : i32 to index
        %get3A_777 = tpu.vector_load %arg6[%get3A] {strides = array<i32>} : memref<4096xf32, #tpu.memory_space<vmem>>, vector<16xf32>,
        %bitcast3A = vector.bitcast %get3A_777 : vector<16xf32> to vector<16xi32>
        %shift_right_arithmetic3A = arith.constant 31 : i32
        %shift_right_arithmetic3A_778 = vector.broadcast %shift_right_arithmetic3A : i32 to vector<16xi32>
        %shift_right_arithmetic3A_779 = arith.shrsi %bitcast3A, %shift_right_arithmetic3A_778 : vector<16xi32>
        %or3A_780 = arith.constant -2147483648 : i32
        %or3A_781 = vector.broadcast %or3A_780 : i32 to vector<16xi32>
        %or3A_782 = arith.ori %shift_right_arithmetic3A_779, %or3A_781 : vector<16xi32>
        %xor3A_783 = arith.xori %bitcast3A, %or3A_782 : vector<16xi32>
        %not3A = arith.constant dense<-1> : vector<16xi32>
        %not3A_784 = arith.xori %xor3A_783, %not3A : vector<16xi32>
        %mul3A_785 = arith.constant 16 : i32
        %mul3A_786 = arith.muli %scan3A_774, %mul3A_785 : i32
        %swap3A_787 = arith.index_cast %mul3A_786 : i32 to index
        %swap3A_788 = tpu.vector_load %arg7[%swap3A_787] {strides = array<i32>} : memref<4096xi32, #tpu.memory_space<vmem>>, vector<16xi32>,
        tpu.vector_store %arg7[%swap3A_787], %not3A_784 {strides = array<i32>} : memref<4096xi32, #tpu.memory_space<vmem>>, vector<16xi32>,
        %shift_right_logical3A_789 = arith.constant 24 : i32
        %shift_right_logical3A_790 = vector.broadcast %shift_right_logical3A_789 : i32 to vector<16xi32>
        %shift_right_logical3A_791 = arith.shrui %not3A_784, %shift_right_logical3A_790 : vector<16xi32>
        tpu.vector_store_idx %arg13[%shift_right_logical3A_791], %broadcast_in_dim3A_3 {add = true} : memref<256xi32, #tpu.memory_space<vmem>>[vector<16xi32>], vector<16xi32>,
      }
      %scan3A_71 = arith.constant 256 : i32
      %scan3A_72 = arith.constant 512 : i32
      %scan3A_73 = arith.constant 0 : i32
      %scan3A_74 = arith.constant -1 : i32
      %scan3A_75 = arith.constant -1 : i32
      %scan3A_76 = arith.constant 0 : i32
      %scan3A_77 = arith.constant 16 : i32
      %scan3A_78 = arith.addi %scan3A_76, %scan3A_77 : i32
      %scan3A_79 = arith.constant 1 : i32
      %scan3A_80:3 = scf.for %scan3A_774 = %scan3A_76 to %scan3A_78 step %scan3A_79 iter_args(%scan3A_775 = %scan3A_73, %scan3A_776 = %scan3A_74, %scan3A_777 = %scan3A_75) -> (i32, i32, i32)  : i32 {
        %mul3A_778 = arith.constant 16 : i32
        %mul3A_779 = arith.muli %scan3A_774, %mul3A_778 : i32
        %get3A = arith.index_cast %mul3A_779 : i32 to index
        %get3A_780 = tpu.vector_load %arg13[%get3A] {strides = array<i32>} : memref<256xi32, #tpu.memory_space<vmem>>, vector<16xi32>,
        %broadcast_in_dim3A_781 = arith.constant true
        %broadcast_in_dim3A_782 = vector.broadcast %broadcast_in_dim3A_781 : i1 to vector<16xi1>
        %masked_cumsum3A = tpu.scan <sum>, %get3A_780 masked %broadcast_in_dim3A_782 : vector<16xi32>, vector<16xi1> -> vector<16xi32>
        %sub3A_783 = arith.subi %masked_cumsum3A, %get3A_780 : vector<16xi32>
        %add3A_784 = vector.broadcast %scan3A_775 : i32 to vector<16xi32>
        %add3A_785 = arith.addi %sub3A_783, %add3A_784 : vector<16xi32>
        %lt3A_786 = vector.broadcast %scan3A_72 : i32 to vector<16xi32>
        %lt3A_787 = arith.cmpi slt, %add3A_785, %lt3A_786 : vector<16xi32>
        %add3A_788 = arith.addi %add3A_785, %get3A_780 : vector<16xi32>
        %ge3A = vector.broadcast %scan3A_72 : i32 to vector<16xi32>
        %ge3A_789 = arith.cmpi sge, %add3A_788, %ge3A : vector<16xi32>
        %and3A_790 = arith.andi %lt3A_787, %ge3A_789 : vector<16xi1>
        %iota3A = tpu.iota {dimensions = array<i32: 0>} : vector<16xi32>
        %mul3A_791 = arith.constant 16 : i32
        %mul3A_792 = arith.muli %scan3A_774, %mul3A_791 : i32
        %add3A_793 = vector.broadcast %mul3A_792 : i32 to vector<16xi32>
        %add3A_794 = arith.addi %iota3A, %add3A_793 : vector<16xi32>
        %jit3A = arith.constant -1 : i32
        %broadcast_in_dim3A_795 = vector.broadcast %jit3A : i32 to vector<16xi32>
        %select_n3A = arith.select %and3A_790, %add3A_794, %broadcast_in_dim3A_795 : vector<16xi1>, vector<16xi32>
        %reduce_max3A_796 = arith.constant true
        %reduce_max3A_797 = vector.broadcast %reduce_max3A_796 : i1 to vector<16xi1>
        %reduce_max3A_798 = arith.constant -2147483648 : i32
        %reduce_max3A_799 = vector.broadcast %reduce_max3A_798 : i32 to vector<16xi32>
        %reduce_max3A_800 = arith.xori %select_n3A, %reduce_max3A_799 : vector<16xi32>
        %reduce_max3A_801 = tpu.scan <max>, %reduce_max3A_800 masked %reduce_max3A_797 : vector<16xi32>, vector<16xi1> -> vector<16xi32>
        %reduce_max3A_802 = arith.xori %reduce_max3A_801, %reduce_max3A_799 : vector<16xi32>
        %reduce_max3A_803 = vector.extract %reduce_max3A_802[15] : i32 from vector<16xi32>
        %max3A = arith.maxsi %scan3A_776, %reduce_max3A_803 : i32
        %jit3A_804 = arith.constant -1 : i32
        %broadcast_in_dim3A_805 = vector.broadcast %jit3A_804 : i32 to vector<16xi32>
        %select_n3A_806 = arith.select %and3A_790, %add3A_785, %broadcast_in_dim3A_805 : vector<16xi1>, vector<16xi32>
        %reduce_max3A_807 = arith.constant true
        %reduce_max3A_808 = vector.broadcast %reduce_max3A_807 : i1 to vector<16xi1>
        %reduce_max3A_809 = arith.constant -2147483648 : i32
        %reduce_max3A_810 = vector.broadcast %reduce_max3A_809 : i32 to vector<16xi32>
        %reduce_max3A_811 = arith.xori %select_n3A_806, %reduce_max3A_810 : vector<16xi32>
        %reduce_max3A_812 = tpu.scan <max>, %reduce_max3A_811 masked %reduce_max3A_808 : vector<16xi32>, vector<16xi1> -> vector<16xi32>
        %reduce_max3A_813 = arith.xori %reduce_max3A_812, %reduce_max3A_810 : vector<16xi32>
        %reduce_max3A_814 = vector.extract %reduce_max3A_813[15] : i32 from vector<16xi32>
        %max3A_815 = arith.maxsi %scan3A_777, %reduce_max3A_814 : i32
        %reduce_sum3A_816 = arith.constant true
        %reduce_sum3A_817 = vector.broadcast %reduce_sum3A_816 : i1 to vector<16xi1>
        %reduce_sum3A_818 = tpu.scan <sum>, %get3A_780 masked %reduce_sum3A_817 : vector<16xi32>, vector<16xi1> -> vector<16xi32>
        %reduce_sum3A_819 = vector.extract %reduce_sum3A_818[15] : i32 from vector<16xi32>
        %add3A_820 = arith.addi %scan3A_775, %reduce_sum3A_819 : i32
        scf.yield %add3A_820, %max3A, %max3A_815 : i32, i32, i32
      }
      %scan3A_81 = arith.constant 16 : i32
      %sub3A = arith.constant 512 : i32
      %sub3A_82 = arith.subi %sub3A, %scan3A_80#2 : i32
      %shift_left3A = arith.constant 24 : i32
      %shift_left3A_83 = arith.shli %scan3A_80#1, %shift_left3A : i32
      %broadcast_in_dim3A_84 = arith.constant 1 : i32
      %broadcast_in_dim3A_85 = vector.broadcast %broadcast_in_dim3A_84 : i32 to vector<16xi32>
      %mul3A = vector.broadcast %scan3A_80#1 : i32 to vector<16xi32>
      %mul3A_86 = arith.muli %broadcast_in_dim3A_85, %mul3A : vector<16xi32>
      %broadcast_in_dim3A_87 = arith.constant 0 : i32
      %broadcast_in_dim3A_88 = vector.broadcast %broadcast_in_dim3A_87 : i32 to vector<16xi32>
      %scan3A_89 = arith.constant 0 : i32
      %scan3A_90 = arith.constant 256 : i32
      %scan3A_91 = arith.addi %scan3A_89, %scan3A_90 : i32
      %scan3A_92 = arith.constant 1 : i32
      %scan3A_93 = scf.for %scan3A_774 = %scan3A_89 to %scan3A_91 step %scan3A_92 iter_args(%scan3A_775 = %broadcast_in_dim3A_88) -> (vector<16xi32>)  : i32 {
        %mul3A_776 = arith.constant 16 : i32
        %mul3A_777 = arith.muli %scan3A_774, %mul3A_776 : i32
        %get3A = arith.index_cast %mul3A_777 : i32 to index
        %get3A_778 = tpu.vector_load %arg7[%get3A] {strides = array<i32>} : memref<4096xi32, #tpu.memory_space<vmem>>, vector<16xi32>,
        %shift_right_logical3A_779 = arith.constant 24 : i32
        %shift_right_logical3A_780 = vector.broadcast %shift_right_logical3A_779 : i32 to vector<16xi32>
        %shift_right_logical3A_781 = arith.shrui %get3A_778, %shift_right_logical3A_780 : vector<16xi32>
        %eq3A_782 = arith.cmpi eq, %shift_right_logical3A_781, %mul3A_86 : vector<16xi32>
        %convert_element_type3A_783 = arith.extui %eq3A_782 : vector<16xi1> to vector<16xi32>
        %broadcast_in_dim3A_784 = arith.constant true
        %broadcast_in_dim3A_785 = vector.broadcast %broadcast_in_dim3A_784 : i1 to vector<16xi1>
        %masked_cumsum3A = tpu.scan <sum>, %convert_element_type3A_783 masked %broadcast_in_dim3A_785 : vector<16xi32>, vector<16xi1> -> vector<16xi32>
        %add3A_786 = arith.addi %scan3A_775, %masked_cumsum3A : vector<16xi32>
        %sub3A_787 = arith.constant 1 : i32
        %sub3A_788 = vector.broadcast %sub3A_787 : i32 to vector<16xi32>
        %sub3A_789 = arith.subi %add3A_786, %sub3A_788 : vector<16xi32>
        %iota3A = tpu.iota {dimensions = array<i32: 0>} : vector<16xi32>
        %mul3A_790 = arith.constant 16 : i32
        %mul3A_791 = arith.muli %scan3A_774, %mul3A_790 : i32
        %add3A_792 = vector.broadcast %mul3A_791 : i32 to vector<16xi32>
        %add3A_793 = arith.addi %iota3A, %add3A_792 : vector<16xi32>
        tpu.vector_store_idx %arg11[%sub3A_789], %get3A_778 masked %eq3A_782 : memref<4096xi32, #tpu.memory_space<vmem>>[vector<16xi32>], vector<16xi32>, vector<16xi1>
        tpu.vector_store_idx %arg12[%sub3A_789], %add3A_793 masked %eq3A_782 : memref<4096xi32, #tpu.memory_space<vmem>>[vector<16xi32>], vector<16xi32>, vector<16xi1>
        %all_reduce_population_count3A = tpu.all_reduce %eq3A_782 {dim = 0 : i64, kind = #tpu.reduction_kind<sum>} : vector<16xi1> -> vector<16xi32>
        %add3A_794 = arith.addi %scan3A_775, %all_reduce_population_count3A : vector<16xi32>
        scf.yield %add3A_794 : vector<16xi32>
      }
      %scan3A_94 = arith.constant 256 : i32
      %reduce_max3A = arith.constant true
      %reduce_max3A_95 = vector.broadcast %reduce_max3A : i1 to vector<16xi1>
      %reduce_max3A_96 = arith.constant -2147483648 : i32
      %reduce_max3A_97 = vector.broadcast %reduce_max3A_96 : i32 to vector<16xi32>
      %reduce_max3A_98 = arith.xori %scan3A_93, %reduce_max3A_97 : vector<16xi32>
      %reduce_max3A_99 = tpu.scan <max>, %reduce_max3A_98 masked %reduce_max3A_95 : vector<16xi32>, vector<16xi1> -> vector<16xi32>
      %reduce_max3A_100 = arith.xori %reduce_max3A_99, %reduce_max3A_97 : vector<16xi32>
      %reduce_max3A_101 = vector.extract %reduce_max3A_100[15] : i32 from vector<16xi32>
      %add3A = arith.constant 15 : i32
      %add3A_102 = arith.addi %reduce_max3A_101, %add3A : i32
      %shift_right_logical3A = arith.constant 4 : i32
      %shift_right_logical3A_103 = arith.shrui %add3A_102, %shift_right_logical3A : i32
      %broadcast_in_dim3A_104 = arith.constant 0 : i32
      %broadcast_in_dim3A_105 = vector.broadcast %broadcast_in_dim3A_104 : i32 to vector<16xi32>
      %swap3A_106 = arith.constant 0 : index
      %swap3A_107 = tpu.vector_load %arg13[%swap3A_106] {strides = array<i32>} : memref<256xi32, #tpu.memory_space<vmem>>, vector<16xi32>,
      tpu.vector_store %arg13[%swap3A_106], %broadcast_in_dim3A_105 {strides = array<i32>} : memref<256xi32, #tpu.memory_space<vmem>>, vector<16xi32>,
      %broadcast_in_dim3A_108 = arith.constant 0 : i32
      %broadcast_in_dim3A_109 = vector.broadcast %broadcast_in_dim3A_108 : i32 to vector<16xi32>
      %swap3A_110 = arith.constant 16 : index
      %swap3A_111 = tpu.vector_load %arg13[%swap3A_110] {strides = array<i32>} : memref<256xi32, #tpu.memory_space<vmem>>, vector<16xi32>,
      tpu.vector_store %arg13[%swap3A_110], %broadcast_in_dim3A_109 {strides = array<i32>} : memref<256xi32, #tpu.memory_space<vmem>>, vector<16xi32>,
      %broadcast_in_dim3A_112 = arith.constant 0 : i32
      %broadcast_in_dim3A_113 = vector.broadcast %broadcast_in_dim3A_112 : i32 to vector<16xi32>
      %swap3A_114 = arith.constant 32 : index
      %swap3A_115 = tpu.vector_load %arg13[%swap3A_114] {strides = array<i32>} : memref<256xi32, #tpu.memory_space<vmem>>, vector<16xi32>,
      tpu.vector_store %arg13[%swap3A_114], %broadcast_in_dim3A_113 {strides = array<i32>} : memref<256xi32, #tpu.memory_space<vmem>>, vector<16xi32>,
      %broadcast_in_dim3A_116 = arith.constant 0 : i32
      %broadcast_in_dim3A_117 = vector.broadcast %broadcast_in_dim3A_116 : i32 to vector<16xi32>
      %swap3A_118 = arith.constant 48 : index
      %swap3A_119 = tpu.vector_load %arg13[%swap3A_118] {strides = array<i32>} : memref<256xi32, #tpu.memory_space<vmem>>, vector<16xi32>,
      tpu.vector_store %arg13[%swap3A_118], %broadcast_in_dim3A_117 {strides = array<i32>} : memref<256xi32, #tpu.memory_space<vmem>>, vector<16xi32>,
      %broadcast_in_dim3A_120 = arith.constant 0 : i32
      %broadcast_in_dim3A_121 = vector.broadcast %broadcast_in_dim3A_120 : i32 to vector<16xi32>
      %swap3A_122 = arith.constant 64 : index
      %swap3A_123 = tpu.vector_load %arg13[%swap3A_122] {strides = array<i32>} : memref<256xi32, #tpu.memory_space<vmem>>, vector<16xi32>,
      tpu.vector_store %arg13[%swap3A_122], %broadcast_in_dim3A_121 {strides = array<i32>} : memref<256xi32, #tpu.memory_space<vmem>>, vector<16xi32>,
      %broadcast_in_dim3A_124 = arith.constant 0 : i32
      %broadcast_in_dim3A_125 = vector.broadcast %broadcast_in_dim3A_124 : i32 to vector<16xi32>
      %swap3A_126 = arith.constant 80 : index
      %swap3A_127 = tpu.vector_load %arg13[%swap3A_126] {strides = array<i32>} : memref<256xi32, #tpu.memory_space<vmem>>, vector<16xi32>,
      tpu.vector_store %arg13[%swap3A_126], %broadcast_in_dim3A_125 {strides = array<i32>} : memref<256xi32, #tpu.memory_space<vmem>>, vector<16xi32>,
      %broadcast_in_dim3A_128 = arith.constant 0 : i32
      %broadcast_in_dim3A_129 = vector.broadcast %broadcast_in_dim3A_128 : i32 to vector<16xi32>
      %swap3A_130 = arith.constant 96 : index
      %swap3A_131 = tpu.vector_load %arg13[%swap3A_130] {strides = array<i32>} : memref<256xi32, #tpu.memory_space<vmem>>, vector<16xi32>,
      tpu.vector_store %arg13[%swap3A_130], %broadcast_in_dim3A_129 {strides = array<i32>} : memref<256xi32, #tpu.memory_space<vmem>>, vector<16xi32>,
      %broadcast_in_dim3A_132 = arith.constant 0 : i32
      %broadcast_in_dim3A_133 = vector.broadcast %broadcast_in_dim3A_132 : i32 to vector<16xi32>
      %swap3A_134 = arith.constant 112 : index
      %swap3A_135 = tpu.vector_load %arg13[%swap3A_134] {strides = array<i32>} : memref<256xi32, #tpu.memory_space<vmem>>, vector<16xi32>,
      tpu.vector_store %arg13[%swap3A_134], %broadcast_in_dim3A_133 {strides = array<i32>} : memref<256xi32, #tpu.memory_space<vmem>>, vector<16xi32>,
      %broadcast_in_dim3A_136 = arith.constant 0 : i32
      %broadcast_in_dim3A_137 = vector.broadcast %broadcast_in_dim3A_136 : i32 to vector<16xi32>
      %swap3A_138 = arith.constant 128 : index
      %swap3A_139 = tpu.vector_load %arg13[%swap3A_138] {strides = array<i32>} : memref<256xi32, #tpu.memory_space<vmem>>, vector<16xi32>,
      tpu.vector_store %arg13[%swap3A_138], %broadcast_in_dim3A_137 {strides = array<i32>} : memref<256xi32, #tpu.memory_space<vmem>>, vector<16xi32>,
      %broadcast_in_dim3A_140 = arith.constant 0 : i32
      %broadcast_in_dim3A_141 = vector.broadcast %broadcast_in_dim3A_140 : i32 to vector<16xi32>
      %swap3A_142 = arith.constant 144 : index
      %swap3A_143 = tpu.vector_load %arg13[%swap3A_142] {strides = array<i32>} : memref<256xi32, #tpu.memory_space<vmem>>, vector<16xi32>,
      tpu.vector_store %arg13[%swap3A_142], %broadcast_in_dim3A_141 {strides = array<i32>} : memref<256xi32, #tpu.memory_space<vmem>>, vector<16xi32>,
      %broadcast_in_dim3A_144 = arith.constant 0 : i32
      %broadcast_in_dim3A_145 = vector.broadcast %broadcast_in_dim3A_144 : i32 to vector<16xi32>
      %swap3A_146 = arith.constant 160 : index
      %swap3A_147 = tpu.vector_load %arg13[%swap3A_146] {strides = array<i32>} : memref<256xi32, #tpu.memory_space<vmem>>, vector<16xi32>,
      tpu.vector_store %arg13[%swap3A_146], %broadcast_in_dim3A_145 {strides = array<i32>} : memref<256xi32, #tpu.memory_space<vmem>>, vector<16xi32>,
      %broadcast_in_dim3A_148 = arith.constant 0 : i32
      %broadcast_in_dim3A_149 = vector.broadcast %broadcast_in_dim3A_148 : i32 to vector<16xi32>
      %swap3A_150 = arith.constant 176 : index
      %swap3A_151 = tpu.vector_load %arg13[%swap3A_150] {strides = array<i32>} : memref<256xi32, #tpu.memory_space<vmem>>, vector<16xi32>,
      tpu.vector_store %arg13[%swap3A_150], %broadcast_in_dim3A_149 {strides = array<i32>} : memref<256xi32, #tpu.memory_space<vmem>>, vector<16xi32>,
      %broadcast_in_dim3A_152 = arith.constant 0 : i32
      %broadcast_in_dim3A_153 = vector.broadcast %broadcast_in_dim3A_152 : i32 to vector<16xi32>
      %swap3A_154 = arith.constant 192 : index
      %swap3A_155 = tpu.vector_load %arg13[%swap3A_154] {strides = array<i32>} : memref<256xi32, #tpu.memory_space<vmem>>, vector<16xi32>,
      tpu.vector_store %arg13[%swap3A_154], %broadcast_in_dim3A_153 {strides = array<i32>} : memref<256xi32, #tpu.memory_space<vmem>>, vector<16xi32>,
      %broadcast_in_dim3A_156 = arith.constant 0 : i32
      %broadcast_in_dim3A_157 = vector.broadcast %broadcast_in_dim3A_156 : i32 to vector<16xi32>
      %swap3A_158 = arith.constant 208 : index
      %swap3A_159 = tpu.vector_load %arg13[%swap3A_158] {strides = array<i32>} : memref<256xi32, #tpu.memory_space<vmem>>, vector<16xi32>,
      tpu.vector_store %arg13[%swap3A_158], %broadcast_in_dim3A_157 {strides = array<i32>} : memref<256xi32, #tpu.memory_space<vmem>>, vector<16xi32>,
      %broadcast_in_dim3A_160 = arith.constant 0 : i32
      %broadcast_in_dim3A_161 = vector.broadcast %broadcast_in_dim3A_160 : i32 to vector<16xi32>
      %swap3A_162 = arith.constant 224 : index
      %swap3A_163 = tpu.vector_load %arg13[%swap3A_162] {strides = array<i32>} : memref<256xi32, #tpu.memory_space<vmem>>, vector<16xi32>,
      tpu.vector_store %arg13[%swap3A_162], %broadcast_in_dim3A_161 {strides = array<i32>} : memref<256xi32, #tpu.memory_space<vmem>>, vector<16xi32>,
      %broadcast_in_dim3A_164 = arith.constant 0 : i32
      %broadcast_in_dim3A_165 = vector.broadcast %broadcast_in_dim3A_164 : i32 to vector<16xi32>
      %swap3A_166 = arith.constant 240 : index
      %swap3A_167 = tpu.vector_load %arg13[%swap3A_166] {strides = array<i32>} : memref<256xi32, #tpu.memory_space<vmem>>, vector<16xi32>,
      tpu.vector_store %arg13[%swap3A_166], %broadcast_in_dim3A_165 {strides = array<i32>} : memref<256xi32, #tpu.memory_space<vmem>>, vector<16xi32>,
      %broadcast_in_dim3A_168 = arith.constant 1 : i32
      %broadcast_in_dim3A_169 = vector.broadcast %broadcast_in_dim3A_168 : i32 to vector<16xi32>
      %mul3A_170 = vector.broadcast %reduce_max3A_101 : i32 to vector<16xi32>
      %mul3A_171 = arith.muli %broadcast_in_dim3A_169, %mul3A_170 : vector<16xi32>
      %while3A = arith.constant 0 : i32
      %while3A_172 = arith.constant -16777216 : i32
      %while3A_173 = arith.constant 0 : i32
      %while3A_174 = arith.subi %shift_right_logical3A_103, %while3A_173 : i32
      %while3A_175 = arith.addi %while3A_173, %while3A_174 : i32
      %while3A_176 = arith.constant 1 : i32
      %while3A_177 = arith.divsi %while3A_174, %while3A_176 : i32
      %while3A_178 = arith.muli %while3A_177, %while3A_176 : i32
      %while3A_179 = arith.addi %while3A_173, %while3A_178 : i32
      %while3A_180 = arith.constant 1 : i32
      scf.for %while3A_774 = %while3A_173 to %while3A_179 step %while3A_180  : i32 {
        %mul3A_775 = arith.constant 16 : i32
        %mul3A_776 = arith.muli %while3A_774, %mul3A_775 : i32
        %get3A = arith.index_cast %mul3A_776 : i32 to index
        %get3A_777 = tpu.vector_load %arg11[%get3A] {strides = array<i32>} : memref<4096xi32, #tpu.memory_space<vmem>>, vector<16xi32>,
        %iota3A = tpu.iota {dimensions = array<i32: 0>} : vector<16xi32>
        %mul3A_778 = arith.constant 16 : i32
        %mul3A_779 = arith.muli %while3A_774, %mul3A_778 : i32
        %add3A_780 = vector.broadcast %mul3A_779 : i32 to vector<16xi32>
        %add3A_781 = arith.addi %iota3A, %add3A_780 : vector<16xi32>
        %and3A_782 = vector.broadcast %while3A_172 : i32 to vector<16xi32>
        %and3A_783 = arith.andi %get3A_777, %and3A_782 : vector<16xi32>
        %eq3A_784 = vector.broadcast %shift_left3A_83 : i32 to vector<16xi32>
        %eq3A_785 = arith.cmpi eq, %and3A_783, %eq3A_784 : vector<16xi32>
        %lt3A_786 = arith.cmpi slt, %add3A_781, %mul3A_171 : vector<16xi32>
        %and3A_787 = arith.andi %eq3A_785, %lt3A_786 : vector<16xi1>
        %shift_right_logical3A_788 = arith.constant 16 : i32
        %shift_right_logical3A_789 = vector.broadcast %shift_right_logical3A_788 : i32 to vector<16xi32>
        %shift_right_logical3A_790 = arith.shrui %get3A_777, %shift_right_logical3A_789 : vector<16xi32>
        %and3A_791 = arith.constant 255 : i32
        %and3A_792 = vector.broadcast %and3A_791 : i32 to vector<16xi32>
        %and3A_793 = arith.andi %shift_right_logical3A_790, %and3A_792 : vector<16xi32>
        tpu.vector_store_idx %arg13[%and3A_793], %broadcast_in_dim3A_3 masked %and3A_787 {add = true} : memref<256xi32, #tpu.memory_space<vmem>>[vector<16xi32>], vector<16xi32>, vector<16xi1>
      }
      %while3A_181 = arith.constant 1 : i32
      scf.for %while3A_774 = %while3A_179 to %while3A_175 step %while3A_181  : i32 {
        %mul3A_775 = arith.constant 16 : i32
        %mul3A_776 = arith.muli %while3A_774, %mul3A_775 : i32
        %get3A = arith.index_cast %mul3A_776 : i32 to index
        %get3A_777 = tpu.vector_load %arg11[%get3A] {strides = array<i32>} : memref<4096xi32, #tpu.memory_space<vmem>>, vector<16xi32>,
        %iota3A = tpu.iota {dimensions = array<i32: 0>} : vector<16xi32>
        %mul3A_778 = arith.constant 16 : i32
        %mul3A_779 = arith.muli %while3A_774, %mul3A_778 : i32
        %add3A_780 = vector.broadcast %mul3A_779 : i32 to vector<16xi32>
        %add3A_781 = arith.addi %iota3A, %add3A_780 : vector<16xi32>
        %and3A_782 = vector.broadcast %while3A_172 : i32 to vector<16xi32>
        %and3A_783 = arith.andi %get3A_777, %and3A_782 : vector<16xi32>
        %eq3A_784 = vector.broadcast %shift_left3A_83 : i32 to vector<16xi32>
        %eq3A_785 = arith.cmpi eq, %and3A_783, %eq3A_784 : vector<16xi32>
        %lt3A_786 = arith.cmpi slt, %add3A_781, %mul3A_171 : vector<16xi32>
        %and3A_787 = arith.andi %eq3A_785, %lt3A_786 : vector<16xi1>
        %shift_right_logical3A_788 = arith.constant 16 : i32
        %shift_right_logical3A_789 = vector.broadcast %shift_right_logical3A_788 : i32 to vector<16xi32>
        %shift_right_logical3A_790 = arith.shrui %get3A_777, %shift_right_logical3A_789 : vector<16xi32>
        %and3A_791 = arith.constant 255 : i32
        %and3A_792 = vector.broadcast %and3A_791 : i32 to vector<16xi32>
        %and3A_793 = arith.andi %shift_right_logical3A_790, %and3A_792 : vector<16xi32>
        tpu.vector_store_idx %arg13[%and3A_793], %broadcast_in_dim3A_3 masked %and3A_787 {add = true} : memref<256xi32, #tpu.memory_space<vmem>>[vector<16xi32>], vector<16xi32>, vector<16xi1>
      }
      %scan3A_182 = arith.constant 0 : i32
      %scan3A_183 = arith.constant -1 : i32
      %scan3A_184 = arith.constant -1 : i32
      %scan3A_185 = arith.constant 0 : i32
      %scan3A_186 = arith.constant 16 : i32
      %scan3A_187 = arith.addi %scan3A_185, %scan3A_186 : i32
      %scan3A_188 = arith.constant 1 : i32
      %scan3A_189:3 = scf.for %scan3A_774 = %scan3A_185 to %scan3A_187 step %scan3A_188 iter_args(%scan3A_775 = %scan3A_182, %scan3A_776 = %scan3A_183, %scan3A_777 = %scan3A_184) -> (i32, i32, i32)  : i32 {
        %mul3A_778 = arith.constant 16 : i32
        %mul3A_779 = arith.muli %scan3A_774, %mul3A_778 : i32
        %get3A = arith.index_cast %mul3A_779 : i32 to index
        %get3A_780 = tpu.vector_load %arg13[%get3A] {strides = array<i32>} : memref<256xi32, #tpu.memory_space<vmem>>, vector<16xi32>,
        %broadcast_in_dim3A_781 = arith.constant true
        %broadcast_in_dim3A_782 = vector.broadcast %broadcast_in_dim3A_781 : i1 to vector<16xi1>
        %masked_cumsum3A = tpu.scan <sum>, %get3A_780 masked %broadcast_in_dim3A_782 : vector<16xi32>, vector<16xi1> -> vector<16xi32>
        %sub3A_783 = arith.subi %masked_cumsum3A, %get3A_780 : vector<16xi32>
        %add3A_784 = vector.broadcast %scan3A_775 : i32 to vector<16xi32>
        %add3A_785 = arith.addi %sub3A_783, %add3A_784 : vector<16xi32>
        %lt3A_786 = vector.broadcast %sub3A_82 : i32 to vector<16xi32>
        %lt3A_787 = arith.cmpi slt, %add3A_785, %lt3A_786 : vector<16xi32>
        %add3A_788 = arith.addi %add3A_785, %get3A_780 : vector<16xi32>
        %ge3A = vector.broadcast %sub3A_82 : i32 to vector<16xi32>
        %ge3A_789 = arith.cmpi sge, %add3A_788, %ge3A : vector<16xi32>
        %and3A_790 = arith.andi %lt3A_787, %ge3A_789 : vector<16xi1>
        %iota3A = tpu.iota {dimensions = array<i32: 0>} : vector<16xi32>
        %mul3A_791 = arith.constant 16 : i32
        %mul3A_792 = arith.muli %scan3A_774, %mul3A_791 : i32
        %add3A_793 = vector.broadcast %mul3A_792 : i32 to vector<16xi32>
        %add3A_794 = arith.addi %iota3A, %add3A_793 : vector<16xi32>
        %jit3A = arith.constant -1 : i32
        %broadcast_in_dim3A_795 = vector.broadcast %jit3A : i32 to vector<16xi32>
        %select_n3A = arith.select %and3A_790, %add3A_794, %broadcast_in_dim3A_795 : vector<16xi1>, vector<16xi32>
        %reduce_max3A_796 = arith.constant true
        %reduce_max3A_797 = vector.broadcast %reduce_max3A_796 : i1 to vector<16xi1>
        %reduce_max3A_798 = arith.constant -2147483648 : i32
        %reduce_max3A_799 = vector.broadcast %reduce_max3A_798 : i32 to vector<16xi32>
        %reduce_max3A_800 = arith.xori %select_n3A, %reduce_max3A_799 : vector<16xi32>
        %reduce_max3A_801 = tpu.scan <max>, %reduce_max3A_800 masked %reduce_max3A_797 : vector<16xi32>, vector<16xi1> -> vector<16xi32>
        %reduce_max3A_802 = arith.xori %reduce_max3A_801, %reduce_max3A_799 : vector<16xi32>
        %reduce_max3A_803 = vector.extract %reduce_max3A_802[15] : i32 from vector<16xi32>
        %max3A = arith.maxsi %scan3A_776, %reduce_max3A_803 : i32
        %jit3A_804 = arith.constant -1 : i32
        %broadcast_in_dim3A_805 = vector.broadcast %jit3A_804 : i32 to vector<16xi32>
        %select_n3A_806 = arith.select %and3A_790, %add3A_785, %broadcast_in_dim3A_805 : vector<16xi1>, vector<16xi32>
        %reduce_max3A_807 = arith.constant true
        %reduce_max3A_808 = vector.broadcast %reduce_max3A_807 : i1 to vector<16xi1>
        %reduce_max3A_809 = arith.constant -2147483648 : i32
        %reduce_max3A_810 = vector.broadcast %reduce_max3A_809 : i32 to vector<16xi32>
        %reduce_max3A_811 = arith.xori %select_n3A_806, %reduce_max3A_810 : vector<16xi32>
        %reduce_max3A_812 = tpu.scan <max>, %reduce_max3A_811 masked %reduce_max3A_808 : vector<16xi32>, vector<16xi1> -> vector<16xi32>
        %reduce_max3A_813 = arith.xori %reduce_max3A_812, %reduce_max3A_810 : vector<16xi32>
        %reduce_max3A_814 = vector.extract %reduce_max3A_813[15] : i32 from vector<16xi32>
        %max3A_815 = arith.maxsi %scan3A_777, %reduce_max3A_814 : i32
        %reduce_sum3A_816 = arith.constant true
        %reduce_sum3A_817 = vector.broadcast %reduce_sum3A_816 : i1 to vector<16xi1>
        %reduce_sum3A_818 = tpu.scan <sum>, %get3A_780 masked %reduce_sum3A_817 : vector<16xi32>, vector<16xi1> -> vector<16xi32>
        %reduce_sum3A_819 = vector.extract %reduce_sum3A_818[15] : i32 from vector<16xi32>
        %add3A_820 = arith.addi %scan3A_775, %reduce_sum3A_819 : i32
        scf.yield %add3A_820, %max3A, %max3A_815 : i32, i32, i32
      }
      %scan3A_190 = arith.constant 16 : i32
      %shift_left3A_191 = arith.constant 16 : i32
      %shift_left3A_192 = arith.shli %scan3A_189#1, %shift_left3A_191 : i32
      %or3A = arith.ori %shift_left3A_83, %shift_left3A_192 : i32
      %sub3A_193 = arith.subi %sub3A_82, %scan3A_189#2 : i32
      %broadcast_in_dim3A_194 = arith.constant 0 : i32
      %broadcast_in_dim3A_195 = vector.broadcast %broadcast_in_dim3A_194 : i32 to vector<16xi32>
      %swap3A_196 = arith.constant 0 : index
      %swap3A_197 = tpu.vector_load %arg13[%swap3A_196] {strides = array<i32>} : memref<256xi32, #tpu.memory_space<vmem>>, vector<16xi32>,
      tpu.vector_store %arg13[%swap3A_196], %broadcast_in_dim3A_195 {strides = array<i32>} : memref<256xi32, #tpu.memory_space<vmem>>, vector<16xi32>,
      %broadcast_in_dim3A_198 = arith.constant 0 : i32
      %broadcast_in_dim3A_199 = vector.broadcast %broadcast_in_dim3A_198 : i32 to vector<16xi32>
      %swap3A_200 = arith.constant 16 : index
      %swap3A_201 = tpu.vector_load %arg13[%swap3A_200] {strides = array<i32>} : memref<256xi32, #tpu.memory_space<vmem>>, vector<16xi32>,
      tpu.vector_store %arg13[%swap3A_200], %broadcast_in_dim3A_199 {strides = array<i32>} : memref<256xi32, #tpu.memory_space<vmem>>, vector<16xi32>,
      %broadcast_in_dim3A_202 = arith.constant 0 : i32
      %broadcast_in_dim3A_203 = vector.broadcast %broadcast_in_dim3A_202 : i32 to vector<16xi32>
      %swap3A_204 = arith.constant 32 : index
      %swap3A_205 = tpu.vector_load %arg13[%swap3A_204] {strides = array<i32>} : memref<256xi32, #tpu.memory_space<vmem>>, vector<16xi32>,
      tpu.vector_store %arg13[%swap3A_204], %broadcast_in_dim3A_203 {strides = array<i32>} : memref<256xi32, #tpu.memory_space<vmem>>, vector<16xi32>,
      %broadcast_in_dim3A_206 = arith.constant 0 : i32
      %broadcast_in_dim3A_207 = vector.broadcast %broadcast_in_dim3A_206 : i32 to vector<16xi32>
      %swap3A_208 = arith.constant 48 : index
      %swap3A_209 = tpu.vector_load %arg13[%swap3A_208] {strides = array<i32>} : memref<256xi32, #tpu.memory_space<vmem>>, vector<16xi32>,
      tpu.vector_store %arg13[%swap3A_208], %broadcast_in_dim3A_207 {strides = array<i32>} : memref<256xi32, #tpu.memory_space<vmem>>, vector<16xi32>,
      %broadcast_in_dim3A_210 = arith.constant 0 : i32
      %broadcast_in_dim3A_211 = vector.broadcast %broadcast_in_dim3A_210 : i32 to vector<16xi32>
      %swap3A_212 = arith.constant 64 : index
      %swap3A_213 = tpu.vector_load %arg13[%swap3A_212] {strides = array<i32>} : memref<256xi32, #tpu.memory_space<vmem>>, vector<16xi32>,
      tpu.vector_store %arg13[%swap3A_212], %broadcast_in_dim3A_211 {strides = array<i32>} : memref<256xi32, #tpu.memory_space<vmem>>, vector<16xi32>,
      %broadcast_in_dim3A_214 = arith.constant 0 : i32
      %broadcast_in_dim3A_215 = vector.broadcast %broadcast_in_dim3A_214 : i32 to vector<16xi32>
      %swap3A_216 = arith.constant 80 : index
      %swap3A_217 = tpu.vector_load %arg13[%swap3A_216] {strides = array<i32>} : memref<256xi32, #tpu.memory_space<vmem>>, vector<16xi32>,
      tpu.vector_store %arg13[%swap3A_216], %broadcast_in_dim3A_215 {strides = array<i32>} : memref<256xi32, #tpu.memory_space<vmem>>, vector<16xi32>,
      %broadcast_in_dim3A_218 = arith.constant 0 : i32
      %broadcast_in_dim3A_219 = vector.broadcast %broadcast_in_dim3A_218 : i32 to vector<16xi32>
      %swap3A_220 = arith.constant 96 : index
      %swap3A_221 = tpu.vector_load %arg13[%swap3A_220] {strides = array<i32>} : memref<256xi32, #tpu.memory_space<vmem>>, vector<16xi32>,
      tpu.vector_store %arg13[%swap3A_220], %broadcast_in_dim3A_219 {strides = array<i32>} : memref<256xi32, #tpu.memory_space<vmem>>, vector<16xi32>,
      %broadcast_in_dim3A_222 = arith.constant 0 : i32
      %broadcast_in_dim3A_223 = vector.broadcast %broadcast_in_dim3A_222 : i32 to vector<16xi32>
      %swap3A_224 = arith.constant 112 : index
      %swap3A_225 = tpu.vector_load %arg13[%swap3A_224] {strides = array<i32>} : memref<256xi32, #tpu.memory_space<vmem>>, vector<16xi32>,
      tpu.vector_store %arg13[%swap3A_224], %broadcast_in_dim3A_223 {strides = array<i32>} : memref<256xi32, #tpu.memory_space<vmem>>, vector<16xi32>,
      %broadcast_in_dim3A_226 = arith.constant 0 : i32
      %broadcast_in_dim3A_227 = vector.broadcast %broadcast_in_dim3A_226 : i32 to vector<16xi32>
      %swap3A_228 = arith.constant 128 : index
      %swap3A_229 = tpu.vector_load %arg13[%swap3A_228] {strides = array<i32>} : memref<256xi32, #tpu.memory_space<vmem>>, vector<16xi32>,
      tpu.vector_store %arg13[%swap3A_228], %broadcast_in_dim3A_227 {strides = array<i32>} : memref<256xi32, #tpu.memory_space<vmem>>, vector<16xi32>,
      %broadcast_in_dim3A_230 = arith.constant 0 : i32
      %broadcast_in_dim3A_231 = vector.broadcast %broadcast_in_dim3A_230 : i32 to vector<16xi32>
      %swap3A_232 = arith.constant 144 : index
      %swap3A_233 = tpu.vector_load %arg13[%swap3A_232] {strides = array<i32>} : memref<256xi32, #tpu.memory_space<vmem>>, vector<16xi32>,
      tpu.vector_store %arg13[%swap3A_232], %broadcast_in_dim3A_231 {strides = array<i32>} : memref<256xi32, #tpu.memory_space<vmem>>, vector<16xi32>,
      %broadcast_in_dim3A_234 = arith.constant 0 : i32
      %broadcast_in_dim3A_235 = vector.broadcast %broadcast_in_dim3A_234 : i32 to vector<16xi32>
      %swap3A_236 = arith.constant 160 : index
      %swap3A_237 = tpu.vector_load %arg13[%swap3A_236] {strides = array<i32>} : memref<256xi32, #tpu.memory_space<vmem>>, vector<16xi32>,
      tpu.vector_store %arg13[%swap3A_236], %broadcast_in_dim3A_235 {strides = array<i32>} : memref<256xi32, #tpu.memory_space<vmem>>, vector<16xi32>,
      %broadcast_in_dim3A_238 = arith.constant 0 : i32
      %broadcast_in_dim3A_239 = vector.broadcast %broadcast_in_dim3A_238 : i32 to vector<16xi32>
      %swap3A_240 = arith.constant 176 : index
      %swap3A_241 = tpu.vector_load %arg13[%swap3A_240] {strides = array<i32>} : memref<256xi32, #tpu.memory_space<vmem>>, vector<16xi32>,
      tpu.vector_store %arg13[%swap3A_240], %broadcast_in_dim3A_239 {strides = array<i32>} : memref<256xi32, #tpu.memory_space<vmem>>, vector<16xi32>,
      %broadcast_in_dim3A_242 = arith.constant 0 : i32
      %broadcast_in_dim3A_243 = vector.broadcast %broadcast_in_dim3A_242 : i32 to vector<16xi32>
      %swap3A_244 = arith.constant 192 : index
      %swap3A_245 = tpu.vector_load %arg13[%swap3A_244] {strides = array<i32>} : memref<256xi32, #tpu.memory_space<vmem>>, vector<16xi32>,
      tpu.vector_store %arg13[%swap3A_244], %broadcast_in_dim3A_243 {strides = array<i32>} : memref<256xi32, #tpu.memory_space<vmem>>, vector<16xi32>,
      %broadcast_in_dim3A_246 = arith.constant 0 : i32
      %broadcast_in_dim3A_247 = vector.broadcast %broadcast_in_dim3A_246 : i32 to vector<16xi32>
      %swap3A_248 = arith.constant 208 : index
      %swap3A_249 = tpu.vector_load %arg13[%swap3A_248] {strides = array<i32>} : memref<256xi32, #tpu.memory_space<vmem>>, vector<16xi32>,
      tpu.vector_store %arg13[%swap3A_248], %broadcast_in_dim3A_247 {strides = array<i32>} : memref<256xi32, #tpu.memory_space<vmem>>, vector<16xi32>,
      %broadcast_in_dim3A_250 = arith.constant 0 : i32
      %broadcast_in_dim3A_251 = vector.broadcast %broadcast_in_dim3A_250 : i32 to vector<16xi32>
      %swap3A_252 = arith.constant 224 : index
      %swap3A_253 = tpu.vector_load %arg13[%swap3A_252] {strides = array<i32>} : memref<256xi32, #tpu.memory_space<vmem>>, vector<16xi32>,
      tpu.vector_store %arg13[%swap3A_252], %broadcast_in_dim3A_251 {strides = array<i32>} : memref<256xi32, #tpu.memory_space<vmem>>, vector<16xi32>,
      %broadcast_in_dim3A_254 = arith.constant 0 : i32
      %broadcast_in_dim3A_255 = vector.broadcast %broadcast_in_dim3A_254 : i32 to vector<16xi32>
      %swap3A_256 = arith.constant 240 : index
      %swap3A_257 = tpu.vector_load %arg13[%swap3A_256] {strides = array<i32>} : memref<256xi32, #tpu.memory_space<vmem>>, vector<16xi32>,
      tpu.vector_store %arg13[%swap3A_256], %broadcast_in_dim3A_255 {strides = array<i32>} : memref<256xi32, #tpu.memory_space<vmem>>, vector<16xi32>,
      %broadcast_in_dim3A_258 = arith.constant 1 : i32
      %broadcast_in_dim3A_259 = vector.broadcast %broadcast_in_dim3A_258 : i32 to vector<16xi32>
      %mul3A_260 = vector.broadcast %reduce_max3A_101 : i32 to vector<16xi32>
      %mul3A_261 = arith.muli %broadcast_in_dim3A_259, %mul3A_260 : vector<16xi32>
      %while3A_262 = arith.constant 0 : i32
      %while3A_263 = arith.constant -65536 : i32
      %while3A_264 = arith.constant 0 : i32
      %while3A_265 = arith.subi %shift_right_logical3A_103, %while3A_264 : i32
      %while3A_266 = arith.addi %while3A_264, %while3A_265 : i32
      %while3A_267 = arith.constant 1 : i32
      %while3A_268 = arith.divsi %while3A_265, %while3A_267 : i32
      %while3A_269 = arith.muli %while3A_268, %while3A_267 : i32
      %while3A_270 = arith.addi %while3A_264, %while3A_269 : i32
      %while3A_271 = arith.constant 1 : i32
      scf.for %while3A_774 = %while3A_264 to %while3A_270 step %while3A_271  : i32 {
        %mul3A_775 = arith.constant 16 : i32
        %mul3A_776 = arith.muli %while3A_774, %mul3A_775 : i32
        %get3A = arith.index_cast %mul3A_776 : i32 to index
        %get3A_777 = tpu.vector_load %arg11[%get3A] {strides = array<i32>} : memref<4096xi32, #tpu.memory_space<vmem>>, vector<16xi32>,
        %iota3A = tpu.iota {dimensions = array<i32: 0>} : vector<16xi32>
        %mul3A_778 = arith.constant 16 : i32
        %mul3A_779 = arith.muli %while3A_774, %mul3A_778 : i32
        %add3A_780 = vector.broadcast %mul3A_779 : i32 to vector<16xi32>
        %add3A_781 = arith.addi %iota3A, %add3A_780 : vector<16xi32>
        %and3A_782 = vector.broadcast %while3A_263 : i32 to vector<16xi32>
        %and3A_783 = arith.andi %get3A_777, %and3A_782 : vector<16xi32>
        %eq3A_784 = vector.broadcast %or3A : i32 to vector<16xi32>
        %eq3A_785 = arith.cmpi eq, %and3A_783, %eq3A_784 : vector<16xi32>
        %lt3A_786 = arith.cmpi slt, %add3A_781, %mul3A_261 : vector<16xi32>
        %and3A_787 = arith.andi %eq3A_785, %lt3A_786 : vector<16xi1>
        %shift_right_logical3A_788 = arith.constant 8 : i32
        %shift_right_logical3A_789 = vector.broadcast %shift_right_logical3A_788 : i32 to vector<16xi32>
        %shift_right_logical3A_790 = arith.shrui %get3A_777, %shift_right_logical3A_789 : vector<16xi32>
        %and3A_791 = arith.constant 255 : i32
        %and3A_792 = vector.broadcast %and3A_791 : i32 to vector<16xi32>
        %and3A_793 = arith.andi %shift_right_logical3A_790, %and3A_792 : vector<16xi32>
        tpu.vector_store_idx %arg13[%and3A_793], %broadcast_in_dim3A_3 masked %and3A_787 {add = true} : memref<256xi32, #tpu.memory_space<vmem>>[vector<16xi32>], vector<16xi32>, vector<16xi1>
      }
      %while3A_272 = arith.constant 1 : i32
      scf.for %while3A_774 = %while3A_270 to %while3A_266 step %while3A_272  : i32 {
        %mul3A_775 = arith.constant 16 : i32
        %mul3A_776 = arith.muli %while3A_774, %mul3A_775 : i32
        %get3A = arith.index_cast %mul3A_776 : i32 to index
        %get3A_777 = tpu.vector_load %arg11[%get3A] {strides = array<i32>} : memref<4096xi32, #tpu.memory_space<vmem>>, vector<16xi32>,
        %iota3A = tpu.iota {dimensions = array<i32: 0>} : vector<16xi32>
        %mul3A_778 = arith.constant 16 : i32
        %mul3A_779 = arith.muli %while3A_774, %mul3A_778 : i32
        %add3A_780 = vector.broadcast %mul3A_779 : i32 to vector<16xi32>
        %add3A_781 = arith.addi %iota3A, %add3A_780 : vector<16xi32>
        %and3A_782 = vector.broadcast %while3A_263 : i32 to vector<16xi32>
        %and3A_783 = arith.andi %get3A_777, %and3A_782 : vector<16xi32>
        %eq3A_784 = vector.broadcast %or3A : i32 to vector<16xi32>
        %eq3A_785 = arith.cmpi eq, %and3A_783, %eq3A_784 : vector<16xi32>
        %lt3A_786 = arith.cmpi slt, %add3A_781, %mul3A_261 : vector<16xi32>
        %and3A_787 = arith.andi %eq3A_785, %lt3A_786 : vector<16xi1>
        %shift_right_logical3A_788 = arith.constant 8 : i32
        %shift_right_logical3A_789 = vector.broadcast %shift_right_logical3A_788 : i32 to vector<16xi32>
        %shift_right_logical3A_790 = arith.shrui %get3A_777, %shift_right_logical3A_789 : vector<16xi32>
        %and3A_791 = arith.constant 255 : i32
        %and3A_792 = vector.broadcast %and3A_791 : i32 to vector<16xi32>
        %and3A_793 = arith.andi %shift_right_logical3A_790, %and3A_792 : vector<16xi32>
        tpu.vector_store_idx %arg13[%and3A_793], %broadcast_in_dim3A_3 masked %and3A_787 {add = true} : memref<256xi32, #tpu.memory_space<vmem>>[vector<16xi32>], vector<16xi32>, vector<16xi1>
      }
      %scan3A_273 = arith.constant 0 : i32
      %scan3A_274 = arith.constant -1 : i32
      %scan3A_275 = arith.constant -1 : i32
      %scan3A_276 = arith.constant 0 : i32
      %scan3A_277 = arith.constant 16 : i32
      %scan3A_278 = arith.addi %scan3A_276, %scan3A_277 : i32
      %scan3A_279 = arith.constant 1 : i32
      %scan3A_280:3 = scf.for %scan3A_774 = %scan3A_276 to %scan3A_278 step %scan3A_279 iter_args(%scan3A_775 = %scan3A_273, %scan3A_776 = %scan3A_274, %scan3A_777 = %scan3A_275) -> (i32, i32, i32)  : i32 {
        %mul3A_778 = arith.constant 16 : i32
        %mul3A_779 = arith.muli %scan3A_774, %mul3A_778 : i32
        %get3A = arith.index_cast %mul3A_779 : i32 to index
        %get3A_780 = tpu.vector_load %arg13[%get3A] {strides = array<i32>} : memref<256xi32, #tpu.memory_space<vmem>>, vector<16xi32>,
        %broadcast_in_dim3A_781 = arith.constant true
        %broadcast_in_dim3A_782 = vector.broadcast %broadcast_in_dim3A_781 : i1 to vector<16xi1>
        %masked_cumsum3A = tpu.scan <sum>, %get3A_780 masked %broadcast_in_dim3A_782 : vector<16xi32>, vector<16xi1> -> vector<16xi32>
        %sub3A_783 = arith.subi %masked_cumsum3A, %get3A_780 : vector<16xi32>
        %add3A_784 = vector.broadcast %scan3A_775 : i32 to vector<16xi32>
        %add3A_785 = arith.addi %sub3A_783, %add3A_784 : vector<16xi32>
        %lt3A_786 = vector.broadcast %sub3A_193 : i32 to vector<16xi32>
        %lt3A_787 = arith.cmpi slt, %add3A_785, %lt3A_786 : vector<16xi32>
        %add3A_788 = arith.addi %add3A_785, %get3A_780 : vector<16xi32>
        %ge3A = vector.broadcast %sub3A_193 : i32 to vector<16xi32>
        %ge3A_789 = arith.cmpi sge, %add3A_788, %ge3A : vector<16xi32>
        %and3A_790 = arith.andi %lt3A_787, %ge3A_789 : vector<16xi1>
        %iota3A = tpu.iota {dimensions = array<i32: 0>} : vector<16xi32>
        %mul3A_791 = arith.constant 16 : i32
        %mul3A_792 = arith.muli %scan3A_774, %mul3A_791 : i32
        %add3A_793 = vector.broadcast %mul3A_792 : i32 to vector<16xi32>
        %add3A_794 = arith.addi %iota3A, %add3A_793 : vector<16xi32>
        %jit3A = arith.constant -1 : i32
        %broadcast_in_dim3A_795 = vector.broadcast %jit3A : i32 to vector<16xi32>
        %select_n3A = arith.select %and3A_790, %add3A_794, %broadcast_in_dim3A_795 : vector<16xi1>, vector<16xi32>
        %reduce_max3A_796 = arith.constant true
        %reduce_max3A_797 = vector.broadcast %reduce_max3A_796 : i1 to vector<16xi1>
        %reduce_max3A_798 = arith.constant -2147483648 : i32
        %reduce_max3A_799 = vector.broadcast %reduce_max3A_798 : i32 to vector<16xi32>
        %reduce_max3A_800 = arith.xori %select_n3A, %reduce_max3A_799 : vector<16xi32>
        %reduce_max3A_801 = tpu.scan <max>, %reduce_max3A_800 masked %reduce_max3A_797 : vector<16xi32>, vector<16xi1> -> vector<16xi32>
        %reduce_max3A_802 = arith.xori %reduce_max3A_801, %reduce_max3A_799 : vector<16xi32>
        %reduce_max3A_803 = vector.extract %reduce_max3A_802[15] : i32 from vector<16xi32>
        %max3A = arith.maxsi %scan3A_776, %reduce_max3A_803 : i32
        %jit3A_804 = arith.constant -1 : i32
        %broadcast_in_dim3A_805 = vector.broadcast %jit3A_804 : i32 to vector<16xi32>
        %select_n3A_806 = arith.select %and3A_790, %add3A_785, %broadcast_in_dim3A_805 : vector<16xi1>, vector<16xi32>
        %reduce_max3A_807 = arith.constant true
        %reduce_max3A_808 = vector.broadcast %reduce_max3A_807 : i1 to vector<16xi1>
        %reduce_max3A_809 = arith.constant -2147483648 : i32
        %reduce_max3A_810 = vector.broadcast %reduce_max3A_809 : i32 to vector<16xi32>
        %reduce_max3A_811 = arith.xori %select_n3A_806, %reduce_max3A_810 : vector<16xi32>
        %reduce_max3A_812 = tpu.scan <max>, %reduce_max3A_811 masked %reduce_max3A_808 : vector<16xi32>, vector<16xi1> -> vector<16xi32>
        %reduce_max3A_813 = arith.xori %reduce_max3A_812, %reduce_max3A_810 : vector<16xi32>
        %reduce_max3A_814 = vector.extract %reduce_max3A_813[15] : i32 from vector<16xi32>
        %max3A_815 = arith.maxsi %scan3A_777, %reduce_max3A_814 : i32
        %reduce_sum3A_816 = arith.constant true
        %reduce_sum3A_817 = vector.broadcast %reduce_sum3A_816 : i1 to vector<16xi1>
        %reduce_sum3A_818 = tpu.scan <sum>, %get3A_780 masked %reduce_sum3A_817 : vector<16xi32>, vector<16xi1> -> vector<16xi32>
        %reduce_sum3A_819 = vector.extract %reduce_sum3A_818[15] : i32 from vector<16xi32>
        %add3A_820 = arith.addi %scan3A_775, %reduce_sum3A_819 : i32
        scf.yield %add3A_820, %max3A, %max3A_815 : i32, i32, i32
      }
      %scan3A_281 = arith.constant 16 : i32
      %shift_left3A_282 = arith.constant 8 : i32
      %shift_left3A_283 = arith.shli %scan3A_280#1, %shift_left3A_282 : i32
      %or3A_284 = arith.ori %or3A, %shift_left3A_283 : i32
      %sub3A_285 = arith.subi %sub3A_193, %scan3A_280#2 : i32
      %broadcast_in_dim3A_286 = arith.constant 0 : i32
      %broadcast_in_dim3A_287 = vector.broadcast %broadcast_in_dim3A_286 : i32 to vector<16xi32>
      %swap3A_288 = arith.constant 0 : index
      %swap3A_289 = tpu.vector_load %arg13[%swap3A_288] {strides = array<i32>} : memref<256xi32, #tpu.memory_space<vmem>>, vector<16xi32>,
      tpu.vector_store %arg13[%swap3A_288], %broadcast_in_dim3A_287 {strides = array<i32>} : memref<256xi32, #tpu.memory_space<vmem>>, vector<16xi32>,
      %broadcast_in_dim3A_290 = arith.constant 0 : i32
      %broadcast_in_dim3A_291 = vector.broadcast %broadcast_in_dim3A_290 : i32 to vector<16xi32>
      %swap3A_292 = arith.constant 16 : index
      %swap3A_293 = tpu.vector_load %arg13[%swap3A_292] {strides = array<i32>} : memref<256xi32, #tpu.memory_space<vmem>>, vector<16xi32>,
      tpu.vector_store %arg13[%swap3A_292], %broadcast_in_dim3A_291 {strides = array<i32>} : memref<256xi32, #tpu.memory_space<vmem>>, vector<16xi32>,
      %broadcast_in_dim3A_294 = arith.constant 0 : i32
      %broadcast_in_dim3A_295 = vector.broadcast %broadcast_in_dim3A_294 : i32 to vector<16xi32>
      %swap3A_296 = arith.constant 32 : index
      %swap3A_297 = tpu.vector_load %arg13[%swap3A_296] {strides = array<i32>} : memref<256xi32, #tpu.memory_space<vmem>>, vector<16xi32>,
      tpu.vector_store %arg13[%swap3A_296], %broadcast_in_dim3A_295 {strides = array<i32>} : memref<256xi32, #tpu.memory_space<vmem>>, vector<16xi32>,
      %broadcast_in_dim3A_298 = arith.constant 0 : i32
      %broadcast_in_dim3A_299 = vector.broadcast %broadcast_in_dim3A_298 : i32 to vector<16xi32>
      %swap3A_300 = arith.constant 48 : index
      %swap3A_301 = tpu.vector_load %arg13[%swap3A_300] {strides = array<i32>} : memref<256xi32, #tpu.memory_space<vmem>>, vector<16xi32>,
      tpu.vector_store %arg13[%swap3A_300], %broadcast_in_dim3A_299 {strides = array<i32>} : memref<256xi32, #tpu.memory_space<vmem>>, vector<16xi32>,
      %broadcast_in_dim3A_302 = arith.constant 0 : i32
      %broadcast_in_dim3A_303 = vector.broadcast %broadcast_in_dim3A_302 : i32 to vector<16xi32>
      %swap3A_304 = arith.constant 64 : index
      %swap3A_305 = tpu.vector_load %arg13[%swap3A_304] {strides = array<i32>} : memref<256xi32, #tpu.memory_space<vmem>>, vector<16xi32>,
      tpu.vector_store %arg13[%swap3A_304], %broadcast_in_dim3A_303 {strides = array<i32>} : memref<256xi32, #tpu.memory_space<vmem>>, vector<16xi32>,
      %broadcast_in_dim3A_306 = arith.constant 0 : i32
      %broadcast_in_dim3A_307 = vector.broadcast %broadcast_in_dim3A_306 : i32 to vector<16xi32>
      %swap3A_308 = arith.constant 80 : index
      %swap3A_309 = tpu.vector_load %arg13[%swap3A_308] {strides = array<i32>} : memref<256xi32, #tpu.memory_space<vmem>>, vector<16xi32>,
      tpu.vector_store %arg13[%swap3A_308], %broadcast_in_dim3A_307 {strides = array<i32>} : memref<256xi32, #tpu.memory_space<vmem>>, vector<16xi32>,
      %broadcast_in_dim3A_310 = arith.constant 0 : i32
      %broadcast_in_dim3A_311 = vector.broadcast %broadcast_in_dim3A_310 : i32 to vector<16xi32>
      %swap3A_312 = arith.constant 96 : index
      %swap3A_313 = tpu.vector_load %arg13[%swap3A_312] {strides = array<i32>} : memref<256xi32, #tpu.memory_space<vmem>>, vector<16xi32>,
      tpu.vector_store %arg13[%swap3A_312], %broadcast_in_dim3A_311 {strides = array<i32>} : memref<256xi32, #tpu.memory_space<vmem>>, vector<16xi32>,
      %broadcast_in_dim3A_314 = arith.constant 0 : i32
      %broadcast_in_dim3A_315 = vector.broadcast %broadcast_in_dim3A_314 : i32 to vector<16xi32>
      %swap3A_316 = arith.constant 112 : index
      %swap3A_317 = tpu.vector_load %arg13[%swap3A_316] {strides = array<i32>} : memref<256xi32, #tpu.memory_space<vmem>>, vector<16xi32>,
      tpu.vector_store %arg13[%swap3A_316], %broadcast_in_dim3A_315 {strides = array<i32>} : memref<256xi32, #tpu.memory_space<vmem>>, vector<16xi32>,
      %broadcast_in_dim3A_318 = arith.constant 0 : i32
      %broadcast_in_dim3A_319 = vector.broadcast %broadcast_in_dim3A_318 : i32 to vector<16xi32>
      %swap3A_320 = arith.constant 128 : index
      %swap3A_321 = tpu.vector_load %arg13[%swap3A_320] {strides = array<i32>} : memref<256xi32, #tpu.memory_space<vmem>>, vector<16xi32>,
      tpu.vector_store %arg13[%swap3A_320], %broadcast_in_dim3A_319 {strides = array<i32>} : memref<256xi32, #tpu.memory_space<vmem>>, vector<16xi32>,
      %broadcast_in_dim3A_322 = arith.constant 0 : i32
      %broadcast_in_dim3A_323 = vector.broadcast %broadcast_in_dim3A_322 : i32 to vector<16xi32>
      %swap3A_324 = arith.constant 144 : index
      %swap3A_325 = tpu.vector_load %arg13[%swap3A_324] {strides = array<i32>} : memref<256xi32, #tpu.memory_space<vmem>>, vector<16xi32>,
      tpu.vector_store %arg13[%swap3A_324], %broadcast_in_dim3A_323 {strides = array<i32>} : memref<256xi32, #tpu.memory_space<vmem>>, vector<16xi32>,
      %broadcast_in_dim3A_326 = arith.constant 0 : i32
      %broadcast_in_dim3A_327 = vector.broadcast %broadcast_in_dim3A_326 : i32 to vector<16xi32>
      %swap3A_328 = arith.constant 160 : index
      %swap3A_329 = tpu.vector_load %arg13[%swap3A_328] {strides = array<i32>} : memref<256xi32, #tpu.memory_space<vmem>>, vector<16xi32>,
      tpu.vector_store %arg13[%swap3A_328], %broadcast_in_dim3A_327 {strides = array<i32>} : memref<256xi32, #tpu.memory_space<vmem>>, vector<16xi32>,
      %broadcast_in_dim3A_330 = arith.constant 0 : i32
      %broadcast_in_dim3A_331 = vector.broadcast %broadcast_in_dim3A_330 : i32 to vector<16xi32>
      %swap3A_332 = arith.constant 176 : index
      %swap3A_333 = tpu.vector_load %arg13[%swap3A_332] {strides = array<i32>} : memref<256xi32, #tpu.memory_space<vmem>>, vector<16xi32>,
      tpu.vector_store %arg13[%swap3A_332], %broadcast_in_dim3A_331 {strides = array<i32>} : memref<256xi32, #tpu.memory_space<vmem>>, vector<16xi32>,
      %broadcast_in_dim3A_334 = arith.constant 0 : i32
      %broadcast_in_dim3A_335 = vector.broadcast %broadcast_in_dim3A_334 : i32 to vector<16xi32>
      %swap3A_336 = arith.constant 192 : index
      %swap3A_337 = tpu.vector_load %arg13[%swap3A_336] {strides = array<i32>} : memref<256xi32, #tpu.memory_space<vmem>>, vector<16xi32>,
      tpu.vector_store %arg13[%swap3A_336], %broadcast_in_dim3A_335 {strides = array<i32>} : memref<256xi32, #tpu.memory_space<vmem>>, vector<16xi32>,
      %broadcast_in_dim3A_338 = arith.constant 0 : i32
      %broadcast_in_dim3A_339 = vector.broadcast %broadcast_in_dim3A_338 : i32 to vector<16xi32>
      %swap3A_340 = arith.constant 208 : index
      %swap3A_341 = tpu.vector_load %arg13[%swap3A_340] {strides = array<i32>} : memref<256xi32, #tpu.memory_space<vmem>>, vector<16xi32>,
      tpu.vector_store %arg13[%swap3A_340], %broadcast_in_dim3A_339 {strides = array<i32>} : memref<256xi32, #tpu.memory_space<vmem>>, vector<16xi32>,
      %broadcast_in_dim3A_342 = arith.constant 0 : i32
      %broadcast_in_dim3A_343 = vector.broadcast %broadcast_in_dim3A_342 : i32 to vector<16xi32>
      %swap3A_344 = arith.constant 224 : index
      %swap3A_345 = tpu.vector_load %arg13[%swap3A_344] {strides = array<i32>} : memref<256xi32, #tpu.memory_space<vmem>>, vector<16xi32>,
      tpu.vector_store %arg13[%swap3A_344], %broadcast_in_dim3A_343 {strides = array<i32>} : memref<256xi32, #tpu.memory_space<vmem>>, vector<16xi32>,
      %broadcast_in_dim3A_346 = arith.constant 0 : i32
      %broadcast_in_dim3A_347 = vector.broadcast %broadcast_in_dim3A_346 : i32 to vector<16xi32>
      %swap3A_348 = arith.constant 240 : index
      %swap3A_349 = tpu.vector_load %arg13[%swap3A_348] {strides = array<i32>} : memref<256xi32, #tpu.memory_space<vmem>>, vector<16xi32>,
      tpu.vector_store %arg13[%swap3A_348], %broadcast_in_dim3A_347 {strides = array<i32>} : memref<256xi32, #tpu.memory_space<vmem>>, vector<16xi32>,
      %broadcast_in_dim3A_350 = arith.constant 1 : i32
      %broadcast_in_dim3A_351 = vector.broadcast %broadcast_in_dim3A_350 : i32 to vector<16xi32>
      %mul3A_352 = vector.broadcast %reduce_max3A_101 : i32 to vector<16xi32>
      %mul3A_353 = arith.muli %broadcast_in_dim3A_351, %mul3A_352 : vector<16xi32>
      %while3A_354 = arith.constant 0 : i32
      %while3A_355 = arith.constant -256 : i32
      %while3A_356 = arith.constant 0 : i32
      %while3A_357 = arith.subi %shift_right_logical3A_103, %while3A_356 : i32
      %while3A_358 = arith.addi %while3A_356, %while3A_357 : i32
      %while3A_359 = arith.constant 1 : i32
      %while3A_360 = arith.divsi %while3A_357, %while3A_359 : i32
      %while3A_361 = arith.muli %while3A_360, %while3A_359 : i32
      %while3A_362 = arith.addi %while3A_356, %while3A_361 : i32
      %while3A_363 = arith.constant 1 : i32
      scf.for %while3A_774 = %while3A_356 to %while3A_362 step %while3A_363  : i32 {
        %mul3A_775 = arith.constant 16 : i32
        %mul3A_776 = arith.muli %while3A_774, %mul3A_775 : i32
        %get3A = arith.index_cast %mul3A_776 : i32 to index
        %get3A_777 = tpu.vector_load %arg11[%get3A] {strides = array<i32>} : memref<4096xi32, #tpu.memory_space<vmem>>, vector<16xi32>,
        %iota3A = tpu.iota {dimensions = array<i32: 0>} : vector<16xi32>
        %mul3A_778 = arith.constant 16 : i32
        %mul3A_779 = arith.muli %while3A_774, %mul3A_778 : i32
        %add3A_780 = vector.broadcast %mul3A_779 : i32 to vector<16xi32>
        %add3A_781 = arith.addi %iota3A, %add3A_780 : vector<16xi32>
        %and3A_782 = vector.broadcast %while3A_355 : i32 to vector<16xi32>
        %and3A_783 = arith.andi %get3A_777, %and3A_782 : vector<16xi32>
        %eq3A_784 = vector.broadcast %or3A_284 : i32 to vector<16xi32>
        %eq3A_785 = arith.cmpi eq, %and3A_783, %eq3A_784 : vector<16xi32>
        %lt3A_786 = arith.cmpi slt, %add3A_781, %mul3A_353 : vector<16xi32>
        %and3A_787 = arith.andi %eq3A_785, %lt3A_786 : vector<16xi1>
        %shift_right_logical3A_788 = arith.constant 0 : i32
        %shift_right_logical3A_789 = vector.broadcast %shift_right_logical3A_788 : i32 to vector<16xi32>
        %shift_right_logical3A_790 = arith.shrui %get3A_777, %shift_right_logical3A_789 : vector<16xi32>
        %and3A_791 = arith.constant 255 : i32
        %and3A_792 = vector.broadcast %and3A_791 : i32 to vector<16xi32>
        %and3A_793 = arith.andi %shift_right_logical3A_790, %and3A_792 : vector<16xi32>
        tpu.vector_store_idx %arg13[%and3A_793], %broadcast_in_dim3A_3 masked %and3A_787 {add = true} : memref<256xi32, #tpu.memory_space<vmem>>[vector<16xi32>], vector<16xi32>, vector<16xi1>
      }
      %while3A_364 = arith.constant 1 : i32
      scf.for %while3A_774 = %while3A_362 to %while3A_358 step %while3A_364  : i32 {
        %mul3A_775 = arith.constant 16 : i32
        %mul3A_776 = arith.muli %while3A_774, %mul3A_775 : i32
        %get3A = arith.index_cast %mul3A_776 : i32 to index
        %get3A_777 = tpu.vector_load %arg11[%get3A] {strides = array<i32>} : memref<4096xi32, #tpu.memory_space<vmem>>, vector<16xi32>,
        %iota3A = tpu.iota {dimensions = array<i32: 0>} : vector<16xi32>
        %mul3A_778 = arith.constant 16 : i32
        %mul3A_779 = arith.muli %while3A_774, %mul3A_778 : i32
        %add3A_780 = vector.broadcast %mul3A_779 : i32 to vector<16xi32>
        %add3A_781 = arith.addi %iota3A, %add3A_780 : vector<16xi32>
        %and3A_782 = vector.broadcast %while3A_355 : i32 to vector<16xi32>
        %and3A_783 = arith.andi %get3A_777, %and3A_782 : vector<16xi32>
        %eq3A_784 = vector.broadcast %or3A_284 : i32 to vector<16xi32>
        %eq3A_785 = arith.cmpi eq, %and3A_783, %eq3A_784 : vector<16xi32>
        %lt3A_786 = arith.cmpi slt, %add3A_781, %mul3A_353 : vector<16xi32>
        %and3A_787 = arith.andi %eq3A_785, %lt3A_786 : vector<16xi1>
        %shift_right_logical3A_788 = arith.constant 0 : i32
        %shift_right_logical3A_789 = vector.broadcast %shift_right_logical3A_788 : i32 to vector<16xi32>
        %shift_right_logical3A_790 = arith.shrui %get3A_777, %shift_right_logical3A_789 : vector<16xi32>
        %and3A_791 = arith.constant 255 : i32
        %and3A_792 = vector.broadcast %and3A_791 : i32 to vector<16xi32>
        %and3A_793 = arith.andi %shift_right_logical3A_790, %and3A_792 : vector<16xi32>
        tpu.vector_store_idx %arg13[%and3A_793], %broadcast_in_dim3A_3 masked %and3A_787 {add = true} : memref<256xi32, #tpu.memory_space<vmem>>[vector<16xi32>], vector<16xi32>, vector<16xi1>
      }
      %scan3A_365 = arith.constant 0 : i32
      %scan3A_366 = arith.constant -1 : i32
      %scan3A_367 = arith.constant -1 : i32
      %scan3A_368 = arith.constant 0 : i32
      %scan3A_369 = arith.constant 16 : i32
      %scan3A_370 = arith.addi %scan3A_368, %scan3A_369 : i32
      %scan3A_371 = arith.constant 1 : i32
      %scan3A_372:3 = scf.for %scan3A_774 = %scan3A_368 to %scan3A_370 step %scan3A_371 iter_args(%scan3A_775 = %scan3A_365, %scan3A_776 = %scan3A_366, %scan3A_777 = %scan3A_367) -> (i32, i32, i32)  : i32 {
        %mul3A_778 = arith.constant 16 : i32
        %mul3A_779 = arith.muli %scan3A_774, %mul3A_778 : i32
        %get3A = arith.index_cast %mul3A_779 : i32 to index
        %get3A_780 = tpu.vector_load %arg13[%get3A] {strides = array<i32>} : memref<256xi32, #tpu.memory_space<vmem>>, vector<16xi32>,
        %broadcast_in_dim3A_781 = arith.constant true
        %broadcast_in_dim3A_782 = vector.broadcast %broadcast_in_dim3A_781 : i1 to vector<16xi1>
        %masked_cumsum3A = tpu.scan <sum>, %get3A_780 masked %broadcast_in_dim3A_782 : vector<16xi32>, vector<16xi1> -> vector<16xi32>
        %sub3A_783 = arith.subi %masked_cumsum3A, %get3A_780 : vector<16xi32>
        %add3A_784 = vector.broadcast %scan3A_775 : i32 to vector<16xi32>
        %add3A_785 = arith.addi %sub3A_783, %add3A_784 : vector<16xi32>
        %lt3A_786 = vector.broadcast %sub3A_285 : i32 to vector<16xi32>
        %lt3A_787 = arith.cmpi slt, %add3A_785, %lt3A_786 : vector<16xi32>
        %add3A_788 = arith.addi %add3A_785, %get3A_780 : vector<16xi32>
        %ge3A = vector.broadcast %sub3A_285 : i32 to vector<16xi32>
        %ge3A_789 = arith.cmpi sge, %add3A_788, %ge3A : vector<16xi32>
        %and3A_790 = arith.andi %lt3A_787, %ge3A_789 : vector<16xi1>
        %iota3A = tpu.iota {dimensions = array<i32: 0>} : vector<16xi32>
        %mul3A_791 = arith.constant 16 : i32
        %mul3A_792 = arith.muli %scan3A_774, %mul3A_791 : i32
        %add3A_793 = vector.broadcast %mul3A_792 : i32 to vector<16xi32>
        %add3A_794 = arith.addi %iota3A, %add3A_793 : vector<16xi32>
        %jit3A = arith.constant -1 : i32
        %broadcast_in_dim3A_795 = vector.broadcast %jit3A : i32 to vector<16xi32>
        %select_n3A = arith.select %and3A_790, %add3A_794, %broadcast_in_dim3A_795 : vector<16xi1>, vector<16xi32>
        %reduce_max3A_796 = arith.constant true
        %reduce_max3A_797 = vector.broadcast %reduce_max3A_796 : i1 to vector<16xi1>
        %reduce_max3A_798 = arith.constant -2147483648 : i32
        %reduce_max3A_799 = vector.broadcast %reduce_max3A_798 : i32 to vector<16xi32>
        %reduce_max3A_800 = arith.xori %select_n3A, %reduce_max3A_799 : vector<16xi32>
        %reduce_max3A_801 = tpu.scan <max>, %reduce_max3A_800 masked %reduce_max3A_797 : vector<16xi32>, vector<16xi1> -> vector<16xi32>
        %reduce_max3A_802 = arith.xori %reduce_max3A_801, %reduce_max3A_799 : vector<16xi32>
        %reduce_max3A_803 = vector.extract %reduce_max3A_802[15] : i32 from vector<16xi32>
        %max3A = arith.maxsi %scan3A_776, %reduce_max3A_803 : i32
        %jit3A_804 = arith.constant -1 : i32
        %broadcast_in_dim3A_805 = vector.broadcast %jit3A_804 : i32 to vector<16xi32>
        %select_n3A_806 = arith.select %and3A_790, %add3A_785, %broadcast_in_dim3A_805 : vector<16xi1>, vector<16xi32>
        %reduce_max3A_807 = arith.constant true
        %reduce_max3A_808 = vector.broadcast %reduce_max3A_807 : i1 to vector<16xi1>
        %reduce_max3A_809 = arith.constant -2147483648 : i32
        %reduce_max3A_810 = vector.broadcast %reduce_max3A_809 : i32 to vector<16xi32>
        %reduce_max3A_811 = arith.xori %select_n3A_806, %reduce_max3A_810 : vector<16xi32>
        %reduce_max3A_812 = tpu.scan <max>, %reduce_max3A_811 masked %reduce_max3A_808 : vector<16xi32>, vector<16xi1> -> vector<16xi32>
        %reduce_max3A_813 = arith.xori %reduce_max3A_812, %reduce_max3A_810 : vector<16xi32>
        %reduce_max3A_814 = vector.extract %reduce_max3A_813[15] : i32 from vector<16xi32>
        %max3A_815 = arith.maxsi %scan3A_777, %reduce_max3A_814 : i32
        %reduce_sum3A_816 = arith.constant true
        %reduce_sum3A_817 = vector.broadcast %reduce_sum3A_816 : i1 to vector<16xi1>
        %reduce_sum3A_818 = tpu.scan <sum>, %get3A_780 masked %reduce_sum3A_817 : vector<16xi32>, vector<16xi1> -> vector<16xi32>
        %reduce_sum3A_819 = vector.extract %reduce_sum3A_818[15] : i32 from vector<16xi32>
        %add3A_820 = arith.addi %scan3A_775, %reduce_sum3A_819 : i32
        scf.yield %add3A_820, %max3A, %max3A_815 : i32, i32, i32
      }
      %scan3A_373 = arith.constant 16 : i32
      %shift_left3A_374 = arith.constant 0 : i32
      %shift_left3A_375 = arith.shli %scan3A_372#1, %shift_left3A_374 : i32
      %or3A_376 = arith.ori %or3A_284, %shift_left3A_375 : i32
      %sub3A_377 = arith.subi %sub3A_285, %scan3A_372#2 : i32
      %xor3A = arith.constant -2147483648 : i32
      %xor3A_378 = arith.xori %or3A_376, %xor3A : i32
      %broadcast_in_dim3A_379 = arith.constant 1 : i32
      %broadcast_in_dim3A_380 = vector.broadcast %broadcast_in_dim3A_379 : i32 to vector<16xi32>
      %mul3A_381 = vector.broadcast %sub3A_377 : i32 to vector<16xi32>
      %mul3A_382 = arith.muli %broadcast_in_dim3A_380, %mul3A_381 : vector<16xi32>
      %broadcast_in_dim3A_383 = arith.constant 0 : i32
      %broadcast_in_dim3A_384 = vector.broadcast %broadcast_in_dim3A_383 : i32 to vector<16xi32>
      %broadcast_in_dim3A_385 = arith.constant 0 : i32
      %broadcast_in_dim3A_386 = vector.broadcast %broadcast_in_dim3A_385 : i32 to vector<16xi32>
      %scan3A_387 = arith.constant 0 : i32
      %scan3A_388 = arith.constant 256 : i32
      %scan3A_389 = arith.addi %scan3A_387, %scan3A_388 : i32
      %scan3A_390 = arith.constant 1 : i32
      %scan3A_391:2 = scf.for %scan3A_774 = %scan3A_387 to %scan3A_389 step %scan3A_390 iter_args(%scan3A_775 = %broadcast_in_dim3A_384, %scan3A_776 = %broadcast_in_dim3A_386) -> (vector<16xi32>, vector<16xi32>)  : i32 {
        %mul3A_777 = arith.constant 16 : i32
        %mul3A_778 = arith.muli %scan3A_774, %mul3A_777 : i32
        %get3A = arith.index_cast %mul3A_778 : i32 to index
        %get3A_779 = tpu.vector_load %arg7[%get3A] {strides = array<i32>} : memref<4096xi32, #tpu.memory_space<vmem>>, vector<16xi32>,
        %mul3A_780 = arith.constant 16 : i32
        %mul3A_781 = arith.muli %scan3A_774, %mul3A_780 : i32
        %get3A_782 = arith.index_cast %mul3A_781 : i32 to index
        %get3A_783 = tpu.vector_load %arg6[%get3A_782] {strides = array<i32>} : memref<4096xf32, #tpu.memory_space<vmem>>, vector<16xf32>,
        %iota3A = tpu.iota {dimensions = array<i32: 0>} : vector<16xi32>
        %mul3A_784 = arith.constant 16 : i32
        %mul3A_785 = arith.muli %scan3A_774, %mul3A_784 : i32
        %add3A_786 = vector.broadcast %mul3A_785 : i32 to vector<16xi32>
        %add3A_787 = arith.addi %iota3A, %add3A_786 : vector<16xi32>
        %xor3A_788 = arith.constant -2147483648 : i32
        %xor3A_789 = vector.broadcast %xor3A_788 : i32 to vector<16xi32>
        %xor3A_790 = arith.xori %get3A_779, %xor3A_789 : vector<16xi32>
        %lt3A_791 = vector.broadcast %xor3A_378 : i32 to vector<16xi32>
        %lt3A_792 = arith.cmpi slt, %xor3A_790, %lt3A_791 : vector<16xi32>
        %eq3A_793 = vector.broadcast %or3A_376 : i32 to vector<16xi32>
        %eq3A_794 = arith.cmpi eq, %get3A_779, %eq3A_793 : vector<16xi32>
        %convert_element_type3A_795 = arith.extui %eq3A_794 : vector<16xi1> to vector<16xi32>
        %broadcast_in_dim3A_796 = arith.constant true
        %broadcast_in_dim3A_797 = vector.broadcast %broadcast_in_dim3A_796 : i1 to vector<16xi1>
        %masked_cumsum3A = tpu.scan <sum>, %convert_element_type3A_795 masked %broadcast_in_dim3A_797 : vector<16xi32>, vector<16xi1> -> vector<16xi32>
        %add3A_798 = arith.addi %scan3A_776, %masked_cumsum3A : vector<16xi32>
        %le3A = arith.cmpi sle, %add3A_798, %mul3A_382 : vector<16xi32>
        %and3A_799 = arith.andi %eq3A_794, %le3A : vector<16xi1>
        %or3A_800 = arith.ori %lt3A_792, %and3A_799 : vector<16xi1>
        %convert_element_type3A_801 = arith.extui %or3A_800 : vector<16xi1> to vector<16xi32>
        %broadcast_in_dim3A_802 = arith.constant true
        %broadcast_in_dim3A_803 = vector.broadcast %broadcast_in_dim3A_802 : i1 to vector<16xi1>
        %masked_cumsum3A_804 = tpu.scan <sum>, %convert_element_type3A_801 masked %broadcast_in_dim3A_803 : vector<16xi32>, vector<16xi1> -> vector<16xi32>
        %add3A_805 = arith.addi %scan3A_775, %masked_cumsum3A_804 : vector<16xi32>
        %sub3A_806 = arith.constant 1 : i32
        %sub3A_807 = vector.broadcast %sub3A_806 : i32 to vector<16xi32>
        %sub3A_808 = arith.subi %add3A_805, %sub3A_807 : vector<16xi32>
        tpu.vector_store_idx %arg8[%sub3A_808], %get3A_779 masked %or3A_800 : memref<512xi32, #tpu.memory_space<vmem>>[vector<16xi32>], vector<16xi32>, vector<16xi1>
        tpu.vector_store_idx %arg9[%sub3A_808], %add3A_787 masked %or3A_800 : memref<512xi32, #tpu.memory_space<vmem>>[vector<16xi32>], vector<16xi32>, vector<16xi1>
        tpu.vector_store_idx %arg10[%sub3A_808], %get3A_783 masked %or3A_800 : memref<512xf32, #tpu.memory_space<vmem>>[vector<16xi32>], vector<16xf32>, vector<16xi1>
        %all_reduce_population_count3A = tpu.all_reduce %or3A_800 {dim = 0 : i64, kind = #tpu.reduction_kind<sum>} : vector<16xi1> -> vector<16xi32>
        %add3A_809 = arith.addi %scan3A_775, %all_reduce_population_count3A : vector<16xi32>
        %all_reduce_population_count3A_810 = tpu.all_reduce %eq3A_794 {dim = 0 : i64, kind = #tpu.reduction_kind<sum>} : vector<16xi1> -> vector<16xi32>
        %add3A_811 = arith.addi %scan3A_776, %all_reduce_population_count3A_810 : vector<16xi32>
        scf.yield %add3A_809, %add3A_811 : vector<16xi32>, vector<16xi32>
      }
      %scan3A_392 = arith.constant 256 : i32
      "tpu.region"() ({
        %run_scoped3A = tpu.sem_alloc : memref<!tpu.dma_semaphore, #tpu.memory_space<semaphore_mem>>
        %dma_start3A = arith.constant 0 : i32
        %dma_start3A_774 = tpu.memref_slice %arg4[%arg0, %dma_start3A] : memref<2x512xi32, #tpu.memory_space<hbm>> -> memref<1x512xi32, #tpu.memory_space<hbm>>
        %dma_start3A_775 = tpu.memref_squeeze %dma_start3A_774 : memref<1x512xi32, #tpu.memory_space<hbm>> -> memref<512xi32, #tpu.memory_space<hbm>>
        %dma_start3A_776 = arith.constant 0 : i32
        %dma_start3A_777 = tpu.memref_slice %arg4[%arg0, %dma_start3A_776] : memref<2x512xi32, #tpu.memory_space<hbm>> -> memref<1x512xi32, #tpu.memory_space<hbm>>
        %dma_start3A_778 = tpu.memref_squeeze %dma_start3A_777 : memref<1x512xi32, #tpu.memory_space<hbm>> -> memref<512xi32, #tpu.memory_space<hbm>>
        tpu.enqueue_dma source(%arg9 : memref<512xi32, #tpu.memory_space<vmem>>) target(%dma_start3A_778 : memref<512xi32, #tpu.memory_space<hbm>>) target_semaphore(%run_scoped3A : memref<!tpu.dma_semaphore, #tpu.memory_space<semaphore_mem>>)
        %dma_wait3A = arith.constant 0 : i32
        %dma_wait3A_779 = tpu.memref_slice %arg4[%arg0, %dma_wait3A] : memref<2x512xi32, #tpu.memory_space<hbm>> -> memref<1x512xi32, #tpu.memory_space<hbm>>
        %dma_wait3A_780 = tpu.memref_squeeze %dma_wait3A_779 : memref<1x512xi32, #tpu.memory_space<hbm>> -> memref<512xi32, #tpu.memory_space<hbm>>
        %dma_wait3A_781 = arith.constant 0 : i32
        %dma_wait3A_782 = tpu.memref_slice %arg4[%arg0, %dma_wait3A_781] : memref<2x512xi32, #tpu.memory_space<hbm>> -> memref<1x512xi32, #tpu.memory_space<hbm>>
        %dma_wait3A_783 = tpu.memref_squeeze %dma_wait3A_782 : memref<1x512xi32, #tpu.memory_space<hbm>> -> memref<512xi32, #tpu.memory_space<hbm>>
        tpu.wait_dma2 semaphore(%run_scoped3A : memref<!tpu.dma_semaphore, #tpu.memory_space<semaphore_mem>>) src(%arg9 : memref<512xi32, #tpu.memory_space<vmem>>) dst(%dma_wait3A_783 : memref<512xi32, #tpu.memory_space<hbm>>)
        tpu.yield
      }) : () -> ()
      %broadcast_in_dim3A_393 = arith.constant 0xFF800000 : f32
      %broadcast_in_dim3A_394 = vector.broadcast %broadcast_in_dim3A_393 : f32 to vector<16xf32>
      %scan3A_395 = arith.constant 0 : i32
      %scan3A_396 = arith.constant 32 : i32
      %scan3A_397 = arith.addi %scan3A_395, %scan3A_396 : i32
      %scan3A_398 = arith.constant 1 : i32
      %scan3A_399 = scf.for %scan3A_774 = %scan3A_395 to %scan3A_397 step %scan3A_398 iter_args(%scan3A_775 = %broadcast_in_dim3A_394) -> (vector<16xf32>)  : i32 {
        %mul3A_776 = arith.constant 16 : i32
        %mul3A_777 = arith.muli %scan3A_774, %mul3A_776 : i32
        %get3A = arith.index_cast %mul3A_777 : i32 to index
        %get3A_778 = tpu.vector_load %arg10[%get3A] {strides = array<i32>} : memref<512xf32, #tpu.memory_space<vmem>>, vector<16xf32>,
        %max3A = arith.maximumf %scan3A_775, %get3A_778 : vector<16xf32>
        scf.yield %max3A : vector<16xf32>
      }
      %scan3A_400 = arith.constant 32 : i32
      %reduce_max3A_401 = arith.constant true
      %reduce_max3A_402 = vector.broadcast %reduce_max3A_401 : i1 to vector<16xi1>
      %reduce_max3A_403 = tpu.scan <max>, %scan3A_399 masked %reduce_max3A_402 : vector<16xf32>, vector<16xi1> -> vector<16xf32>
      %reduce_max3A_404 = vector.extract %reduce_max3A_403[15] : f32 from vector<16xf32>
      %broadcast_in_dim3A_405 = arith.constant 0.000000e+00 : f32
      %broadcast_in_dim3A_406 = vector.broadcast %broadcast_in_dim3A_405 : f32 to vector<16xf32>
      %scan3A_407 = arith.constant 0 : i32
      %scan3A_408 = arith.constant 32 : i32
      %scan3A_409 = arith.addi %scan3A_407, %scan3A_408 : i32
      %scan3A_410 = arith.constant 1 : i32
      %scan3A_411 = scf.for %scan3A_774 = %scan3A_407 to %scan3A_409 step %scan3A_410 iter_args(%scan3A_775 = %broadcast_in_dim3A_406) -> (vector<16xf32>)  : i32 {
        %mul3A_776 = arith.constant 16 : i32
        %mul3A_777 = arith.muli %scan3A_774, %mul3A_776 : i32
        %get3A = arith.index_cast %mul3A_777 : i32 to index
        %get3A_778 = tpu.vector_load %arg10[%get3A] {strides = array<i32>} : memref<512xf32, #tpu.memory_space<vmem>>, vector<16xf32>,
        %sub3A_779 = vector.broadcast %reduce_max3A_404 : f32 to vector<16xf32>
        %sub3A_780 = arith.subf %get3A_778, %sub3A_779 : vector<16xf32>
        %exp3A = math.exp %sub3A_780 : vector<16xf32>
        %mul3A_781 = arith.constant 16 : i32
        %mul3A_782 = arith.muli %scan3A_774, %mul3A_781 : i32
        %swap3A_783 = arith.index_cast %mul3A_782 : i32 to index
        %swap3A_784 = tpu.vector_load %arg10[%swap3A_783] {strides = array<i32>} : memref<512xf32, #tpu.memory_space<vmem>>, vector<16xf32>,
        tpu.vector_store %arg10[%swap3A_783], %exp3A {strides = array<i32>} : memref<512xf32, #tpu.memory_space<vmem>>, vector<16xf32>,
        %add3A_785 = arith.addf %scan3A_775, %exp3A : vector<16xf32>
        scf.yield %add3A_785 : vector<16xf32>
      }
      %scan3A_412 = arith.constant 32 : i32
      %broadcast_in_dim3A_413 = arith.constant 1.000000e+00 : f32
      %broadcast_in_dim3A_414 = vector.broadcast %broadcast_in_dim3A_413 : f32 to vector<16xf32>
      %reduce_sum3A = arith.constant true
      %reduce_sum3A_415 = vector.broadcast %reduce_sum3A : i1 to vector<16xi1>
      %reduce_sum3A_416 = tpu.scan <sum>, %scan3A_411 masked %reduce_sum3A_415 : vector<16xf32>, vector<16xi1> -> vector<16xf32>
      %reduce_sum3A_417 = vector.extract %reduce_sum3A_416[15] : f32 from vector<16xf32>
      %mul3A_418 = vector.broadcast %reduce_sum3A_417 : f32 to vector<16xf32>
      %mul3A_419 = arith.mulf %broadcast_in_dim3A_414, %mul3A_418 : vector<16xf32>
      %scan3A_420 = arith.constant 0 : i32
      %scan3A_421 = arith.constant 0 : i32
      %scan3A_422 = arith.constant 32 : i32
      %scan3A_423 = arith.addi %scan3A_421, %scan3A_422 : i32
      %scan3A_424 = arith.constant 1 : i32
      scf.for %scan3A_774 = %scan3A_421 to %scan3A_423 step %scan3A_424  : i32 {
        %mul3A_775 = arith.constant 16 : i32
        %mul3A_776 = arith.muli %scan3A_774, %mul3A_775 : i32
        %get3A = arith.index_cast %mul3A_776 : i32 to index
        %get3A_777 = tpu.vector_load %arg10[%get3A] {strides = array<i32>} : memref<512xf32, #tpu.memory_space<vmem>>, vector<16xf32>,
        %div3A = arith.divf %get3A_777, %mul3A_419 : vector<16xf32>
        %mul3A_778 = arith.constant 16 : i32
        %mul3A_779 = arith.muli %scan3A_774, %mul3A_778 : i32
        %swap3A_780 = arith.index_cast %mul3A_779 : i32 to index
        %swap3A_781 = tpu.vector_load %arg10[%swap3A_780] {strides = array<i32>} : memref<512xf32, #tpu.memory_space<vmem>>, vector<16xf32>,
        tpu.vector_store %arg10[%swap3A_780], %div3A {strides = array<i32>} : memref<512xf32, #tpu.memory_space<vmem>>, vector<16xf32>,
      }
      %scan3A_425 = arith.constant 32 : i32
      "tpu.region"() ({
        %run_scoped3A = tpu.sem_alloc : memref<!tpu.dma_semaphore, #tpu.memory_space<semaphore_mem>>
        %dma_start3A = arith.constant 0 : i32
        %dma_start3A_774 = tpu.memref_slice %arg5[%arg0, %dma_start3A] : memref<2x512xf32, #tpu.memory_space<hbm>> -> memref<1x512xf32, #tpu.memory_space<hbm>>
        %dma_start3A_775 = tpu.memref_squeeze %dma_start3A_774 : memref<1x512xf32, #tpu.memory_space<hbm>> -> memref<512xf32, #tpu.memory_space<hbm>>
        %dma_start3A_776 = arith.constant 0 : i32
        %dma_start3A_777 = tpu.memref_slice %arg5[%arg0, %dma_start3A_776] : memref<2x512xf32, #tpu.memory_space<hbm>> -> memref<1x512xf32, #tpu.memory_space<hbm>>
        %dma_start3A_778 = tpu.memref_squeeze %dma_start3A_777 : memref<1x512xf32, #tpu.memory_space<hbm>> -> memref<512xf32, #tpu.memory_space<hbm>>
        tpu.enqueue_dma source(%arg10 : memref<512xf32, #tpu.memory_space<vmem>>) target(%dma_start3A_778 : memref<512xf32, #tpu.memory_space<hbm>>) target_semaphore(%run_scoped3A : memref<!tpu.dma_semaphore, #tpu.memory_space<semaphore_mem>>)
        %dma_wait3A = arith.constant 0 : i32
        %dma_wait3A_779 = tpu.memref_slice %arg5[%arg0, %dma_wait3A] : memref<2x512xf32, #tpu.memory_space<hbm>> -> memref<1x512xf32, #tpu.memory_space<hbm>>
        %dma_wait3A_780 = tpu.memref_squeeze %dma_wait3A_779 : memref<1x512xf32, #tpu.memory_space<hbm>> -> memref<512xf32, #tpu.memory_space<hbm>>
        %dma_wait3A_781 = arith.constant 0 : i32
        %dma_wait3A_782 = tpu.memref_slice %arg5[%arg0, %dma_wait3A_781] : memref<2x512xf32, #tpu.memory_space<hbm>> -> memref<1x512xf32, #tpu.memory_space<hbm>>
        %dma_wait3A_783 = tpu.memref_squeeze %dma_wait3A_782 : memref<1x512xf32, #tpu.memory_space<hbm>> -> memref<512xf32, #tpu.memory_space<hbm>>
        tpu.wait_dma2 semaphore(%run_scoped3A : memref<!tpu.dma_semaphore, #tpu.memory_space<semaphore_mem>>) src(%arg10 : memref<512xf32, #tpu.memory_space<vmem>>) dst(%dma_wait3A_783 : memref<512xf32, #tpu.memory_space<hbm>>)
        tpu.yield
      }) : () -> ()
      %broadcast_in_dim3A_426 = arith.constant 1 : i32
      %broadcast_in_dim3A_427 = vector.broadcast %broadcast_in_dim3A_426 : i32 to vector<16xi32>
      %broadcast_in_dim3A_428 = arith.constant 0 : i32
      %broadcast_in_dim3A_429 = vector.broadcast %broadcast_in_dim3A_428 : i32 to vector<16xi32>
      %swap3A_430 = arith.constant 0 : index
      %swap3A_431 = tpu.vector_load %arg13[%swap3A_430] {strides = array<i32>} : memref<256xi32, #tpu.memory_space<vmem>>, vector<16xi32>,
      tpu.vector_store %arg13[%swap3A_430], %broadcast_in_dim3A_429 {strides = array<i32>} : memref<256xi32, #tpu.memory_space<vmem>>, vector<16xi32>,
      %broadcast_in_dim3A_432 = arith.constant 0 : i32
      %broadcast_in_dim3A_433 = vector.broadcast %broadcast_in_dim3A_432 : i32 to vector<16xi32>
      %swap3A_434 = arith.constant 16 : index
      %swap3A_435 = tpu.vector_load %arg13[%swap3A_434] {strides = array<i32>} : memref<256xi32, #tpu.memory_space<vmem>>, vector<16xi32>,
      tpu.vector_store %arg13[%swap3A_434], %broadcast_in_dim3A_433 {strides = array<i32>} : memref<256xi32, #tpu.memory_space<vmem>>, vector<16xi32>,
      %broadcast_in_dim3A_436 = arith.constant 0 : i32
      %broadcast_in_dim3A_437 = vector.broadcast %broadcast_in_dim3A_436 : i32 to vector<16xi32>
      %swap3A_438 = arith.constant 32 : index
      %swap3A_439 = tpu.vector_load %arg13[%swap3A_438] {strides = array<i32>} : memref<256xi32, #tpu.memory_space<vmem>>, vector<16xi32>,
      tpu.vector_store %arg13[%swap3A_438], %broadcast_in_dim3A_437 {strides = array<i32>} : memref<256xi32, #tpu.memory_space<vmem>>, vector<16xi32>,
      %broadcast_in_dim3A_440 = arith.constant 0 : i32
      %broadcast_in_dim3A_441 = vector.broadcast %broadcast_in_dim3A_440 : i32 to vector<16xi32>
      %swap3A_442 = arith.constant 48 : index
      %swap3A_443 = tpu.vector_load %arg13[%swap3A_442] {strides = array<i32>} : memref<256xi32, #tpu.memory_space<vmem>>, vector<16xi32>,
      tpu.vector_store %arg13[%swap3A_442], %broadcast_in_dim3A_441 {strides = array<i32>} : memref<256xi32, #tpu.memory_space<vmem>>, vector<16xi32>,
      %broadcast_in_dim3A_444 = arith.constant 0 : i32
      %broadcast_in_dim3A_445 = vector.broadcast %broadcast_in_dim3A_444 : i32 to vector<16xi32>
      %swap3A_446 = arith.constant 64 : index
      %swap3A_447 = tpu.vector_load %arg13[%swap3A_446] {strides = array<i32>} : memref<256xi32, #tpu.memory_space<vmem>>, vector<16xi32>,
      tpu.vector_store %arg13[%swap3A_446], %broadcast_in_dim3A_445 {strides = array<i32>} : memref<256xi32, #tpu.memory_space<vmem>>, vector<16xi32>,
      %broadcast_in_dim3A_448 = arith.constant 0 : i32
      %broadcast_in_dim3A_449 = vector.broadcast %broadcast_in_dim3A_448 : i32 to vector<16xi32>
      %swap3A_450 = arith.constant 80 : index
      %swap3A_451 = tpu.vector_load %arg13[%swap3A_450] {strides = array<i32>} : memref<256xi32, #tpu.memory_space<vmem>>, vector<16xi32>,
      tpu.vector_store %arg13[%swap3A_450], %broadcast_in_dim3A_449 {strides = array<i32>} : memref<256xi32, #tpu.memory_space<vmem>>, vector<16xi32>,
      %broadcast_in_dim3A_452 = arith.constant 0 : i32
      %broadcast_in_dim3A_453 = vector.broadcast %broadcast_in_dim3A_452 : i32 to vector<16xi32>
      %swap3A_454 = arith.constant 96 : index
      %swap3A_455 = tpu.vector_load %arg13[%swap3A_454] {strides = array<i32>} : memref<256xi32, #tpu.memory_space<vmem>>, vector<16xi32>,
      tpu.vector_store %arg13[%swap3A_454], %broadcast_in_dim3A_453 {strides = array<i32>} : memref<256xi32, #tpu.memory_space<vmem>>, vector<16xi32>,
      %broadcast_in_dim3A_456 = arith.constant 0 : i32
      %broadcast_in_dim3A_457 = vector.broadcast %broadcast_in_dim3A_456 : i32 to vector<16xi32>
      %swap3A_458 = arith.constant 112 : index
      %swap3A_459 = tpu.vector_load %arg13[%swap3A_458] {strides = array<i32>} : memref<256xi32, #tpu.memory_space<vmem>>, vector<16xi32>,
      tpu.vector_store %arg13[%swap3A_458], %broadcast_in_dim3A_457 {strides = array<i32>} : memref<256xi32, #tpu.memory_space<vmem>>, vector<16xi32>,
      %broadcast_in_dim3A_460 = arith.constant 0 : i32
      %broadcast_in_dim3A_461 = vector.broadcast %broadcast_in_dim3A_460 : i32 to vector<16xi32>
      %swap3A_462 = arith.constant 128 : index
      %swap3A_463 = tpu.vector_load %arg13[%swap3A_462] {strides = array<i32>} : memref<256xi32, #tpu.memory_space<vmem>>, vector<16xi32>,
      tpu.vector_store %arg13[%swap3A_462], %broadcast_in_dim3A_461 {strides = array<i32>} : memref<256xi32, #tpu.memory_space<vmem>>, vector<16xi32>,
      %broadcast_in_dim3A_464 = arith.constant 0 : i32
      %broadcast_in_dim3A_465 = vector.broadcast %broadcast_in_dim3A_464 : i32 to vector<16xi32>
      %swap3A_466 = arith.constant 144 : index
      %swap3A_467 = tpu.vector_load %arg13[%swap3A_466] {strides = array<i32>} : memref<256xi32, #tpu.memory_space<vmem>>, vector<16xi32>,
      tpu.vector_store %arg13[%swap3A_466], %broadcast_in_dim3A_465 {strides = array<i32>} : memref<256xi32, #tpu.memory_space<vmem>>, vector<16xi32>,
      %broadcast_in_dim3A_468 = arith.constant 0 : i32
      %broadcast_in_dim3A_469 = vector.broadcast %broadcast_in_dim3A_468 : i32 to vector<16xi32>
      %swap3A_470 = arith.constant 160 : index
      %swap3A_471 = tpu.vector_load %arg13[%swap3A_470] {strides = array<i32>} : memref<256xi32, #tpu.memory_space<vmem>>, vector<16xi32>,
      tpu.vector_store %arg13[%swap3A_470], %broadcast_in_dim3A_469 {strides = array<i32>} : memref<256xi32, #tpu.memory_space<vmem>>, vector<16xi32>,
      %broadcast_in_dim3A_472 = arith.constant 0 : i32
      %broadcast_in_dim3A_473 = vector.broadcast %broadcast_in_dim3A_472 : i32 to vector<16xi32>
      %swap3A_474 = arith.constant 176 : index
      %swap3A_475 = tpu.vector_load %arg13[%swap3A_474] {strides = array<i32>} : memref<256xi32, #tpu.memory_space<vmem>>, vector<16xi32>,
      tpu.vector_store %arg13[%swap3A_474], %broadcast_in_dim3A_473 {strides = array<i32>} : memref<256xi32, #tpu.memory_space<vmem>>, vector<16xi32>,
      %broadcast_in_dim3A_476 = arith.constant 0 : i32
      %broadcast_in_dim3A_477 = vector.broadcast %broadcast_in_dim3A_476 : i32 to vector<16xi32>
      %swap3A_478 = arith.constant 192 : index
      %swap3A_479 = tpu.vector_load %arg13[%swap3A_478] {strides = array<i32>} : memref<256xi32, #tpu.memory_space<vmem>>, vector<16xi32>,
      tpu.vector_store %arg13[%swap3A_478], %broadcast_in_dim3A_477 {strides = array<i32>} : memref<256xi32, #tpu.memory_space<vmem>>, vector<16xi32>,
      %broadcast_in_dim3A_480 = arith.constant 0 : i32
      %broadcast_in_dim3A_481 = vector.broadcast %broadcast_in_dim3A_480 : i32 to vector<16xi32>
      %swap3A_482 = arith.constant 208 : index
      %swap3A_483 = tpu.vector_load %arg13[%swap3A_482] {strides = array<i32>} : memref<256xi32, #tpu.memory_space<vmem>>, vector<16xi32>,
      tpu.vector_store %arg13[%swap3A_482], %broadcast_in_dim3A_481 {strides = array<i32>} : memref<256xi32, #tpu.memory_space<vmem>>, vector<16xi32>,
      %broadcast_in_dim3A_484 = arith.constant 0 : i32
      %broadcast_in_dim3A_485 = vector.broadcast %broadcast_in_dim3A_484 : i32 to vector<16xi32>
      %swap3A_486 = arith.constant 224 : index
      %swap3A_487 = tpu.vector_load %arg13[%swap3A_486] {strides = array<i32>} : memref<256xi32, #tpu.memory_space<vmem>>, vector<16xi32>,
      tpu.vector_store %arg13[%swap3A_486], %broadcast_in_dim3A_485 {strides = array<i32>} : memref<256xi32, #tpu.memory_space<vmem>>, vector<16xi32>,
      %broadcast_in_dim3A_488 = arith.constant 0 : i32
      %broadcast_in_dim3A_489 = vector.broadcast %broadcast_in_dim3A_488 : i32 to vector<16xi32>
      %swap3A_490 = arith.constant 240 : index
      %swap3A_491 = tpu.vector_load %arg13[%swap3A_490] {strides = array<i32>} : memref<256xi32, #tpu.memory_space<vmem>>, vector<16xi32>,
      tpu.vector_store %arg13[%swap3A_490], %broadcast_in_dim3A_489 {strides = array<i32>} : memref<256xi32, #tpu.memory_space<vmem>>, vector<16xi32>,
      %scan3A_492 = arith.constant 0 : i32
      %scan3A_493 = arith.constant 255 : i32
      %scan3A_494 = arith.constant 0 : i32
      %scan3A_495 = arith.constant 32 : i32
      %scan3A_496 = arith.addi %scan3A_494, %scan3A_495 : i32
      %scan3A_497 = arith.constant 1 : i32
      scf.for %scan3A_774 = %scan3A_494 to %scan3A_496 step %scan3A_497  : i32 {
        %mul3A_775 = arith.constant 16 : i32
        %mul3A_776 = arith.muli %scan3A_774, %mul3A_775 : i32
        %get3A = arith.index_cast %mul3A_776 : i32 to index
        %get3A_777 = tpu.vector_load %arg8[%get3A] {strides = array<i32>} : memref<512xi32, #tpu.memory_space<vmem>>, vector<16xi32>,
        %shift_right_logical3A_778 = arith.constant 0 : i32
        %shift_right_logical3A_779 = vector.broadcast %shift_right_logical3A_778 : i32 to vector<16xi32>
        %shift_right_logical3A_780 = arith.shrui %get3A_777, %shift_right_logical3A_779 : vector<16xi32>
        %and3A_781 = vector.broadcast %scan3A_493 : i32 to vector<16xi32>
        %and3A_782 = arith.andi %shift_right_logical3A_780, %and3A_781 : vector<16xi32>
        tpu.vector_store_idx %arg13[%and3A_782], %broadcast_in_dim3A_427 {add = true} : memref<256xi32, #tpu.memory_space<vmem>>[vector<16xi32>], vector<16xi32>,
      }
      %scan3A_498 = arith.constant 32 : i32
      %scan3A_499 = arith.constant 0 : i32
      %scan3A_500 = arith.constant 0 : i32
      %scan3A_501 = arith.constant 16 : i32
      %scan3A_502 = arith.addi %scan3A_500, %scan3A_501 : i32
      %scan3A_503 = arith.constant 1 : i32
      %scan3A_504 = scf.for %scan3A_774 = %scan3A_500 to %scan3A_502 step %scan3A_503 iter_args(%scan3A_775 = %scan3A_499) -> (i32)  : i32 {
        %mul3A_776 = arith.constant 16 : i32
        %mul3A_777 = arith.muli %scan3A_774, %mul3A_776 : i32
        %get3A = arith.index_cast %mul3A_777 : i32 to index
        %get3A_778 = tpu.vector_load %arg13[%get3A] {strides = array<i32>} : memref<256xi32, #tpu.memory_space<vmem>>, vector<16xi32>,
        %broadcast_in_dim3A_779 = arith.constant true
        %broadcast_in_dim3A_780 = vector.broadcast %broadcast_in_dim3A_779 : i1 to vector<16xi1>
        %masked_cumsum3A = tpu.scan <sum>, %get3A_778 masked %broadcast_in_dim3A_780 : vector<16xi32>, vector<16xi1> -> vector<16xi32>
        %sub3A_781 = arith.subi %masked_cumsum3A, %get3A_778 : vector<16xi32>
        %add3A_782 = vector.broadcast %scan3A_775 : i32 to vector<16xi32>
        %add3A_783 = arith.addi %sub3A_781, %add3A_782 : vector<16xi32>
        %mul3A_784 = arith.constant 16 : i32
        %mul3A_785 = arith.muli %scan3A_774, %mul3A_784 : i32
        %swap3A_786 = arith.index_cast %mul3A_785 : i32 to index
        %swap3A_787 = tpu.vector_load %arg13[%swap3A_786] {strides = array<i32>} : memref<256xi32, #tpu.memory_space<vmem>>, vector<16xi32>,
        tpu.vector_store %arg13[%swap3A_786], %add3A_783 {strides = array<i32>} : memref<256xi32, #tpu.memory_space<vmem>>, vector<16xi32>,
        %reduce_sum3A_788 = arith.constant true
        %reduce_sum3A_789 = vector.broadcast %reduce_sum3A_788 : i1 to vector<16xi1>
        %reduce_sum3A_790 = tpu.scan <sum>, %get3A_778 masked %reduce_sum3A_789 : vector<16xi32>, vector<16xi1> -> vector<16xi32>
        %reduce_sum3A_791 = vector.extract %reduce_sum3A_790[15] : i32 from vector<16xi32>
        %add3A_792 = arith.addi %scan3A_775, %reduce_sum3A_791 : i32
        scf.yield %add3A_792 : i32
      }
      %scan3A_505 = arith.constant 16 : i32
      %scan3A_506 = arith.constant 0 : i32
      %scan3A_507 = arith.constant 255 : i32
      %scan3A_508 = arith.constant 0 : i32
      %scan3A_509 = arith.constant 32 : i32
      %scan3A_510 = arith.addi %scan3A_508, %scan3A_509 : i32
      %scan3A_511 = arith.constant 1 : i32
      scf.for %scan3A_774 = %scan3A_508 to %scan3A_510 step %scan3A_511  : i32 {
        %mul3A_775 = arith.constant 16 : i32
        %mul3A_776 = arith.muli %scan3A_774, %mul3A_775 : i32
        %get3A = arith.index_cast %mul3A_776 : i32 to index
        %get3A_777 = tpu.vector_load %arg8[%get3A] {strides = array<i32>} : memref<512xi32, #tpu.memory_space<vmem>>, vector<16xi32>,
        %mul3A_778 = arith.constant 16 : i32
        %mul3A_779 = arith.muli %scan3A_774, %mul3A_778 : i32
        %get3A_780 = arith.index_cast %mul3A_779 : i32 to index
        %get3A_781 = tpu.vector_load %arg9[%get3A_780] {strides = array<i32>} : memref<512xi32, #tpu.memory_space<vmem>>, vector<16xi32>,
        %shift_right_logical3A_782 = arith.constant 0 : i32
        %shift_right_logical3A_783 = vector.broadcast %shift_right_logical3A_782 : i32 to vector<16xi32>
        %shift_right_logical3A_784 = arith.shrui %get3A_777, %shift_right_logical3A_783 : vector<16xi32>
        %and3A_785 = vector.broadcast %scan3A_507 : i32 to vector<16xi32>
        %and3A_786 = arith.andi %shift_right_logical3A_784, %and3A_785 : vector<16xi32>
        %broadcast_in_dim3A_787 = arith.constant true
        %broadcast_in_dim3A_788 = vector.broadcast %broadcast_in_dim3A_787 : i1 to vector<16xi1>
        %unique3A, %unique3A_789 = tpu.scan_count mask(%broadcast_in_dim3A_788 : vector<16xi1>) value(%and3A_786 : vector<16xi32>) : vector<16xi1>, vector<16xi32>
        %gather3A = tpu.vector_load_idx %arg13[%and3A_786] : memref<256xi32, #tpu.memory_space<vmem>>[vector<16xi32>], vector<16xi32>,
        %add3A_790 = arith.addi %gather3A, %unique3A_789 : vector<16xi32>
        %sub3A_791 = arith.constant 1 : i32
        %sub3A_792 = vector.broadcast %sub3A_791 : i32 to vector<16xi32>
        %sub3A_793 = arith.subi %add3A_790, %sub3A_792 : vector<16xi32>
        tpu.vector_store_idx %arg11[%sub3A_793], %get3A_777 : memref<4096xi32, #tpu.memory_space<vmem>>[vector<16xi32>], vector<16xi32>,
        tpu.vector_store_idx %arg12[%sub3A_793], %get3A_781 : memref<4096xi32, #tpu.memory_space<vmem>>[vector<16xi32>], vector<16xi32>,
        tpu.vector_store_idx %arg13[%and3A_786], %broadcast_in_dim3A_427 {add = true} : memref<256xi32, #tpu.memory_space<vmem>>[vector<16xi32>], vector<16xi32>,
      }
      %scan3A_512 = arith.constant 32 : i32
      %broadcast_in_dim3A_513 = arith.constant 1 : i32
      %broadcast_in_dim3A_514 = vector.broadcast %broadcast_in_dim3A_513 : i32 to vector<16xi32>
      %broadcast_in_dim3A_515 = arith.constant 0 : i32
      %broadcast_in_dim3A_516 = vector.broadcast %broadcast_in_dim3A_515 : i32 to vector<16xi32>
      %swap3A_517 = arith.constant 0 : index
      %swap3A_518 = tpu.vector_load %arg13[%swap3A_517] {strides = array<i32>} : memref<256xi32, #tpu.memory_space<vmem>>, vector<16xi32>,
      tpu.vector_store %arg13[%swap3A_517], %broadcast_in_dim3A_516 {strides = array<i32>} : memref<256xi32, #tpu.memory_space<vmem>>, vector<16xi32>,
      %broadcast_in_dim3A_519 = arith.constant 0 : i32
      %broadcast_in_dim3A_520 = vector.broadcast %broadcast_in_dim3A_519 : i32 to vector<16xi32>
      %swap3A_521 = arith.constant 16 : index
      %swap3A_522 = tpu.vector_load %arg13[%swap3A_521] {strides = array<i32>} : memref<256xi32, #tpu.memory_space<vmem>>, vector<16xi32>,
      tpu.vector_store %arg13[%swap3A_521], %broadcast_in_dim3A_520 {strides = array<i32>} : memref<256xi32, #tpu.memory_space<vmem>>, vector<16xi32>,
      %broadcast_in_dim3A_523 = arith.constant 0 : i32
      %broadcast_in_dim3A_524 = vector.broadcast %broadcast_in_dim3A_523 : i32 to vector<16xi32>
      %swap3A_525 = arith.constant 32 : index
      %swap3A_526 = tpu.vector_load %arg13[%swap3A_525] {strides = array<i32>} : memref<256xi32, #tpu.memory_space<vmem>>, vector<16xi32>,
      tpu.vector_store %arg13[%swap3A_525], %broadcast_in_dim3A_524 {strides = array<i32>} : memref<256xi32, #tpu.memory_space<vmem>>, vector<16xi32>,
      %broadcast_in_dim3A_527 = arith.constant 0 : i32
      %broadcast_in_dim3A_528 = vector.broadcast %broadcast_in_dim3A_527 : i32 to vector<16xi32>
      %swap3A_529 = arith.constant 48 : index
      %swap3A_530 = tpu.vector_load %arg13[%swap3A_529] {strides = array<i32>} : memref<256xi32, #tpu.memory_space<vmem>>, vector<16xi32>,
      tpu.vector_store %arg13[%swap3A_529], %broadcast_in_dim3A_528 {strides = array<i32>} : memref<256xi32, #tpu.memory_space<vmem>>, vector<16xi32>,
      %broadcast_in_dim3A_531 = arith.constant 0 : i32
      %broadcast_in_dim3A_532 = vector.broadcast %broadcast_in_dim3A_531 : i32 to vector<16xi32>
      %swap3A_533 = arith.constant 64 : index
      %swap3A_534 = tpu.vector_load %arg13[%swap3A_533] {strides = array<i32>} : memref<256xi32, #tpu.memory_space<vmem>>, vector<16xi32>,
      tpu.vector_store %arg13[%swap3A_533], %broadcast_in_dim3A_532 {strides = array<i32>} : memref<256xi32, #tpu.memory_space<vmem>>, vector<16xi32>,
      %broadcast_in_dim3A_535 = arith.constant 0 : i32
      %broadcast_in_dim3A_536 = vector.broadcast %broadcast_in_dim3A_535 : i32 to vector<16xi32>
      %swap3A_537 = arith.constant 80 : index
      %swap3A_538 = tpu.vector_load %arg13[%swap3A_537] {strides = array<i32>} : memref<256xi32, #tpu.memory_space<vmem>>, vector<16xi32>,
      tpu.vector_store %arg13[%swap3A_537], %broadcast_in_dim3A_536 {strides = array<i32>} : memref<256xi32, #tpu.memory_space<vmem>>, vector<16xi32>,
      %broadcast_in_dim3A_539 = arith.constant 0 : i32
      %broadcast_in_dim3A_540 = vector.broadcast %broadcast_in_dim3A_539 : i32 to vector<16xi32>
      %swap3A_541 = arith.constant 96 : index
      %swap3A_542 = tpu.vector_load %arg13[%swap3A_541] {strides = array<i32>} : memref<256xi32, #tpu.memory_space<vmem>>, vector<16xi32>,
      tpu.vector_store %arg13[%swap3A_541], %broadcast_in_dim3A_540 {strides = array<i32>} : memref<256xi32, #tpu.memory_space<vmem>>, vector<16xi32>,
      %broadcast_in_dim3A_543 = arith.constant 0 : i32
      %broadcast_in_dim3A_544 = vector.broadcast %broadcast_in_dim3A_543 : i32 to vector<16xi32>
      %swap3A_545 = arith.constant 112 : index
      %swap3A_546 = tpu.vector_load %arg13[%swap3A_545] {strides = array<i32>} : memref<256xi32, #tpu.memory_space<vmem>>, vector<16xi32>,
      tpu.vector_store %arg13[%swap3A_545], %broadcast_in_dim3A_544 {strides = array<i32>} : memref<256xi32, #tpu.memory_space<vmem>>, vector<16xi32>,
      %broadcast_in_dim3A_547 = arith.constant 0 : i32
      %broadcast_in_dim3A_548 = vector.broadcast %broadcast_in_dim3A_547 : i32 to vector<16xi32>
      %swap3A_549 = arith.constant 128 : index
      %swap3A_550 = tpu.vector_load %arg13[%swap3A_549] {strides = array<i32>} : memref<256xi32, #tpu.memory_space<vmem>>, vector<16xi32>,
      tpu.vector_store %arg13[%swap3A_549], %broadcast_in_dim3A_548 {strides = array<i32>} : memref<256xi32, #tpu.memory_space<vmem>>, vector<16xi32>,
      %broadcast_in_dim3A_551 = arith.constant 0 : i32
      %broadcast_in_dim3A_552 = vector.broadcast %broadcast_in_dim3A_551 : i32 to vector<16xi32>
      %swap3A_553 = arith.constant 144 : index
      %swap3A_554 = tpu.vector_load %arg13[%swap3A_553] {strides = array<i32>} : memref<256xi32, #tpu.memory_space<vmem>>, vector<16xi32>,
      tpu.vector_store %arg13[%swap3A_553], %broadcast_in_dim3A_552 {strides = array<i32>} : memref<256xi32, #tpu.memory_space<vmem>>, vector<16xi32>,
      %broadcast_in_dim3A_555 = arith.constant 0 : i32
      %broadcast_in_dim3A_556 = vector.broadcast %broadcast_in_dim3A_555 : i32 to vector<16xi32>
      %swap3A_557 = arith.constant 160 : index
      %swap3A_558 = tpu.vector_load %arg13[%swap3A_557] {strides = array<i32>} : memref<256xi32, #tpu.memory_space<vmem>>, vector<16xi32>,
      tpu.vector_store %arg13[%swap3A_557], %broadcast_in_dim3A_556 {strides = array<i32>} : memref<256xi32, #tpu.memory_space<vmem>>, vector<16xi32>,
      %broadcast_in_dim3A_559 = arith.constant 0 : i32
      %broadcast_in_dim3A_560 = vector.broadcast %broadcast_in_dim3A_559 : i32 to vector<16xi32>
      %swap3A_561 = arith.constant 176 : index
      %swap3A_562 = tpu.vector_load %arg13[%swap3A_561] {strides = array<i32>} : memref<256xi32, #tpu.memory_space<vmem>>, vector<16xi32>,
      tpu.vector_store %arg13[%swap3A_561], %broadcast_in_dim3A_560 {strides = array<i32>} : memref<256xi32, #tpu.memory_space<vmem>>, vector<16xi32>,
      %broadcast_in_dim3A_563 = arith.constant 0 : i32
      %broadcast_in_dim3A_564 = vector.broadcast %broadcast_in_dim3A_563 : i32 to vector<16xi32>
      %swap3A_565 = arith.constant 192 : index
      %swap3A_566 = tpu.vector_load %arg13[%swap3A_565] {strides = array<i32>} : memref<256xi32, #tpu.memory_space<vmem>>, vector<16xi32>,
      tpu.vector_store %arg13[%swap3A_565], %broadcast_in_dim3A_564 {strides = array<i32>} : memref<256xi32, #tpu.memory_space<vmem>>, vector<16xi32>,
      %broadcast_in_dim3A_567 = arith.constant 0 : i32
      %broadcast_in_dim3A_568 = vector.broadcast %broadcast_in_dim3A_567 : i32 to vector<16xi32>
      %swap3A_569 = arith.constant 208 : index
      %swap3A_570 = tpu.vector_load %arg13[%swap3A_569] {strides = array<i32>} : memref<256xi32, #tpu.memory_space<vmem>>, vector<16xi32>,
      tpu.vector_store %arg13[%swap3A_569], %broadcast_in_dim3A_568 {strides = array<i32>} : memref<256xi32, #tpu.memory_space<vmem>>, vector<16xi32>,
      %broadcast_in_dim3A_571 = arith.constant 0 : i32
      %broadcast_in_dim3A_572 = vector.broadcast %broadcast_in_dim3A_571 : i32 to vector<16xi32>
      %swap3A_573 = arith.constant 224 : index
      %swap3A_574 = tpu.vector_load %arg13[%swap3A_573] {strides = array<i32>} : memref<256xi32, #tpu.memory_space<vmem>>, vector<16xi32>,
      tpu.vector_store %arg13[%swap3A_573], %broadcast_in_dim3A_572 {strides = array<i32>} : memref<256xi32, #tpu.memory_space<vmem>>, vector<16xi32>,
      %broadcast_in_dim3A_575 = arith.constant 0 : i32
      %broadcast_in_dim3A_576 = vector.broadcast %broadcast_in_dim3A_575 : i32 to vector<16xi32>
      %swap3A_577 = arith.constant 240 : index
      %swap3A_578 = tpu.vector_load %arg13[%swap3A_577] {strides = array<i32>} : memref<256xi32, #tpu.memory_space<vmem>>, vector<16xi32>,
      tpu.vector_store %arg13[%swap3A_577], %broadcast_in_dim3A_576 {strides = array<i32>} : memref<256xi32, #tpu.memory_space<vmem>>, vector<16xi32>,
      %scan3A_579 = arith.constant 0 : i32
      %scan3A_580 = arith.constant 255 : i32
      %scan3A_581 = arith.constant 0 : i32
      %scan3A_582 = arith.constant 32 : i32
      %scan3A_583 = arith.addi %scan3A_581, %scan3A_582 : i32
      %scan3A_584 = arith.constant 1 : i32
      scf.for %scan3A_774 = %scan3A_581 to %scan3A_583 step %scan3A_584  : i32 {
        %mul3A_775 = arith.constant 16 : i32
        %mul3A_776 = arith.muli %scan3A_774, %mul3A_775 : i32
        %get3A = arith.index_cast %mul3A_776 : i32 to index
        %get3A_777 = tpu.vector_load %arg11[%get3A] {strides = array<i32>} : memref<4096xi32, #tpu.memory_space<vmem>>, vector<16xi32>,
        %shift_right_logical3A_778 = arith.constant 8 : i32
        %shift_right_logical3A_779 = vector.broadcast %shift_right_logical3A_778 : i32 to vector<16xi32>
        %shift_right_logical3A_780 = arith.shrui %get3A_777, %shift_right_logical3A_779 : vector<16xi32>
        %and3A_781 = vector.broadcast %scan3A_580 : i32 to vector<16xi32>
        %and3A_782 = arith.andi %shift_right_logical3A_780, %and3A_781 : vector<16xi32>
        tpu.vector_store_idx %arg13[%and3A_782], %broadcast_in_dim3A_514 {add = true} : memref<256xi32, #tpu.memory_space<vmem>>[vector<16xi32>], vector<16xi32>,
      }
      %scan3A_585 = arith.constant 32 : i32
      %scan3A_586 = arith.constant 0 : i32
      %scan3A_587 = arith.constant 0 : i32
      %scan3A_588 = arith.constant 16 : i32
      %scan3A_589 = arith.addi %scan3A_587, %scan3A_588 : i32
      %scan3A_590 = arith.constant 1 : i32
      %scan3A_591 = scf.for %scan3A_774 = %scan3A_587 to %scan3A_589 step %scan3A_590 iter_args(%scan3A_775 = %scan3A_586) -> (i32)  : i32 {
        %mul3A_776 = arith.constant 16 : i32
        %mul3A_777 = arith.muli %scan3A_774, %mul3A_776 : i32
        %get3A = arith.index_cast %mul3A_777 : i32 to index
        %get3A_778 = tpu.vector_load %arg13[%get3A] {strides = array<i32>} : memref<256xi32, #tpu.memory_space<vmem>>, vector<16xi32>,
        %broadcast_in_dim3A_779 = arith.constant true
        %broadcast_in_dim3A_780 = vector.broadcast %broadcast_in_dim3A_779 : i1 to vector<16xi1>
        %masked_cumsum3A = tpu.scan <sum>, %get3A_778 masked %broadcast_in_dim3A_780 : vector<16xi32>, vector<16xi1> -> vector<16xi32>
        %sub3A_781 = arith.subi %masked_cumsum3A, %get3A_778 : vector<16xi32>
        %add3A_782 = vector.broadcast %scan3A_775 : i32 to vector<16xi32>
        %add3A_783 = arith.addi %sub3A_781, %add3A_782 : vector<16xi32>
        %mul3A_784 = arith.constant 16 : i32
        %mul3A_785 = arith.muli %scan3A_774, %mul3A_784 : i32
        %swap3A_786 = arith.index_cast %mul3A_785 : i32 to index
        %swap3A_787 = tpu.vector_load %arg13[%swap3A_786] {strides = array<i32>} : memref<256xi32, #tpu.memory_space<vmem>>, vector<16xi32>,
        tpu.vector_store %arg13[%swap3A_786], %add3A_783 {strides = array<i32>} : memref<256xi32, #tpu.memory_space<vmem>>, vector<16xi32>,
        %reduce_sum3A_788 = arith.constant true
        %reduce_sum3A_789 = vector.broadcast %reduce_sum3A_788 : i1 to vector<16xi1>
        %reduce_sum3A_790 = tpu.scan <sum>, %get3A_778 masked %reduce_sum3A_789 : vector<16xi32>, vector<16xi1> -> vector<16xi32>
        %reduce_sum3A_791 = vector.extract %reduce_sum3A_790[15] : i32 from vector<16xi32>
        %add3A_792 = arith.addi %scan3A_775, %reduce_sum3A_791 : i32
        scf.yield %add3A_792 : i32
      }
      %scan3A_592 = arith.constant 16 : i32
      %scan3A_593 = arith.constant 0 : i32
      %scan3A_594 = arith.constant 255 : i32
      %scan3A_595 = arith.constant 0 : i32
      %scan3A_596 = arith.constant 32 : i32
      %scan3A_597 = arith.addi %scan3A_595, %scan3A_596 : i32
      %scan3A_598 = arith.constant 1 : i32
      scf.for %scan3A_774 = %scan3A_595 to %scan3A_597 step %scan3A_598  : i32 {
        %mul3A_775 = arith.constant 16 : i32
        %mul3A_776 = arith.muli %scan3A_774, %mul3A_775 : i32
        %get3A = arith.index_cast %mul3A_776 : i32 to index
        %get3A_777 = tpu.vector_load %arg11[%get3A] {strides = array<i32>} : memref<4096xi32, #tpu.memory_space<vmem>>, vector<16xi32>,
        %mul3A_778 = arith.constant 16 : i32
        %mul3A_779 = arith.muli %scan3A_774, %mul3A_778 : i32
        %get3A_780 = arith.index_cast %mul3A_779 : i32 to index
        %get3A_781 = tpu.vector_load %arg12[%get3A_780] {strides = array<i32>} : memref<4096xi32, #tpu.memory_space<vmem>>, vector<16xi32>,
        %shift_right_logical3A_782 = arith.constant 8 : i32
        %shift_right_logical3A_783 = vector.broadcast %shift_right_logical3A_782 : i32 to vector<16xi32>
        %shift_right_logical3A_784 = arith.shrui %get3A_777, %shift_right_logical3A_783 : vector<16xi32>
        %and3A_785 = vector.broadcast %scan3A_594 : i32 to vector<16xi32>
        %and3A_786 = arith.andi %shift_right_logical3A_784, %and3A_785 : vector<16xi32>
        %broadcast_in_dim3A_787 = arith.constant true
        %broadcast_in_dim3A_788 = vector.broadcast %broadcast_in_dim3A_787 : i1 to vector<16xi1>
        %unique3A, %unique3A_789 = tpu.scan_count mask(%broadcast_in_dim3A_788 : vector<16xi1>) value(%and3A_786 : vector<16xi32>) : vector<16xi1>, vector<16xi32>
        %gather3A = tpu.vector_load_idx %arg13[%and3A_786] : memref<256xi32, #tpu.memory_space<vmem>>[vector<16xi32>], vector<16xi32>,
        %add3A_790 = arith.addi %gather3A, %unique3A_789 : vector<16xi32>
        %sub3A_791 = arith.constant 1 : i32
        %sub3A_792 = vector.broadcast %sub3A_791 : i32 to vector<16xi32>
        %sub3A_793 = arith.subi %add3A_790, %sub3A_792 : vector<16xi32>
        tpu.vector_store_idx %arg8[%sub3A_793], %get3A_777 : memref<512xi32, #tpu.memory_space<vmem>>[vector<16xi32>], vector<16xi32>,
        tpu.vector_store_idx %arg9[%sub3A_793], %get3A_781 : memref<512xi32, #tpu.memory_space<vmem>>[vector<16xi32>], vector<16xi32>,
        tpu.vector_store_idx %arg13[%and3A_786], %broadcast_in_dim3A_514 {add = true} : memref<256xi32, #tpu.memory_space<vmem>>[vector<16xi32>], vector<16xi32>,
      }
      %scan3A_599 = arith.constant 32 : i32
      %broadcast_in_dim3A_600 = arith.constant 1 : i32
      %broadcast_in_dim3A_601 = vector.broadcast %broadcast_in_dim3A_600 : i32 to vector<16xi32>
      %broadcast_in_dim3A_602 = arith.constant 0 : i32
      %broadcast_in_dim3A_603 = vector.broadcast %broadcast_in_dim3A_602 : i32 to vector<16xi32>
      %swap3A_604 = arith.constant 0 : index
      %swap3A_605 = tpu.vector_load %arg13[%swap3A_604] {strides = array<i32>} : memref<256xi32, #tpu.memory_space<vmem>>, vector<16xi32>,
      tpu.vector_store %arg13[%swap3A_604], %broadcast_in_dim3A_603 {strides = array<i32>} : memref<256xi32, #tpu.memory_space<vmem>>, vector<16xi32>,
      %broadcast_in_dim3A_606 = arith.constant 0 : i32
      %broadcast_in_dim3A_607 = vector.broadcast %broadcast_in_dim3A_606 : i32 to vector<16xi32>
      %swap3A_608 = arith.constant 16 : index
      %swap3A_609 = tpu.vector_load %arg13[%swap3A_608] {strides = array<i32>} : memref<256xi32, #tpu.memory_space<vmem>>, vector<16xi32>,
      tpu.vector_store %arg13[%swap3A_608], %broadcast_in_dim3A_607 {strides = array<i32>} : memref<256xi32, #tpu.memory_space<vmem>>, vector<16xi32>,
      %broadcast_in_dim3A_610 = arith.constant 0 : i32
      %broadcast_in_dim3A_611 = vector.broadcast %broadcast_in_dim3A_610 : i32 to vector<16xi32>
      %swap3A_612 = arith.constant 32 : index
      %swap3A_613 = tpu.vector_load %arg13[%swap3A_612] {strides = array<i32>} : memref<256xi32, #tpu.memory_space<vmem>>, vector<16xi32>,
      tpu.vector_store %arg13[%swap3A_612], %broadcast_in_dim3A_611 {strides = array<i32>} : memref<256xi32, #tpu.memory_space<vmem>>, vector<16xi32>,
      %broadcast_in_dim3A_614 = arith.constant 0 : i32
      %broadcast_in_dim3A_615 = vector.broadcast %broadcast_in_dim3A_614 : i32 to vector<16xi32>
      %swap3A_616 = arith.constant 48 : index
      %swap3A_617 = tpu.vector_load %arg13[%swap3A_616] {strides = array<i32>} : memref<256xi32, #tpu.memory_space<vmem>>, vector<16xi32>,
      tpu.vector_store %arg13[%swap3A_616], %broadcast_in_dim3A_615 {strides = array<i32>} : memref<256xi32, #tpu.memory_space<vmem>>, vector<16xi32>,
      %broadcast_in_dim3A_618 = arith.constant 0 : i32
      %broadcast_in_dim3A_619 = vector.broadcast %broadcast_in_dim3A_618 : i32 to vector<16xi32>
      %swap3A_620 = arith.constant 64 : index
      %swap3A_621 = tpu.vector_load %arg13[%swap3A_620] {strides = array<i32>} : memref<256xi32, #tpu.memory_space<vmem>>, vector<16xi32>,
      tpu.vector_store %arg13[%swap3A_620], %broadcast_in_dim3A_619 {strides = array<i32>} : memref<256xi32, #tpu.memory_space<vmem>>, vector<16xi32>,
      %broadcast_in_dim3A_622 = arith.constant 0 : i32
      %broadcast_in_dim3A_623 = vector.broadcast %broadcast_in_dim3A_622 : i32 to vector<16xi32>
      %swap3A_624 = arith.constant 80 : index
      %swap3A_625 = tpu.vector_load %arg13[%swap3A_624] {strides = array<i32>} : memref<256xi32, #tpu.memory_space<vmem>>, vector<16xi32>,
      tpu.vector_store %arg13[%swap3A_624], %broadcast_in_dim3A_623 {strides = array<i32>} : memref<256xi32, #tpu.memory_space<vmem>>, vector<16xi32>,
      %broadcast_in_dim3A_626 = arith.constant 0 : i32
      %broadcast_in_dim3A_627 = vector.broadcast %broadcast_in_dim3A_626 : i32 to vector<16xi32>
      %swap3A_628 = arith.constant 96 : index
      %swap3A_629 = tpu.vector_load %arg13[%swap3A_628] {strides = array<i32>} : memref<256xi32, #tpu.memory_space<vmem>>, vector<16xi32>,
      tpu.vector_store %arg13[%swap3A_628], %broadcast_in_dim3A_627 {strides = array<i32>} : memref<256xi32, #tpu.memory_space<vmem>>, vector<16xi32>,
      %broadcast_in_dim3A_630 = arith.constant 0 : i32
      %broadcast_in_dim3A_631 = vector.broadcast %broadcast_in_dim3A_630 : i32 to vector<16xi32>
      %swap3A_632 = arith.constant 112 : index
      %swap3A_633 = tpu.vector_load %arg13[%swap3A_632] {strides = array<i32>} : memref<256xi32, #tpu.memory_space<vmem>>, vector<16xi32>,
      tpu.vector_store %arg13[%swap3A_632], %broadcast_in_dim3A_631 {strides = array<i32>} : memref<256xi32, #tpu.memory_space<vmem>>, vector<16xi32>,
      %broadcast_in_dim3A_634 = arith.constant 0 : i32
      %broadcast_in_dim3A_635 = vector.broadcast %broadcast_in_dim3A_634 : i32 to vector<16xi32>
      %swap3A_636 = arith.constant 128 : index
      %swap3A_637 = tpu.vector_load %arg13[%swap3A_636] {strides = array<i32>} : memref<256xi32, #tpu.memory_space<vmem>>, vector<16xi32>,
      tpu.vector_store %arg13[%swap3A_636], %broadcast_in_dim3A_635 {strides = array<i32>} : memref<256xi32, #tpu.memory_space<vmem>>, vector<16xi32>,
      %broadcast_in_dim3A_638 = arith.constant 0 : i32
      %broadcast_in_dim3A_639 = vector.broadcast %broadcast_in_dim3A_638 : i32 to vector<16xi32>
      %swap3A_640 = arith.constant 144 : index
      %swap3A_641 = tpu.vector_load %arg13[%swap3A_640] {strides = array<i32>} : memref<256xi32, #tpu.memory_space<vmem>>, vector<16xi32>,
      tpu.vector_store %arg13[%swap3A_640], %broadcast_in_dim3A_639 {strides = array<i32>} : memref<256xi32, #tpu.memory_space<vmem>>, vector<16xi32>,
      %broadcast_in_dim3A_642 = arith.constant 0 : i32
      %broadcast_in_dim3A_643 = vector.broadcast %broadcast_in_dim3A_642 : i32 to vector<16xi32>
      %swap3A_644 = arith.constant 160 : index
      %swap3A_645 = tpu.vector_load %arg13[%swap3A_644] {strides = array<i32>} : memref<256xi32, #tpu.memory_space<vmem>>, vector<16xi32>,
      tpu.vector_store %arg13[%swap3A_644], %broadcast_in_dim3A_643 {strides = array<i32>} : memref<256xi32, #tpu.memory_space<vmem>>, vector<16xi32>,
      %broadcast_in_dim3A_646 = arith.constant 0 : i32
      %broadcast_in_dim3A_647 = vector.broadcast %broadcast_in_dim3A_646 : i32 to vector<16xi32>
      %swap3A_648 = arith.constant 176 : index
      %swap3A_649 = tpu.vector_load %arg13[%swap3A_648] {strides = array<i32>} : memref<256xi32, #tpu.memory_space<vmem>>, vector<16xi32>,
      tpu.vector_store %arg13[%swap3A_648], %broadcast_in_dim3A_647 {strides = array<i32>} : memref<256xi32, #tpu.memory_space<vmem>>, vector<16xi32>,
      %broadcast_in_dim3A_650 = arith.constant 0 : i32
      %broadcast_in_dim3A_651 = vector.broadcast %broadcast_in_dim3A_650 : i32 to vector<16xi32>
      %swap3A_652 = arith.constant 192 : index
      %swap3A_653 = tpu.vector_load %arg13[%swap3A_652] {strides = array<i32>} : memref<256xi32, #tpu.memory_space<vmem>>, vector<16xi32>,
      tpu.vector_store %arg13[%swap3A_652], %broadcast_in_dim3A_651 {strides = array<i32>} : memref<256xi32, #tpu.memory_space<vmem>>, vector<16xi32>,
      %broadcast_in_dim3A_654 = arith.constant 0 : i32
      %broadcast_in_dim3A_655 = vector.broadcast %broadcast_in_dim3A_654 : i32 to vector<16xi32>
      %swap3A_656 = arith.constant 208 : index
      %swap3A_657 = tpu.vector_load %arg13[%swap3A_656] {strides = array<i32>} : memref<256xi32, #tpu.memory_space<vmem>>, vector<16xi32>,
      tpu.vector_store %arg13[%swap3A_656], %broadcast_in_dim3A_655 {strides = array<i32>} : memref<256xi32, #tpu.memory_space<vmem>>, vector<16xi32>,
      %broadcast_in_dim3A_658 = arith.constant 0 : i32
      %broadcast_in_dim3A_659 = vector.broadcast %broadcast_in_dim3A_658 : i32 to vector<16xi32>
      %swap3A_660 = arith.constant 224 : index
      %swap3A_661 = tpu.vector_load %arg13[%swap3A_660] {strides = array<i32>} : memref<256xi32, #tpu.memory_space<vmem>>, vector<16xi32>,
      tpu.vector_store %arg13[%swap3A_660], %broadcast_in_dim3A_659 {strides = array<i32>} : memref<256xi32, #tpu.memory_space<vmem>>, vector<16xi32>,
      %broadcast_in_dim3A_662 = arith.constant 0 : i32
      %broadcast_in_dim3A_663 = vector.broadcast %broadcast_in_dim3A_662 : i32 to vector<16xi32>
      %swap3A_664 = arith.constant 240 : index
      %swap3A_665 = tpu.vector_load %arg13[%swap3A_664] {strides = array<i32>} : memref<256xi32, #tpu.memory_space<vmem>>, vector<16xi32>,
      tpu.vector_store %arg13[%swap3A_664], %broadcast_in_dim3A_663 {strides = array<i32>} : memref<256xi32, #tpu.memory_space<vmem>>, vector<16xi32>,
      %scan3A_666 = arith.constant 0 : i32
      %scan3A_667 = arith.constant 255 : i32
      %scan3A_668 = arith.constant 0 : i32
      %scan3A_669 = arith.constant 32 : i32
      %scan3A_670 = arith.addi %scan3A_668, %scan3A_669 : i32
      %scan3A_671 = arith.constant 1 : i32
      scf.for %scan3A_774 = %scan3A_668 to %scan3A_670 step %scan3A_671  : i32 {
        %mul3A_775 = arith.constant 16 : i32
        %mul3A_776 = arith.muli %scan3A_774, %mul3A_775 : i32
        %get3A = arith.index_cast %mul3A_776 : i32 to index
        %get3A_777 = tpu.vector_load %arg8[%get3A] {strides = array<i32>} : memref<512xi32, #tpu.memory_space<vmem>>, vector<16xi32>,
        %shift_right_logical3A_778 = arith.constant 16 : i32
        %shift_right_logical3A_779 = vector.broadcast %shift_right_logical3A_778 : i32 to vector<16xi32>
        %shift_right_logical3A_780 = arith.shrui %get3A_777, %shift_right_logical3A_779 : vector<16xi32>
        %and3A_781 = vector.broadcast %scan3A_667 : i32 to vector<16xi32>
        %and3A_782 = arith.andi %shift_right_logical3A_780, %and3A_781 : vector<16xi32>
        tpu.vector_store_idx %arg13[%and3A_782], %broadcast_in_dim3A_601 {add = true} : memref<256xi32, #tpu.memory_space<vmem>>[vector<16xi32>], vector<16xi32>,
      }
      %scan3A_672 = arith.constant 32 : i32
      %scan3A_673 = arith.constant 0 : i32
      %scan3A_674 = arith.constant 0 : i32
      %scan3A_675 = arith.constant 16 : i32
      %scan3A_676 = arith.addi %scan3A_674, %scan3A_675 : i32
      %scan3A_677 = arith.constant 1 : i32
      %scan3A_678 = scf.for %scan3A_774 = %scan3A_674 to %scan3A_676 step %scan3A_677 iter_args(%scan3A_775 = %scan3A_673) -> (i32)  : i32 {
        %mul3A_776 = arith.constant 16 : i32
        %mul3A_777 = arith.muli %scan3A_774, %mul3A_776 : i32
        %get3A = arith.index_cast %mul3A_777 : i32 to index
        %get3A_778 = tpu.vector_load %arg13[%get3A] {strides = array<i32>} : memref<256xi32, #tpu.memory_space<vmem>>, vector<16xi32>,
        %broadcast_in_dim3A_779 = arith.constant true
        %broadcast_in_dim3A_780 = vector.broadcast %broadcast_in_dim3A_779 : i1 to vector<16xi1>
        %masked_cumsum3A = tpu.scan <sum>, %get3A_778 masked %broadcast_in_dim3A_780 : vector<16xi32>, vector<16xi1> -> vector<16xi32>
        %sub3A_781 = arith.subi %masked_cumsum3A, %get3A_778 : vector<16xi32>
        %add3A_782 = vector.broadcast %scan3A_775 : i32 to vector<16xi32>
        %add3A_783 = arith.addi %sub3A_781, %add3A_782 : vector<16xi32>
        %mul3A_784 = arith.constant 16 : i32
        %mul3A_785 = arith.muli %scan3A_774, %mul3A_784 : i32
        %swap3A_786 = arith.index_cast %mul3A_785 : i32 to index
        %swap3A_787 = tpu.vector_load %arg13[%swap3A_786] {strides = array<i32>} : memref<256xi32, #tpu.memory_space<vmem>>, vector<16xi32>,
        tpu.vector_store %arg13[%swap3A_786], %add3A_783 {strides = array<i32>} : memref<256xi32, #tpu.memory_space<vmem>>, vector<16xi32>,
        %reduce_sum3A_788 = arith.constant true
        %reduce_sum3A_789 = vector.broadcast %reduce_sum3A_788 : i1 to vector<16xi1>
        %reduce_sum3A_790 = tpu.scan <sum>, %get3A_778 masked %reduce_sum3A_789 : vector<16xi32>, vector<16xi1> -> vector<16xi32>
        %reduce_sum3A_791 = vector.extract %reduce_sum3A_790[15] : i32 from vector<16xi32>
        %add3A_792 = arith.addi %scan3A_775, %reduce_sum3A_791 : i32
        scf.yield %add3A_792 : i32
      }
      %scan3A_679 = arith.constant 16 : i32
      %scan3A_680 = arith.constant 0 : i32
      %scan3A_681 = arith.constant 255 : i32
      %scan3A_682 = arith.constant 0 : i32
      %scan3A_683 = arith.constant 32 : i32
      %scan3A_684 = arith.addi %scan3A_682, %scan3A_683 : i32
      %scan3A_685 = arith.constant 1 : i32
      scf.for %scan3A_774 = %scan3A_682 to %scan3A_684 step %scan3A_685  : i32 {
        %mul3A_775 = arith.constant 16 : i32
        %mul3A_776 = arith.muli %scan3A_774, %mul3A_775 : i32
        %get3A = arith.index_cast %mul3A_776 : i32 to index
        %get3A_777 = tpu.vector_load %arg8[%get3A] {strides = array<i32>} : memref<512xi32, #tpu.memory_space<vmem>>, vector<16xi32>,
        %mul3A_778 = arith.constant 16 : i32
        %mul3A_779 = arith.muli %scan3A_774, %mul3A_778 : i32
        %get3A_780 = arith.index_cast %mul3A_779 : i32 to index
        %get3A_781 = tpu.vector_load %arg9[%get3A_780] {strides = array<i32>} : memref<512xi32, #tpu.memory_space<vmem>>, vector<16xi32>,
        %shift_right_logical3A_782 = arith.constant 16 : i32
        %shift_right_logical3A_783 = vector.broadcast %shift_right_logical3A_782 : i32 to vector<16xi32>
        %shift_right_logical3A_784 = arith.shrui %get3A_777, %shift_right_logical3A_783 : vector<16xi32>
        %and3A_785 = vector.broadcast %scan3A_681 : i32 to vector<16xi32>
        %and3A_786 = arith.andi %shift_right_logical3A_784, %and3A_785 : vector<16xi32>
        %broadcast_in_dim3A_787 = arith.constant true
        %broadcast_in_dim3A_788 = vector.broadcast %broadcast_in_dim3A_787 : i1 to vector<16xi1>
        %unique3A, %unique3A_789 = tpu.scan_count mask(%broadcast_in_dim3A_788 : vector<16xi1>) value(%and3A_786 : vector<16xi32>) : vector<16xi1>, vector<16xi32>
        %gather3A = tpu.vector_load_idx %arg13[%and3A_786] : memref<256xi32, #tpu.memory_space<vmem>>[vector<16xi32>], vector<16xi32>,
        %add3A_790 = arith.addi %gather3A, %unique3A_789 : vector<16xi32>
        %sub3A_791 = arith.constant 1 : i32
        %sub3A_792 = vector.broadcast %sub3A_791 : i32 to vector<16xi32>
        %sub3A_793 = arith.subi %add3A_790, %sub3A_792 : vector<16xi32>
        tpu.vector_store_idx %arg11[%sub3A_793], %get3A_777 : memref<4096xi32, #tpu.memory_space<vmem>>[vector<16xi32>], vector<16xi32>,
        tpu.vector_store_idx %arg12[%sub3A_793], %get3A_781 : memref<4096xi32, #tpu.memory_space<vmem>>[vector<16xi32>], vector<16xi32>,
        tpu.vector_store_idx %arg13[%and3A_786], %broadcast_in_dim3A_601 {add = true} : memref<256xi32, #tpu.memory_space<vmem>>[vector<16xi32>], vector<16xi32>,
      }
      %scan3A_686 = arith.constant 32 : i32
      %broadcast_in_dim3A_687 = arith.constant 1 : i32
      %broadcast_in_dim3A_688 = vector.broadcast %broadcast_in_dim3A_687 : i32 to vector<16xi32>
      %broadcast_in_dim3A_689 = arith.constant 0 : i32
      %broadcast_in_dim3A_690 = vector.broadcast %broadcast_in_dim3A_689 : i32 to vector<16xi32>
      %swap3A_691 = arith.constant 0 : index
      %swap3A_692 = tpu.vector_load %arg13[%swap3A_691] {strides = array<i32>} : memref<256xi32, #tpu.memory_space<vmem>>, vector<16xi32>,
      tpu.vector_store %arg13[%swap3A_691], %broadcast_in_dim3A_690 {strides = array<i32>} : memref<256xi32, #tpu.memory_space<vmem>>, vector<16xi32>,
      %broadcast_in_dim3A_693 = arith.constant 0 : i32
      %broadcast_in_dim3A_694 = vector.broadcast %broadcast_in_dim3A_693 : i32 to vector<16xi32>
      %swap3A_695 = arith.constant 16 : index
      %swap3A_696 = tpu.vector_load %arg13[%swap3A_695] {strides = array<i32>} : memref<256xi32, #tpu.memory_space<vmem>>, vector<16xi32>,
      tpu.vector_store %arg13[%swap3A_695], %broadcast_in_dim3A_694 {strides = array<i32>} : memref<256xi32, #tpu.memory_space<vmem>>, vector<16xi32>,
      %broadcast_in_dim3A_697 = arith.constant 0 : i32
      %broadcast_in_dim3A_698 = vector.broadcast %broadcast_in_dim3A_697 : i32 to vector<16xi32>
      %swap3A_699 = arith.constant 32 : index
      %swap3A_700 = tpu.vector_load %arg13[%swap3A_699] {strides = array<i32>} : memref<256xi32, #tpu.memory_space<vmem>>, vector<16xi32>,
      tpu.vector_store %arg13[%swap3A_699], %broadcast_in_dim3A_698 {strides = array<i32>} : memref<256xi32, #tpu.memory_space<vmem>>, vector<16xi32>,
      %broadcast_in_dim3A_701 = arith.constant 0 : i32
      %broadcast_in_dim3A_702 = vector.broadcast %broadcast_in_dim3A_701 : i32 to vector<16xi32>
      %swap3A_703 = arith.constant 48 : index
      %swap3A_704 = tpu.vector_load %arg13[%swap3A_703] {strides = array<i32>} : memref<256xi32, #tpu.memory_space<vmem>>, vector<16xi32>,
      tpu.vector_store %arg13[%swap3A_703], %broadcast_in_dim3A_702 {strides = array<i32>} : memref<256xi32, #tpu.memory_space<vmem>>, vector<16xi32>,
      %broadcast_in_dim3A_705 = arith.constant 0 : i32
      %broadcast_in_dim3A_706 = vector.broadcast %broadcast_in_dim3A_705 : i32 to vector<16xi32>
      %swap3A_707 = arith.constant 64 : index
      %swap3A_708 = tpu.vector_load %arg13[%swap3A_707] {strides = array<i32>} : memref<256xi32, #tpu.memory_space<vmem>>, vector<16xi32>,
      tpu.vector_store %arg13[%swap3A_707], %broadcast_in_dim3A_706 {strides = array<i32>} : memref<256xi32, #tpu.memory_space<vmem>>, vector<16xi32>,
      %broadcast_in_dim3A_709 = arith.constant 0 : i32
      %broadcast_in_dim3A_710 = vector.broadcast %broadcast_in_dim3A_709 : i32 to vector<16xi32>
      %swap3A_711 = arith.constant 80 : index
      %swap3A_712 = tpu.vector_load %arg13[%swap3A_711] {strides = array<i32>} : memref<256xi32, #tpu.memory_space<vmem>>, vector<16xi32>,
      tpu.vector_store %arg13[%swap3A_711], %broadcast_in_dim3A_710 {strides = array<i32>} : memref<256xi32, #tpu.memory_space<vmem>>, vector<16xi32>,
      %broadcast_in_dim3A_713 = arith.constant 0 : i32
      %broadcast_in_dim3A_714 = vector.broadcast %broadcast_in_dim3A_713 : i32 to vector<16xi32>
      %swap3A_715 = arith.constant 96 : index
      %swap3A_716 = tpu.vector_load %arg13[%swap3A_715] {strides = array<i32>} : memref<256xi32, #tpu.memory_space<vmem>>, vector<16xi32>,
      tpu.vector_store %arg13[%swap3A_715], %broadcast_in_dim3A_714 {strides = array<i32>} : memref<256xi32, #tpu.memory_space<vmem>>, vector<16xi32>,
      %broadcast_in_dim3A_717 = arith.constant 0 : i32
      %broadcast_in_dim3A_718 = vector.broadcast %broadcast_in_dim3A_717 : i32 to vector<16xi32>
      %swap3A_719 = arith.constant 112 : index
      %swap3A_720 = tpu.vector_load %arg13[%swap3A_719] {strides = array<i32>} : memref<256xi32, #tpu.memory_space<vmem>>, vector<16xi32>,
      tpu.vector_store %arg13[%swap3A_719], %broadcast_in_dim3A_718 {strides = array<i32>} : memref<256xi32, #tpu.memory_space<vmem>>, vector<16xi32>,
      %broadcast_in_dim3A_721 = arith.constant 0 : i32
      %broadcast_in_dim3A_722 = vector.broadcast %broadcast_in_dim3A_721 : i32 to vector<16xi32>
      %swap3A_723 = arith.constant 128 : index
      %swap3A_724 = tpu.vector_load %arg13[%swap3A_723] {strides = array<i32>} : memref<256xi32, #tpu.memory_space<vmem>>, vector<16xi32>,
      tpu.vector_store %arg13[%swap3A_723], %broadcast_in_dim3A_722 {strides = array<i32>} : memref<256xi32, #tpu.memory_space<vmem>>, vector<16xi32>,
      %broadcast_in_dim3A_725 = arith.constant 0 : i32
      %broadcast_in_dim3A_726 = vector.broadcast %broadcast_in_dim3A_725 : i32 to vector<16xi32>
      %swap3A_727 = arith.constant 144 : index
      %swap3A_728 = tpu.vector_load %arg13[%swap3A_727] {strides = array<i32>} : memref<256xi32, #tpu.memory_space<vmem>>, vector<16xi32>,
      tpu.vector_store %arg13[%swap3A_727], %broadcast_in_dim3A_726 {strides = array<i32>} : memref<256xi32, #tpu.memory_space<vmem>>, vector<16xi32>,
      %broadcast_in_dim3A_729 = arith.constant 0 : i32
      %broadcast_in_dim3A_730 = vector.broadcast %broadcast_in_dim3A_729 : i32 to vector<16xi32>
      %swap3A_731 = arith.constant 160 : index
      %swap3A_732 = tpu.vector_load %arg13[%swap3A_731] {strides = array<i32>} : memref<256xi32, #tpu.memory_space<vmem>>, vector<16xi32>,
      tpu.vector_store %arg13[%swap3A_731], %broadcast_in_dim3A_730 {strides = array<i32>} : memref<256xi32, #tpu.memory_space<vmem>>, vector<16xi32>,
      %broadcast_in_dim3A_733 = arith.constant 0 : i32
      %broadcast_in_dim3A_734 = vector.broadcast %broadcast_in_dim3A_733 : i32 to vector<16xi32>
      %swap3A_735 = arith.constant 176 : index
      %swap3A_736 = tpu.vector_load %arg13[%swap3A_735] {strides = array<i32>} : memref<256xi32, #tpu.memory_space<vmem>>, vector<16xi32>,
      tpu.vector_store %arg13[%swap3A_735], %broadcast_in_dim3A_734 {strides = array<i32>} : memref<256xi32, #tpu.memory_space<vmem>>, vector<16xi32>,
      %broadcast_in_dim3A_737 = arith.constant 0 : i32
      %broadcast_in_dim3A_738 = vector.broadcast %broadcast_in_dim3A_737 : i32 to vector<16xi32>
      %swap3A_739 = arith.constant 192 : index
      %swap3A_740 = tpu.vector_load %arg13[%swap3A_739] {strides = array<i32>} : memref<256xi32, #tpu.memory_space<vmem>>, vector<16xi32>,
      tpu.vector_store %arg13[%swap3A_739], %broadcast_in_dim3A_738 {strides = array<i32>} : memref<256xi32, #tpu.memory_space<vmem>>, vector<16xi32>,
      %broadcast_in_dim3A_741 = arith.constant 0 : i32
      %broadcast_in_dim3A_742 = vector.broadcast %broadcast_in_dim3A_741 : i32 to vector<16xi32>
      %swap3A_743 = arith.constant 208 : index
      %swap3A_744 = tpu.vector_load %arg13[%swap3A_743] {strides = array<i32>} : memref<256xi32, #tpu.memory_space<vmem>>, vector<16xi32>,
      tpu.vector_store %arg13[%swap3A_743], %broadcast_in_dim3A_742 {strides = array<i32>} : memref<256xi32, #tpu.memory_space<vmem>>, vector<16xi32>,
      %broadcast_in_dim3A_745 = arith.constant 0 : i32
      %broadcast_in_dim3A_746 = vector.broadcast %broadcast_in_dim3A_745 : i32 to vector<16xi32>
      %swap3A_747 = arith.constant 224 : index
      %swap3A_748 = tpu.vector_load %arg13[%swap3A_747] {strides = array<i32>} : memref<256xi32, #tpu.memory_space<vmem>>, vector<16xi32>,
      tpu.vector_store %arg13[%swap3A_747], %broadcast_in_dim3A_746 {strides = array<i32>} : memref<256xi32, #tpu.memory_space<vmem>>, vector<16xi32>,
      %broadcast_in_dim3A_749 = arith.constant 0 : i32
      %broadcast_in_dim3A_750 = vector.broadcast %broadcast_in_dim3A_749 : i32 to vector<16xi32>
      %swap3A_751 = arith.constant 240 : index
      %swap3A_752 = tpu.vector_load %arg13[%swap3A_751] {strides = array<i32>} : memref<256xi32, #tpu.memory_space<vmem>>, vector<16xi32>,
      tpu.vector_store %arg13[%swap3A_751], %broadcast_in_dim3A_750 {strides = array<i32>} : memref<256xi32, #tpu.memory_space<vmem>>, vector<16xi32>,
      %scan3A_753 = arith.constant 0 : i32
      %scan3A_754 = arith.constant 255 : i32
      %scan3A_755 = arith.constant 0 : i32
      %scan3A_756 = arith.constant 32 : i32
      %scan3A_757 = arith.addi %scan3A_755, %scan3A_756 : i32
      %scan3A_758 = arith.constant 1 : i32
      scf.for %scan3A_774 = %scan3A_755 to %scan3A_757 step %scan3A_758  : i32 {
        %mul3A_775 = arith.constant 16 : i32
        %mul3A_776 = arith.muli %scan3A_774, %mul3A_775 : i32
        %get3A = arith.index_cast %mul3A_776 : i32 to index
        %get3A_777 = tpu.vector_load %arg11[%get3A] {strides = array<i32>} : memref<4096xi32, #tpu.memory_space<vmem>>, vector<16xi32>,
        %shift_right_logical3A_778 = arith.constant 24 : i32
        %shift_right_logical3A_779 = vector.broadcast %shift_right_logical3A_778 : i32 to vector<16xi32>
        %shift_right_logical3A_780 = arith.shrui %get3A_777, %shift_right_logical3A_779 : vector<16xi32>
        %and3A_781 = vector.broadcast %scan3A_754 : i32 to vector<16xi32>
        %and3A_782 = arith.andi %shift_right_logical3A_780, %and3A_781 : vector<16xi32>
        tpu.vector_store_idx %arg13[%and3A_782], %broadcast_in_dim3A_688 {add = true} : memref<256xi32, #tpu.memory_space<vmem>>[vector<16xi32>], vector<16xi32>,
      }
      %scan3A_759 = arith.constant 32 : i32
      %scan3A_760 = arith.constant 0 : i32
      %scan3A_761 = arith.constant 0 : i32
      %scan3A_762 = arith.constant 16 : i32
      %scan3A_763 = arith.addi %scan3A_761, %scan3A_762 : i32
      %scan3A_764 = arith.constant 1 : i32
      %scan3A_765 = scf.for %scan3A_774 = %scan3A_761 to %scan3A_763 step %scan3A_764 iter_args(%scan3A_775 = %scan3A_760) -> (i32)  : i32 {
        %mul3A_776 = arith.constant 16 : i32
        %mul3A_777 = arith.muli %scan3A_774, %mul3A_776 : i32
        %get3A = arith.index_cast %mul3A_777 : i32 to index
        %get3A_778 = tpu.vector_load %arg13[%get3A] {strides = array<i32>} : memref<256xi32, #tpu.memory_space<vmem>>, vector<16xi32>,
        %broadcast_in_dim3A_779 = arith.constant true
        %broadcast_in_dim3A_780 = vector.broadcast %broadcast_in_dim3A_779 : i1 to vector<16xi1>
        %masked_cumsum3A = tpu.scan <sum>, %get3A_778 masked %broadcast_in_dim3A_780 : vector<16xi32>, vector<16xi1> -> vector<16xi32>
        %sub3A_781 = arith.subi %masked_cumsum3A, %get3A_778 : vector<16xi32>
        %add3A_782 = vector.broadcast %scan3A_775 : i32 to vector<16xi32>
        %add3A_783 = arith.addi %sub3A_781, %add3A_782 : vector<16xi32>
        %mul3A_784 = arith.constant 16 : i32
        %mul3A_785 = arith.muli %scan3A_774, %mul3A_784 : i32
        %swap3A_786 = arith.index_cast %mul3A_785 : i32 to index
        %swap3A_787 = tpu.vector_load %arg13[%swap3A_786] {strides = array<i32>} : memref<256xi32, #tpu.memory_space<vmem>>, vector<16xi32>,
        tpu.vector_store %arg13[%swap3A_786], %add3A_783 {strides = array<i32>} : memref<256xi32, #tpu.memory_space<vmem>>, vector<16xi32>,
        %reduce_sum3A_788 = arith.constant true
        %reduce_sum3A_789 = vector.broadcast %reduce_sum3A_788 : i1 to vector<16xi1>
        %reduce_sum3A_790 = tpu.scan <sum>, %get3A_778 masked %reduce_sum3A_789 : vector<16xi32>, vector<16xi1> -> vector<16xi32>
        %reduce_sum3A_791 = vector.extract %reduce_sum3A_790[15] : i32 from vector<16xi32>
        %add3A_792 = arith.addi %scan3A_775, %reduce_sum3A_791 : i32
        scf.yield %add3A_792 : i32
      }
      %scan3A_766 = arith.constant 16 : i32
      %scan3A_767 = arith.constant 0 : i32
      %scan3A_768 = arith.constant 255 : i32
      %scan3A_769 = arith.constant 0 : i32
      %scan3A_770 = arith.constant 32 : i32
      %scan3A_771 = arith.addi %scan3A_769, %scan3A_770 : i32
      %scan3A_772 = arith.constant 1 : i32
      scf.for %scan3A_774 = %scan3A_769 to %scan3A_771 step %scan3A_772  : i32 {
        %mul3A_775 = arith.constant 16 : i32
        %mul3A_776 = arith.muli %scan3A_774, %mul3A_775 : i32
        %get3A = arith.index_cast %mul3A_776 : i32 to index
        %get3A_777 = tpu.vector_load %arg11[%get3A] {strides = array<i32>} : memref<4096xi32, #tpu.memory_space<vmem>>, vector<16xi32>,
        %mul3A_778 = arith.constant 16 : i32
        %mul3A_779 = arith.muli %scan3A_774, %mul3A_778 : i32
        %get3A_780 = arith.index_cast %mul3A_779 : i32 to index
        %get3A_781 = tpu.vector_load %arg12[%get3A_780] {strides = array<i32>} : memref<4096xi32, #tpu.memory_space<vmem>>, vector<16xi32>,
        %shift_right_logical3A_782 = arith.constant 24 : i32
        %shift_right_logical3A_783 = vector.broadcast %shift_right_logical3A_782 : i32 to vector<16xi32>
        %shift_right_logical3A_784 = arith.shrui %get3A_777, %shift_right_logical3A_783 : vector<16xi32>
        %and3A_785 = vector.broadcast %scan3A_768 : i32 to vector<16xi32>
        %and3A_786 = arith.andi %shift_right_logical3A_784, %and3A_785 : vector<16xi32>
        %broadcast_in_dim3A_787 = arith.constant true
        %broadcast_in_dim3A_788 = vector.broadcast %broadcast_in_dim3A_787 : i1 to vector<16xi1>
        %unique3A, %unique3A_789 = tpu.scan_count mask(%broadcast_in_dim3A_788 : vector<16xi1>) value(%and3A_786 : vector<16xi32>) : vector<16xi1>, vector<16xi32>
        %gather3A = tpu.vector_load_idx %arg13[%and3A_786] : memref<256xi32, #tpu.memory_space<vmem>>[vector<16xi32>], vector<16xi32>,
        %add3A_790 = arith.addi %gather3A, %unique3A_789 : vector<16xi32>
        %sub3A_791 = arith.constant 1 : i32
        %sub3A_792 = vector.broadcast %sub3A_791 : i32 to vector<16xi32>
        %sub3A_793 = arith.subi %add3A_790, %sub3A_792 : vector<16xi32>
        tpu.vector_store_idx %arg8[%sub3A_793], %get3A_777 : memref<512xi32, #tpu.memory_space<vmem>>[vector<16xi32>], vector<16xi32>,
        tpu.vector_store_idx %arg9[%sub3A_793], %get3A_781 : memref<512xi32, #tpu.memory_space<vmem>>[vector<16xi32>], vector<16xi32>,
        tpu.vector_store_idx %arg13[%and3A_786], %broadcast_in_dim3A_688 {add = true} : memref<256xi32, #tpu.memory_space<vmem>>[vector<16xi32>], vector<16xi32>,
      }
      %scan3A_773 = arith.constant 32 : i32
      "tpu.region"() ({
        %run_scoped3A = tpu.sem_alloc : memref<!tpu.dma_semaphore, #tpu.memory_space<semaphore_mem>>
        %dma_start3A = arith.constant 0 : i32
        %dma_start3A_774 = tpu.memref_slice %arg3[%arg0, %dma_start3A] : memref<2x512xi32, #tpu.memory_space<hbm>> -> memref<1x512xi32, #tpu.memory_space<hbm>>
        %dma_start3A_775 = tpu.memref_squeeze %dma_start3A_774 : memref<1x512xi32, #tpu.memory_space<hbm>> -> memref<512xi32, #tpu.memory_space<hbm>>
        %dma_start3A_776 = arith.constant 0 : i32
        %dma_start3A_777 = tpu.memref_slice %arg3[%arg0, %dma_start3A_776] : memref<2x512xi32, #tpu.memory_space<hbm>> -> memref<1x512xi32, #tpu.memory_space<hbm>>
        %dma_start3A_778 = tpu.memref_squeeze %dma_start3A_777 : memref<1x512xi32, #tpu.memory_space<hbm>> -> memref<512xi32, #tpu.memory_space<hbm>>
        tpu.enqueue_dma source(%arg9 : memref<512xi32, #tpu.memory_space<vmem>>) target(%dma_start3A_778 : memref<512xi32, #tpu.memory_space<hbm>>) target_semaphore(%run_scoped3A : memref<!tpu.dma_semaphore, #tpu.memory_space<semaphore_mem>>)
        %dma_wait3A = arith.constant 0 : i32
        %dma_wait3A_779 = tpu.memref_slice %arg3[%arg0, %dma_wait3A] : memref<2x512xi32, #tpu.memory_space<hbm>> -> memref<1x512xi32, #tpu.memory_space<hbm>>
        %dma_wait3A_780 = tpu.memref_squeeze %dma_wait3A_779 : memref<1x512xi32, #tpu.memory_space<hbm>> -> memref<512xi32, #tpu.memory_space<hbm>>
        %dma_wait3A_781 = arith.constant 0 : i32
        %dma_wait3A_782 = tpu.memref_slice %arg3[%arg0, %dma_wait3A_781] : memref<2x512xi32, #tpu.memory_space<hbm>> -> memref<1x512xi32, #tpu.memory_space<hbm>>
        %dma_wait3A_783 = tpu.memref_squeeze %dma_wait3A_782 : memref<1x512xi32, #tpu.memory_space<hbm>> -> memref<512xi32, #tpu.memory_space<hbm>>
        tpu.wait_dma2 semaphore(%run_scoped3A : memref<!tpu.dma_semaphore, #tpu.memory_space<semaphore_mem>>) src(%arg9 : memref<512xi32, #tpu.memory_space<vmem>>) dst(%dma_wait3A_783 : memref<512xi32, #tpu.memory_space<hbm>>)
        tpu.yield
      }) : () -> ()
    } else {
    }
    return
  }
}

module attributes {stable_mosaic.version = 14 : i64} {
  func.func @_matvec_body(%arg0: i32, %arg1: memref<8192x512xf32, #tpu.memory_space<vmem>>, %arg2: memref<1x512xf32, #tpu.memory_space<vmem>>, %arg3: memref<1x8192xf32, #tpu.memory_space<vmem>>) attributes {dimension_semantics = [#tpu.dimension_semantics<arbitrary>], iteration_bounds = array<i64: 8>, scalar_prefetch = 0 : i64, scratch_operands = 0 : i64, tpu.core_type = #tpu.core_type<tc>, window_params = [{transform_indices = @transform_0, window_bounds = array<i64: 8192, 512>}, {transform_indices = @transform_1, window_bounds = array<i64: 1, 512>}, {pipeline_mode = #tpu.pipeline_mode<synchronous>, transform_indices = @transform_2, window_bounds = array<i64: 1, 8192>}]} {
    %eq3A = arith.constant 0 : i32
    %eq3A_0 = arith.cmpi eq, %arg0, %eq3A : i32
    %convert_element_type3A = arith.extui %eq3A_0 : i1 to i32
    %cond3A = arith.constant 0 : i32
    %cond3A_1 = arith.cmpi ne, %convert_element_type3A, %cond3A : i32
    scf.if %cond3A_1 {
      %get3A = arith.constant 0 : index
      %get3A_6 = arith.constant 0 : index
      %get3A_7 = vector.load %arg2[%get3A, %get3A_6] : memref<1x512xf32, #tpu.memory_space<vmem>>, vector<1x128xf32>
      %get3A_8 = arith.constant 0 : index
      %get3A_9 = arith.constant 0 : index
      %get3A_10 = vector.load %arg1[%get3A_8, %get3A_9] : memref<8192x512xf32, #tpu.memory_space<vmem>>, vector<8192x128xf32>
      %dot_general3A = arith.constant dense<0.000000e+00> : vector<1x8192xf32>
      %dot_general3A_11 = tpu.matmul %get3A_7, %get3A_10, %dot_general3A {dimension_numbers = #tpu.dot_dimension_numbers<[1], [1], [0], [0], [0, 0, 1, 0], [], []>, transpose_lhs_hint = false} : vector<1x128xf32>, vector<8192x128xf32>, vector<1x8192xf32> -> vector<1x8192xf32>
      %get3A_12 = arith.constant 0 : index
      %get3A_13 = arith.constant 128 : index
      %get3A_14 = vector.load %arg2[%get3A_12, %get3A_13] : memref<1x512xf32, #tpu.memory_space<vmem>>, vector<1x128xf32>
      %get3A_15 = arith.constant 0 : index
      %get3A_16 = arith.constant 128 : index
      %get3A_17 = vector.load %arg1[%get3A_15, %get3A_16] : memref<8192x512xf32, #tpu.memory_space<vmem>>, vector<8192x128xf32>
      %dot_general3A_18 = arith.constant dense<0.000000e+00> : vector<1x8192xf32>
      %dot_general3A_19 = tpu.matmul %get3A_14, %get3A_17, %dot_general3A_18 {dimension_numbers = #tpu.dot_dimension_numbers<[1], [1], [0], [0], [0, 0, 1, 0], [], []>, transpose_lhs_hint = false} : vector<1x128xf32>, vector<8192x128xf32>, vector<1x8192xf32> -> vector<1x8192xf32>
      %add3A = arith.addf %dot_general3A_11, %dot_general3A_19 : vector<1x8192xf32>
      %get3A_20 = arith.constant 0 : index
      %get3A_21 = arith.constant 256 : index
      %get3A_22 = vector.load %arg2[%get3A_20, %get3A_21] : memref<1x512xf32, #tpu.memory_space<vmem>>, vector<1x128xf32>
      %get3A_23 = arith.constant 0 : index
      %get3A_24 = arith.constant 256 : index
      %get3A_25 = vector.load %arg1[%get3A_23, %get3A_24] : memref<8192x512xf32, #tpu.memory_space<vmem>>, vector<8192x128xf32>
      %dot_general3A_26 = arith.constant dense<0.000000e+00> : vector<1x8192xf32>
      %dot_general3A_27 = tpu.matmul %get3A_22, %get3A_25, %dot_general3A_26 {dimension_numbers = #tpu.dot_dimension_numbers<[1], [1], [0], [0], [0, 0, 1, 0], [], []>, transpose_lhs_hint = false} : vector<1x128xf32>, vector<8192x128xf32>, vector<1x8192xf32> -> vector<1x8192xf32>
      %get3A_28 = arith.constant 0 : index
      %get3A_29 = arith.constant 384 : index
      %get3A_30 = vector.load %arg2[%get3A_28, %get3A_29] : memref<1x512xf32, #tpu.memory_space<vmem>>, vector<1x128xf32>
      %get3A_31 = arith.constant 0 : index
      %get3A_32 = arith.constant 384 : index
      %get3A_33 = vector.load %arg1[%get3A_31, %get3A_32] : memref<8192x512xf32, #tpu.memory_space<vmem>>, vector<8192x128xf32>
      %dot_general3A_34 = arith.constant dense<0.000000e+00> : vector<1x8192xf32>
      %dot_general3A_35 = tpu.matmul %get3A_30, %get3A_33, %dot_general3A_34 {dimension_numbers = #tpu.dot_dimension_numbers<[1], [1], [0], [0], [0, 0, 1, 0], [], []>, transpose_lhs_hint = false} : vector<1x128xf32>, vector<8192x128xf32>, vector<1x8192xf32> -> vector<1x8192xf32>
      %add3A_36 = arith.addf %dot_general3A_27, %dot_general3A_35 : vector<1x8192xf32>
      %add3A_37 = arith.addf %add3A, %add3A_36 : vector<1x8192xf32>
      %swap3A = arith.constant 0 : index
      %swap3A_38 = arith.constant 0 : index
      %swap3A_39 = vector.load %arg3[%swap3A, %swap3A_38] : memref<1x8192xf32, #tpu.memory_space<vmem>>, vector<1x8192xf32>
      tpu.vector_store %arg3[%swap3A, %swap3A_38], %add3A_37 {strides = array<i32>} : memref<1x8192xf32, #tpu.memory_space<vmem>>, vector<1x8192xf32>,
    } else {
    }
    %ne3A = arith.constant 0 : i32
    %ne3A_2 = arith.cmpi ne, %arg0, %ne3A : i32
    %convert_element_type3A_3 = arith.extui %ne3A_2 : i1 to i32
    %cond3A_4 = arith.constant 0 : i32
    %cond3A_5 = arith.cmpi ne, %convert_element_type3A_3, %cond3A_4 : i32
    scf.if %cond3A_5 {
      %get3A = arith.constant 0 : index
      %get3A_6 = arith.constant 0 : index
      %get3A_7 = vector.load %arg3[%get3A, %get3A_6] : memref<1x8192xf32, #tpu.memory_space<vmem>>, vector<1x8192xf32>
      %get3A_8 = arith.constant 0 : index
      %get3A_9 = arith.constant 0 : index
      %get3A_10 = vector.load %arg2[%get3A_8, %get3A_9] : memref<1x512xf32, #tpu.memory_space<vmem>>, vector<1x128xf32>
      %get3A_11 = arith.constant 0 : index
      %get3A_12 = arith.constant 0 : index
      %get3A_13 = vector.load %arg1[%get3A_11, %get3A_12] : memref<8192x512xf32, #tpu.memory_space<vmem>>, vector<8192x128xf32>
      %dot_general3A = arith.constant dense<0.000000e+00> : vector<1x8192xf32>
      %dot_general3A_14 = tpu.matmul %get3A_10, %get3A_13, %dot_general3A {dimension_numbers = #tpu.dot_dimension_numbers<[1], [1], [0], [0], [0, 0, 1, 0], [], []>, transpose_lhs_hint = false} : vector<1x128xf32>, vector<8192x128xf32>, vector<1x8192xf32> -> vector<1x8192xf32>
      %get3A_15 = arith.constant 0 : index
      %get3A_16 = arith.constant 128 : index
      %get3A_17 = vector.load %arg2[%get3A_15, %get3A_16] : memref<1x512xf32, #tpu.memory_space<vmem>>, vector<1x128xf32>
      %get3A_18 = arith.constant 0 : index
      %get3A_19 = arith.constant 128 : index
      %get3A_20 = vector.load %arg1[%get3A_18, %get3A_19] : memref<8192x512xf32, #tpu.memory_space<vmem>>, vector<8192x128xf32>
      %dot_general3A_21 = arith.constant dense<0.000000e+00> : vector<1x8192xf32>
      %dot_general3A_22 = tpu.matmul %get3A_17, %get3A_20, %dot_general3A_21 {dimension_numbers = #tpu.dot_dimension_numbers<[1], [1], [0], [0], [0, 0, 1, 0], [], []>, transpose_lhs_hint = false} : vector<1x128xf32>, vector<8192x128xf32>, vector<1x8192xf32> -> vector<1x8192xf32>
      %add3A = arith.addf %dot_general3A_14, %dot_general3A_22 : vector<1x8192xf32>
      %add3A_23 = arith.addf %get3A_7, %add3A : vector<1x8192xf32>
      %get3A_24 = arith.constant 0 : index
      %get3A_25 = arith.constant 256 : index
      %get3A_26 = vector.load %arg2[%get3A_24, %get3A_25] : memref<1x512xf32, #tpu.memory_space<vmem>>, vector<1x128xf32>
      %get3A_27 = arith.constant 0 : index
      %get3A_28 = arith.constant 256 : index
      %get3A_29 = vector.load %arg1[%get3A_27, %get3A_28] : memref<8192x512xf32, #tpu.memory_space<vmem>>, vector<8192x128xf32>
      %dot_general3A_30 = arith.constant dense<0.000000e+00> : vector<1x8192xf32>
      %dot_general3A_31 = tpu.matmul %get3A_26, %get3A_29, %dot_general3A_30 {dimension_numbers = #tpu.dot_dimension_numbers<[1], [1], [0], [0], [0, 0, 1, 0], [], []>, transpose_lhs_hint = false} : vector<1x128xf32>, vector<8192x128xf32>, vector<1x8192xf32> -> vector<1x8192xf32>
      %get3A_32 = arith.constant 0 : index
      %get3A_33 = arith.constant 384 : index
      %get3A_34 = vector.load %arg2[%get3A_32, %get3A_33] : memref<1x512xf32, #tpu.memory_space<vmem>>, vector<1x128xf32>
      %get3A_35 = arith.constant 0 : index
      %get3A_36 = arith.constant 384 : index
      %get3A_37 = vector.load %arg1[%get3A_35, %get3A_36] : memref<8192x512xf32, #tpu.memory_space<vmem>>, vector<8192x128xf32>
      %dot_general3A_38 = arith.constant dense<0.000000e+00> : vector<1x8192xf32>
      %dot_general3A_39 = tpu.matmul %get3A_34, %get3A_37, %dot_general3A_38 {dimension_numbers = #tpu.dot_dimension_numbers<[1], [1], [0], [0], [0, 0, 1, 0], [], []>, transpose_lhs_hint = false} : vector<1x128xf32>, vector<8192x128xf32>, vector<1x8192xf32> -> vector<1x8192xf32>
      %add3A_40 = arith.addf %dot_general3A_31, %dot_general3A_39 : vector<1x8192xf32>
      %add3A_41 = arith.addf %add3A_23, %add3A_40 : vector<1x8192xf32>
      %swap3A = arith.constant 0 : index
      %swap3A_42 = arith.constant 0 : index
      %swap3A_43 = vector.load %arg3[%swap3A, %swap3A_42] : memref<1x8192xf32, #tpu.memory_space<vmem>>, vector<1x8192xf32>
      tpu.vector_store %arg3[%swap3A, %swap3A_42], %add3A_41 {strides = array<i32>} : memref<1x8192xf32, #tpu.memory_space<vmem>>, vector<1x8192xf32>,
    } else {
    }
    return
  }
  func.func @transform_0(%arg0: i32) -> (i32, i32) {
    %c0_i32 = arith.constant 0 : i32
    %c0_i32_0 = arith.constant 0 : i32
    return %c0_i32, %arg0 : i32, i32
  }
  func.func @transform_1(%arg0: i32) -> (i32, i32) {
    %c0_i32 = arith.constant 0 : i32
    %c0_i32_0 = arith.constant 0 : i32
    return %c0_i32, %arg0 : i32, i32
  }
  func.func @transform_2(%arg0: i32) -> (i32, i32) {
    %c0_i32 = arith.constant 0 : i32
    %c0_i32_0 = arith.constant 0 : i32
    %c0_i32_1 = arith.constant 0 : i32
    return %c0_i32, %c0_i32_0 : i32, i32
  }
}

</mosaic_0001>

<sc_bundles>
// kernel: kernel.4.cloned.1.call-start
scs
__scs_entry_jumppad:
0x0: {  	(pc) =	sbr.rel $0x88, $3  }
0x1: {  	(tag) =	ssettag $0x0;
	lr =	simm.s32 $0x1  }
0x2: {  	[smem:$0x3F9F] =	sst lr;
	_ =	strace $0xD0000000  }
0x3: {  	_ = 	snop  }
0x4: {  	_ = 	snop  }
0x5: {  	_ = 	snop  }
0x6: {  	_ = 	snop  }
0x7: {  	_ = 	snop  }
__scs_overlays_trampoline_lowered:
0x8: {  	[smem:$0x3FAE] =	sst s0  }
0x9: {  	[smem:$0x3FAF] =	sst s1  }
0xa: {  	[smem:$0x3FB0] =	sst s2  }
0xb: {  	[smem:$0x3FB1] =	sst s3  }
0xc: {  	[smem:$0x3FB2] =	sst s4  }
0xd: {  	[smem:$0x3FB3] =	sst s5  }
0xe: {  	[smem:$0x3FB4] =	sst s6  }
0xf: {  	[smem:$0x3FB5] =	sst s7  }
0x10: {  	[smem:$0x3FB6] =	sst s8  }
0x11: {  	[smem:$0x3FB7] =	sst s9;
	s0 =	simm.s32 @!p0 $0x0  }
0x12: {  	s1 =	sld [smem:$0x3F9D];
	s0 =	simm.s32 @p0 $0x1  }
0x13: {  	[smem:$0x3FB8] =	sst s0;
	s0 =	simm.s32 @!p1 $0x0  }
0x14: {  	s2 =	sld [smem:$0x3F9C];
	s0 =	simm.s32 @p1 $0x1  }
0x15: {  	[smem:$0x3FB9] =	sst s0;
	s0 =	simm.s32 @!p2 $0x0  }
0x16: {  	s3 =	sld [smem:$0x3FDB];
	s0 =	simm.s32 @p2 $0x1  }
0x17: {  	s4 =	simm.s32 $0x1BF5;
	[smem:$0x3FBB] =	sst s0  }
0x18: {  	s0 =	sld [smem:$0x3F9E];
	_ =	swait.ge [sflag:s4], $0x0  }
0x19: {  	s7 =	sld [smem:$0x3F9F]  }
0x1a: {  	s8 =	sadd.s32 $0xFFFFE003, lr  }
0x1b: {  	s9 =	sadd.s32 $0xFFFFFEF7, lr;
	s5 =	simm.s32 $0xFFFFFFFF;
	p2 =	slt.u32 s8, $0xFFFFF086  }
0x1c: {  	p1 =	slt.u32 s9, $0xF7A;
	s5 =	simm.s32 @!p2 $0x0  }
0x1d: {  	s5 =	simm.s32 @p1 $0x1;
	p0 =	seq.s32 s7, s2  }
0x1e: {  	s7 =	smul.u32 @!p0 $0xF7A, s2;
	p2 =	seq.s32 @!p0 s5, $0x0  }
0x1f: {  	s9 =	smul.u32 $0xF7A, s1;
	s8 =	simm.s32 @!p0 $0x1BF5;
	p2 =	por !p2, p0  }
0x20: {  	[sflag:s8] =	ssyncset.s32 @!p0 $0xFFFFF086;
	s6 =	sadd.s32 @!p0 s3, s7;
	s7 =	simm.s32 @!p0 $0x108  }
0x21: {  	s3 =	sadd.s32 s3, s9;
	s6 =	sadd.s32 @!p0 $0x88, s6;
	s7 =	simm.s32 @p2 $0x1082  }
0x22: {  	[simem:s7], [sflag:s8] =	dma.local @!p0 [hbm:s6], $0xF7A  }
0x23: {  	s9 =	sor.u32 $0xD0000000, s2;
	s6 =	simm.s32 $0x108;
	_ =	swait.ge @!p0 [sflag:s8], $0x0  }
0x24: {  	s3 =	sadd.s32 $0x88, s3;
	s6 =	simm.s32 @!p1 $0x1082;
	[sflag:s4] =	ssyncset.s32 $0xFFFFF086  }
0x25: {  	[simem:s6], [sflag:s4] =	dma.local [hbm:s3], $0xF7A  }
0x26: {  	[smem:$0x3F9F] =	sst s1;
	(tag) =	ssettag s2;
	_ =	strace s9  }
0x27: {  	s1 =	sld [smem:$0x3FAF]  }
0x28: {  	s2 =	sld [smem:$0x3FB0]  }
0x29: {  	s4 =	sld [smem:$0x3FB2]  }
0x2a: {  	p0 =	seq.s32 s5, $0x0;
	s5 =	sld [smem:$0x3FB3]  }
0x2b: {  	s6 =	sld [smem:$0x3FB4]  }
0x2c: {  	s7 =	sld [smem:$0x3FB5]  }
0x2d: {  	s3 =	simm.s32 $0x108;
	s8 =	sld [smem:$0x3FB6]  }
0x2e: {  	s3 =	simm.s32 @!p0 $0x1082;
	s9 =	sld [smem:$0x3FB7]  }
0x2f: {  	lr =	sadd.s32 s0, s3;
	s0 =	sld [smem:$0x3FAE]  }
0x30: {  	s3 =	sld [smem:$0x3FB1]  }
0x31: {  	[smem:$0x3FBA] =	sst s10  }
0x32: {  	s10 =	sld [smem:$0x3FB8];
	_ =	sdelay $0x3  }
0x33: {  	p0 =	seq.s32 s10, $0x1;
	s10 =	sld [smem:$0x3FBA];
	_ =	sdelay $0x3  }
0x34: {  	[smem:$0x3FBA] =	sst s10  }
0x35: {  	s10 =	sld [smem:$0x3FB9];
	_ =	sdelay $0x3  }
0x36: {  	p1 =	seq.s32 s10, $0x1;
	s10 =	sld [smem:$0x3FBA];
	_ =	sdelay $0x3  }
0x37: {  	[smem:$0x3FBA] =	sst s10  }
0x38: {  	s10 =	sld [smem:$0x3FBB]  }
0x39: {  	_ = 	snop;
	(pc) =	sbr.ind lr, $3  }
0x3a: {  	_ = 	snop  }
0x3b: {  	_ = 	snop  }
0x3c: {  	p2 =	seq.s32 s10, $0x1;
	s10 =	sld [smem:$0x3FBA]  }
0x3d: {  	_ =	shalt  }
0x3e: {  	_ =	shalt  }
0x3f: {  	_ =	shalt  }
0x40: {  	_ =	shalt  }
0x41: {  	_ =	shalt  }
0x42: {  	_ =	shalt  }
0x43: {  	_ =	shalt  }
0x44: {  	_ =	shalt  }
0x45: {  	_ =	shalt  }
0x46: {  	_ =	shalt  }
0x47: {  	_ =	shalt  }
0x48: {  	_ =	shalt  }
0x49: {  	_ =	shalt  }
0x4a: {  	_ =	shalt  }
0x4b: {  	_ =	shalt  }
0x4c: {  	_ =	shalt  }
0x4d: {  	_ =	shalt  }
0x4e: {  	_ =	shalt  }
0x4f: {  	_ =	shalt  }
0x50: {  	_ =	shalt  }
0x51: {  	_ =	shalt  }
0x52: {  	_ =	shalt  }
0x53: {  	_ =	shalt  }
0x54: {  	_ =	shalt  }
0x55: {  	_ =	shalt  }
0x56: {  	_ =	shalt  }
0x57: {  	_ =	shalt  }
0x58: {  	_ =	shalt  }
0x59: {  	_ =	shalt  }
0x5a: {  	_ =	shalt  }
0x5b: {  	_ =	shalt  }
0x5c: {  	_ =	shalt  }
0x5d: {  	_ =	shalt  }
0x5e: {  	_ =	shalt  }
0x5f: {  	_ =	shalt  }
0x60: {  	_ =	shalt  }
0x61: {  	_ =	shalt  }
0x62: {  	_ =	shalt  }
0x63: {  	_ =	shalt  }
0x64: {  	_ =	shalt  }
0x65: {  	_ =	shalt  }
0x66: {  	_ =	shalt  }
0x67: {  	_ =	shalt  }
0x68: {  	_ =	shalt  }
0x69: {  	_ =	shalt  }
0x6a: {  	_ =	shalt  }
0x6b: {  	_ =	shalt  }
0x6c: {  	_ =	shalt  }
0x6d: {  	_ =	shalt  }
0x6e: {  	_ =	shalt  }
0x6f: {  	_ =	shalt  }
0x70: {  	_ =	shalt  }
0x71: {  	_ =	shalt  }
0x72: {  	_ =	shalt  }
0x73: {  	_ =	shalt  }
0x74: {  	_ =	shalt  }
0x75: {  	_ =	shalt  }
0x76: {  	_ =	shalt  }
0x77: {  	_ =	shalt  }
0x78: {  	_ =	shalt  }
0x79: {  	_ =	shalt  }
0x7a: {  	_ =	shalt  }
0x7b: {  	_ =	shalt  }
0x7c: {  	_ =	shalt  }
0x7d: {  	_ =	shalt  }
0x7e: {  	_ =	shalt  }
0x7f: {  	_ =	shalt  }
0x80: {  	_ =	shalt  }
0x81: {  	_ =	shalt  }
0x82: {  	_ =	shalt  }
0x83: {  	_ =	shalt  }
0x84: {  	_ =	shalt  }
0x85: {  	_ =	shalt  }
0x86: {  	_ =	shalt  }
0x87: {  	_ =	shalt  }
.Lfunc_end0:
.L_simem_size_0:
called_computation_lowered:
.L_overlay_start_0:
0x88: {  	s2 =	sld [smem:$0x3FD9]  }
0x89: {  	s3 =	sld [smem:$0x3FFE];
	_ =	sdelay $0x1  }
0x8a: {  	s1 =	srdreg.scid  }
0x8b: {  	s0 =	sand.u32 $0x1, s1  }
0x8c: {  	s15 =	sshll.u32 s0, $0xA;
	s2 =	sadd.s32 s3, s2  }
0x8d: {  	s2 =	sadd.s32 s2, s15  }
0x8e: {  	[smem:$0x3FC6] =	sst s2  }
0x8f: {  	_ = 	snop  }
0x90: {  	s2 =	sld [smem:$0x3FD0];
	_ =	sdelay $0x2  }
0x91: {  	s16 =	simm.s32 $0xA;
	s4 =	simm.s32 $0x10  }
0x92: {  	[smem:s4], [sflag:s16] =	dma.local [hbm:s2], $0x1  }
0x93: {  	_ =	swait.eq [sflag:s16], $0x1  }
0x94: {  	s17 =	sld [smem:$0x10]  }
0x95: {  	s18 =	sld [smem:$0x11];
	[sflag:s16] =	ssyncset.done $0x0  }
0x96: {  	s5 =	sld [smem:$0x12];
	[sflag:s16] =	ssyncadd.s32 $0xFFFFFFFF  }
0x97: {  	s19 =	sld [smem:$0x13];
	(tm) =	ssettm $0x1  }
0x98: {  	s6 =	sld [smem:$0x3FFB];
	_ =	sdelay $0x3  }
0x99: {  	_ =	strace s6  }
0x9a: {  	s6 =	sld [smem:$0x3FFC];
	_ =	sdelay $0x3  }
0x9b: {  	_ =	strace s6  }
0x9c: {  	s6 =	sld [smem:$0x3FFD];
	_ =	sdelay $0x3  }
0x9d: {  	_ =	strace s6  }
0x9e: {  	_ =	strace $0x8FFFFFFF  }
0x9f: {  	s20 =	sld [smem:$0x3FDB];
	_ =	sdelay $0x1  }
0xa0: {  	s7 =	simm.s32 $_scs_section_size  }
0xa1: {  	s8 =	simm.s32 $_size__tile_overlayer_lowered;
	s9 =	simm.s32 $_tile_overlayer_lowered  }
0xa2: {  	s23 =	simm.s32 $0x1BFF;
	s22 =	sshll.u32 s9, $0x1;
	s6 =	sadd.s32 s7, s20  }
0xa3: {  	s10 =	simm.s32 $0x0;
	s21 =	sshll.u32 s8, $0x1;
	s8 =	sadd.s32 s22, s6  }
0xa4: {  	[timem:s10], [sflag:s23] =	dma.local [hbm:s8], s21  }
0xa5: {  	_ =	swait.ge [sflag:s23], s21  }
0xa6: {  	s7 =	ssub.s32 $0x0, s21;
	[sflag:s23] =	ssyncset.done $0x0  }
0xa7: {  	[sflag:s23] =	ssyncadd.s32 s7;
	_ =	sdelay $0x1  }
0xa8: {  	s24 =	simm.s32 $0x1B8B  }
0xa9: {  	_ =	swait.ge [sflag:s24], $0x1  }
0xaa: {  	[sflag:s24] =	ssyncset.done $0x0  }
0xab: {  	s25 =	simm.s32 $0x1B8E;
	[sflag:s24] =	ssyncadd.s32 $0xFFFFFFFF  }
0xac: {  	s26 =	simm.s32 $execute0_lowered;
	[smem:$0x3FD2] =	sst s25  }
0xad: {  	s7 =	sshll.u32 s26, $0x1;
	_ =	strace $0x80000046;
	[dreg:$0x1] =	wrdreg $0xFFFFFFFF  }
0xae: {  	s28 =	simm.s32 $_size_execute0_lowered;
	s6 =	sadd.s32 s6, s7;
	[dreg:$0x0] =	wrdreg $0x0  }
0xaf: {  	s7 =	sshll.u32 s28, $0x1;
	[dreg:$0x2] =	wrdreg s6  }
0xb0: {  	[dreg:$0x3] =	wrdreg s7  }
0xb1: {  	[dreg:$0x4] =	wrdreg $0xC0  }
0xb2: {  	_ =	task [dreg:s10], $0x5FFFF  }
0xb3: {  	[dreg:$0x1] =	wrdreg $0xFFFFFFFF  }
0xb4: {  	[dreg:$0x0] =	wrdreg $0x60  }
0xb5: {  	[dreg:$0x2] =	wrdreg s5  }
0xb6: {  	[dreg:$0x3] =	wrdreg s19  }
0xb7: {  	[dreg:$0x4] =	wrdreg s17  }
0xb8: {  	[dreg:$0x5] =	wrdreg s18  }
0xb9: {  	[dreg:$0x6] =	wrdreg $0x9  }
0xba: {  	_ =	task.clear_ibuf [dreg:s10], $0x7FFFF;
	_ =	strace $0x90000046  }
0xbb: {  	s29 =	simm.s32 $0x9;
	_ =	strace $0x80000048  }
0xbc: {  	_ =	swait.ge [sflag:s29], $0x1  }
0xbd: {  	[sflag:s29] =	ssyncadd.s32 $0xFFFFFFFF  }
0xbe: {  	_ =	strace $0x90000048  }
0xbf: {  	_ =	sfence  }
0xc0: {  	s30 =	sld [smem:$0x0];
	_ =	sdelay $0x2  }
0xc1: {  	s31 =	sshll.u32 s1, $0xD;
	s1 =	sshrl.u32 s1, $0x2  }
0xc2: {  	s3 =	sand.u32 $0x4000, s31;
	s1 =	sadd.s32 s1, s30  }
0xc3: {  	s0 =	sor.u32 s3, s0;
	s1 =	sshll.u32 s1, $0x11  }
0xc4: {  	s0 =	sor.u32 s1, s0  }
0xc5: {  	s0 =	sadd.s32 $0x8F2B, s0  }
0xc6: {  	[sflag:s0] =	ssyncadd.remote.s32 $0x1  }
0xc7: {  	_ =	sfence.sel $0xFFFF  }
0xc8: {  	[dreg:$0x0] =	wrdreg $0xFFFFFFFF;
	(pc) =	sbr.abs _section_cstart, $3  }
0xc9: {  	[dreg:$0x1] =	wrdreg $0xFFFFFFFF  }
0xca: {  	_ =	task.clear_ibuf [dreg:s10], $0x2FFFF;
	_ =	strace $0x9FFFFFFF  }
0xcb: {  	(tm) =	ssettm $0x7FFFFFFF  }
tec
execute0_lowered:
.L_overlay_start_1:
0x0: {  	(tag) =	ssettag $0x1  }
0x1: {  	s6 =	stileid.u32  }
0x2: {  	p0 =	sne.s32 s6, $0x0  }
.Ltmp0:
0x3: {  	s5 =	rddreg [dreg:$0x0];
	(pc) =	sbr.rel @!p0 .LBB2_1-.Ltmp0, $4  }
0x4: {  	s4 =	rddreg [dreg:$0x1]  }
0x5: {  	s2 =	rddreg [dreg:$0x2];
	s1 =	simm.s32 $0x0  }
0x6: {  	[smem:$0x7FF] =	sst s1  }
0x7: {  	s3 =	rddreg [dreg:$0x3];
	_ =	strace $0x80000047  }
.LBB2_66:
0x8: {  	_ =	sfence.sel $0x180000  }
0x9: {  	[bflag:$0x0] =	sbarrier.arrive $0xFFFF  }
0xa: {  	_ =	strace $0x90000047  }
0xb: {  	[bflag:$0x2] =	sbarrier.arrive $0xFFFF  }
0xc: {  	s0 =	rddreg [dreg:$0x4]  }
0xd: {  	s0 =	sadd.s32 @!p0 $0x100000, s0  }
0xe: {  	[sflag:s0] =	ssyncadd.tile.s32 @!p0 $0x1;
	_ =	shalt  }
.LBB2_1:
0xf: {  	s6 =	srdreg.scid;
	s9 =	simm.s32 $0x1;
	s10 =	simm.s32 $0x2600  }
0x10: {  	s11 =	simm.s32 $0x3600;
	s12 =	simm.s32 $0x2000;
	s6 =	sand.u32 $0x1, s6  }
0x11: {  	s13 =	simm.s32 $0x2200;
	s14 =	simm.s32 $0x2400;
	s7 =	ssub.s32 $0x2, s6  }
0x12: {  	s15 =	simm.s32 $0x4600;
	s6 =	sshll.u32 s6, $0x4;
	s8 =	sshrl.u32 s7, $0x1  }
0x13: {  	s0 =	sadd.s32 s2, s6;
	s3 =	sadd.s32 s3, s6;
	s4 =	sadd.s32 s4, s6  }
0x14: {  	v0 =	vimm.s32 $0x0;
	v1 =	vlaneseq.u32;
	s5 =	sadd.s32 s5, s6;
	[dreg:$0x5] =	wrdreg s0;
	s7 =	ssub.s32 s7, s8  }
0x15: {  	v2 =	vimm.s32 $0x80;
	v3 =	vimm.s32 $0x1;
	v4 =	vor.u32 $0x80000000, v1;
	s8 =	simm.s32 $0x100;
	s6 =	smax.u32 s7, $0x1;
	s7 =	simm.s32 $0x80  }
.LBB2_2:
0x16: {  	s16 =	simm.s32 $0x0  }
0x17: {  	[tilespmem:s16], [sflag:$0x1] =	stream.strided.gather [hbm4b:s5+s7], $0x1000, s8, s7, $0x38;
	[tilespmem:$0x4700] =	vst v63  }
0x18: {  	_ =	swait.ge [sflag:s9], $0x1000  }
0x19: {  	[sflag:s9] =	ssyncset.done $0x0  }
0x1a: {  	[sflag:s9] =	ssyncadd.s32 $0xFFFFF000  }
0x1b: {  	[tilespmem:$0x4600] =	vst v0  }
0x1c: {  	[tilespmem:$0x4610] =	vst v0  }
0x1d: {  	[tilespmem:$0x4620] =	vst v0  }
0x1e: {  	[tilespmem:$0x4630] =	vst v0  }
0x1f: {  	[tilespmem:$0x4640] =	vst v0  }
0x20: {  	[tilespmem:$0x4650] =	vst v0  }
0x21: {  	[tilespmem:$0x4660] =	vst v0  }
0x22: {  	[tilespmem:$0x4670] =	vst v0  }
0x23: {  	[tilespmem:$0x4680] =	vst v0  }
0x24: {  	[tilespmem:$0x4690] =	vst v0  }
0x25: {  	[tilespmem:$0x46A0] =	vst v0  }
0x26: {  	[tilespmem:$0x46B0] =	vst v0  }
0x27: {  	[tilespmem:$0x46C0] =	vst v0  }
0x28: {  	[tilespmem:$0x46D0] =	vst v0  }
0x29: {  	[tilespmem:$0x46E0] =	vst v0  }
0x2a: {  	s17 =	simm.s32 $0x0;
	[tilespmem:$0x46F0] =	vst v0  }
.LBB2_3:
0x2b: {  	s18 =	sshra.s32 s17, $0x2  }
0x2c: {  	v5 =	vld [tilespmem:s18+$0x0];
	_ =	sdelay $0x4  }
0x2d: {  	v6 =	vshra.s32 v5, $0x1F  }
0x2e: {  	v6 =	vor.u32 $0x80000000, v6  }
0x2f: {  	v5 =	vxor.u32 v5, v6  }
0x30: {  	v6 =	vxor.u32 $0xFFFFFFFF, v5  }
0x31: {  	vm0 =	vlt.s32 v5, $0x0;
	v7 =	vshrl.u32 v6, $0x18  }
0x32: {  	v5 =	vand.u32 $0x7F, v7;
	v7 =	vsel vm0, $0x0, v2  }
0x33: {  	p1 =	sne.s32 s17, $0x3FC0;
	v5 =	vor.u32 v5, v7  }
.Ltmp1:
0x34: {  	_ = 	snop;
	(pc) =	sbr.rel @p1 .LBB2_3-.Ltmp1, $3  }
0x35: {  	_ =	sdelay $0x1  }
0x36: {  	[tilespmem:s18+$0x1000] =	vst v6;
	s18 =	simm.s32 $0x4600  }
0x37: {  	s17 =	sadd.s32 $0x40, s17;
	[tilespmem:v5+s18+$0x0] =	vst.idx.add.s32.msk $0xffff, v3  }
0x38: {  	v5 =	vld [tilespmem:s18+$0x0];
	_ =	sdelay $0x1  }
0x39: {  	s17 =	simm.s32 $0x4610  }
0x3a: {  	v6 =	vld [tilespmem:s17+$0x0];
	_ =	sdelay $0x1  }
0x3b: {  	(xrf0) =	vadd.scan.msk.s32 $0xffff, v5;
	_ =	sdelay $0x2  }
0x3c: {  	s18 =	simm.s32 $0x4620;
	(xrf0) =	vadd.scan.msk.s32 $0xffff, v6  }
0x3d: {  	v7 =	vld [tilespmem:s18+$0x0];
	_ =	sdelay $0x1  }
0x3e: {  	v8, _, _ =	vpop (xrf0)  }
0x3f: {  	(v2sf) =	vpush v8, $0xF;
	_ =	sdelay $0x1  }
0x40: {  	s19 =	simm.s32 $0x4630;
	(xrf0) =	vadd.scan.msk.s32 $0xffff, v7;
	v9, _, _ =	vpop (xrf0)  }
0x41: {  	v10 =	vld [tilespmem:s19+$0x0];
	(v2sf) =	vpush v9, $0xF  }
0x42: {  	v5 =	vsub.s32 v8, v5  }
0x43: {  	v8 =	vadd.s32 s16, v8;
	v5 =	vadd.s32 s16, v5  }
0x44: {  	vm1 =	vgt.s32 v8, $0x1FF;
	vm0 =	vlt.s32 v5, $0x200  }
0x45: {  	v5 =	vxor.u32 $0x80000000, v5;
	vm0 =	vmand vm1, vm0  }
0x46: {  	(xrf0) =	vadd.scan.msk.s32 $0xffff, v10;
	v8 =	vor.u32 s16, v4;
	v11, _, _ =	vpop (xrf0);
	v5 =	vnsel vm0, $0x7FFFFFFF, v5  }
0x47: {  	(v2sf) =	vpush v11, $0xF;
	v8 =	vnsel vm0, $0x7FFFFFFF, v8;
	(xrf0) =	vmax.scan.msk.u32 $0xffff, v5  }
0x48: {  	(xrf0) =	vmax.scan.msk.u32 $0xffff, v8;
	_ =	sdelay $0x3  }
0x49: {  	s20 =	simm.s32 $0x4640;
	v8, _, _ =	vpop (xrf0)  }
0x4a: {  	v12 =	vld [tilespmem:s20+$0x0];
	(v2sf) =	vpush v8, $0xF;
	v5, _, _ =	vpop (xrf0);
	s21 =	spop (v2sf)  }
0x4b: {  	v6 =	vsub.s32 v9, v6;
	(v2sf) =	vpush v5, $0xF;
	v5, _, _ =	vpop (xrf0);
	s22 =	sadd.s32 $0x0, s21  }
0x4c: {  	s23 =	simm.s32 $0x4650;
	(v2sf) =	vpush v5, $0xF;
	v6 =	vadd.s32 s22, v6;
	v9 =	vadd.s32 s22, v9  }
0x4d: {  	s24 =	simm.s32 $0x10;
	v5 =	vsub.s32 v11, v7;
	v7 =	vld [tilespmem:s23+$0x0];
	s19 =	spop (v2sf);
	vm10 =	vlt.s32 v6, $0x200;
	vm11 =	vgt.s32 v9, $0x1FF  }
0x4e: {  	s16 =	sadd.s32 s22, s19;
	v9 =	vor.u32 s24, v4;
	v6 =	vxor.u32 $0x80000000, v6;
	vm0 =	vmand vm11, vm10  }
0x4f: {  	(xrf0) =	vadd.scan.msk.s32 $0xffff, v12;
	v5 =	vadd.s32 s16, v5;
	v11 =	vadd.s32 s16, v11;
	v6 =	vnsel vm0, $0x7FFFFFFF, v6  }
0x50: {  	s25 =	simm.s32 $0x20;
	vm12 =	vlt.s32 v5, $0x200;
	vm13 =	vgt.s32 v11, $0x1FF;
	v9 =	vnsel vm0, $0x7FFFFFFF, v9;
	(xrf0) =	vmax.scan.msk.u32 $0xffff, v6  }
0x51: {  	v5 =	vxor.u32 $0x80000000, v5;
	vm0 =	vmand vm13, vm12;
	v6 =	vor.u32 s25, v4;
	(xrf0) =	vmax.scan.msk.u32 $0xffff, v9  }
0x52: {  	v5 =	vnsel vm0, $0x7FFFFFFF, v5;
	v6 =	vnsel vm0, $0x7FFFFFFF, v6;
	(xrf0) =	vadd.scan.msk.s32 $0xffff, v7  }
0x53: {  	s28 =	spop (v2sf);
	(xrf0) =	vmax.scan.msk.u32 $0xffff, v5  }
0x54: {  	s29 =	sadd.s32 s16, s28  }
0x55: {  	v9 =	vsub.s32 v8, v10;
	v8 =	vadd.s32 s29, v8;
	(xrf0) =	vmax.scan.msk.u32 $0xffff, v6;
	v6, _, _ =	vpop (xrf0)  }
0x56: {  	(v2sf) =	vpush v6, $0xF;
	v10, _, _ =	vpop (xrf0)  }
0x57: {  	v11, _, _ =	vpop (xrf0);
	(v2sf) =	vpush v10, $0xF  }
0x58: {  	vm15 =	vgt.s32 v8, $0x1FF;
	(v2sf) =	vpush v11, $0xF;
	v8, _, _ =	vpop (xrf0)  }
0x59: {  	(v2sf) =	vpush v8, $0xF;
	v11, _, _ =	vpop (xrf0)  }
0x5a: {  	s26 =	simm.s32 $0x4660;
	s31 =	spop (v2sf);
	(v2sf) =	vpush v11, $0xF  }
0x5b: {  	v5 =	vld [tilespmem:s26+$0x0];
	v14, _, _ =	vpop (xrf0)  }
0x5c: {  	s22 =	spop (v2sf);
	(v2sf) =	vpush v14, $0xF  }
0x5d: {  	v9 =	vadd.s32 s29, v9  }
0x5e: {  	vm14 =	vlt.s32 v9, $0x200  }
0x5f: {  	s30 =	simm.s32 $0x30;
	s20 =	simm.s32 $0x60;
	s18 =	simm.s32 $0x70;
	v9 =	vxor.u32 $0x80000000, v9;
	vm0 =	vmand vm15, vm14  }
0x60: {  	s17 =	simm.s32 $0xFFFFFFFF;
	s23 =	simm.s32 $0x40;
	s21 =	simm.s32 $0x50;
	v9 =	vnsel vm0, $0x7FFFFFFF, v9;
	v10 =	vor.u32 s30, v4;
	(xrf0) =	vadd.scan.msk.s32 $0xffff, v5  }
0x61: {  	s16 =	simm.s32 $0xFFFFFFFF;
	s25 =	simm.s32 $0x4670;
	s26 =	simm.s32 $0x80;
	v13 =	vnsel vm0, $0x7FFFFFFF, v10;
	(xrf0) =	vmax.scan.msk.u32 $0xffff, v9  }
0x62: {  	s24 =	sadd.s32 s29, s31;
	s19 =	sxor.u32 $0x80000000, s22;
	s22 =	spop (v2sf);
	v9 =	vsub.s32 v6, v12;
	v10 =	vsub.s32 v8, v7;
	v7 =	vld [tilespmem:s25+$0x0];
	(xrf0) =	vmax.scan.msk.u32 $0xffff, v13  }
.LBB2_5:
0x63: {  	s28 =	smov.u32 s17  }
0x64: {  	s29 =	smov.u32 s16;
	s17 =	sxor.u32 $0x80000000, s22;
	p2 =	sgt.s32 s16, s19  }
0x65: {  	v11 =	vadd.s32 s24, v9;
	v12 =	vadd.s32 s24, v6;
	v6 =	vmovc v8;
	v9 =	vmov v10;
	s22 =	smov.u32 s26;
	s30 =	sadd.s32 $0x10, s26;
	s16 =	smov.u32 s19  }
0x66: {  	p1 =	sne.s32 s26, $0xF0;
	vm0 =	vlt.s32 v11, $0x200;
	vm1 =	vgt.s32 v12, $0x1FF;
	p3 =	sgt.s32 s28, s17;
	s16 =	smov.u32 @p2 s29  }
.Ltmp2:
0x67: {  	v10 =	vor.u32 s23, v4;
	s23 =	smov.u32 s21;
	v15 =	vxor.u32 $0x80000000, v11;
	vm0 =	vmand vm1, vm0;
	s17 =	smov.u32 @p3 s28;
	v8, _, _ =	vpop (xrf0);
	(pc) =	sbr.rel @p1 .LBB2_5-.Ltmp2, $4  }
0x68: {  	s21 =	smov.u32 s20;
	s20 =	smov.u32 s18;
	s18 =	smov.u32 s22;
	v12 =	vnsel vm0, $0x7FFFFFFF, v10;
	v14 =	vnsel vm0, $0x7FFFFFFF, v15;
	(xrf0) =	vadd.scan.msk.s32 $0xffff, v7;
	(v2sf) =	vpush v8, $0xF;
	v13, _, _ =	vpop (xrf0)  }
0x69: {  	s25 =	sadd.s32 $0x10, s25;
	v10 =	vsub.s32 v8, v5;
	v5 =	vmov v7;
	(xrf0) =	vmax.scan.msk.u32 $0xffff, v14;
	s19 =	spop (v2sf);
	v11, _, _ =	vpop (xrf0);
	(v2sf) =	vpush v13, $0xF  }
0x6a: {  	s26 =	smov.u32 s30;
	v7 =	vld [tilespmem:s25+$0x0];
	(xrf0) =	vmax.scan.msk.u32 $0xffff, v12;
	(v2sf) =	vpush v11, $0xF;
	s22 =	spop (v2sf)  }
0x6b: {  	s24 =	sadd.s32 s24, s19;
	s19 =	sxor.u32 $0x80000000, s22;
	s22 =	spop (v2sf)  }
0x6c: {  	_ =	sdelay $0x1  }
0x6d: {  	v11, _, _ =	vpop (xrf0)  }
0x6e: {  	(v2sf) =	vpush v11, $0xF;
	_ =	sdelay $0x6  }
0x6f: {  	v9 =	vadd.s32 s24, v9;
	v6 =	vadd.s32 s24, v6;
	(xrf0) =	vadd.scan.msk.s32 $0xffff, v7  }
0x70: {  	s26 =	spop (v2sf);
	v13 =	vor.u32 s21, v4;
	v63 =	vor.u32 s20, v4;
	vm0 =	vlt.s32 v9, $0x200  }
0x71: {  	vm1 =	vgt.s32 v6, $0x1FF;
	v6 =	vor.u32 s23, v4;
	v9 =	vxor.u32 $0x80000000, v9;
	s26 =	sadd.s32 s24, s26  }
0x72: {  	s23 =	spop (v2sf);
	vm0 =	vmand vm1, vm0;
	v10 =	vadd.s32 s26, v10;
	v8 =	vadd.s32 s26, v8  }
0x73: {  	s25 =	spop (v2sf);
	v6 =	vnsel vm0, $0x7FFFFFFF, v6;
	v12, _, _ =	vpop (xrf0);
	v9 =	vnsel vm0, $0x7FFFFFFF, v9;
	v5 =	vsub.s32 v11, v5  }
0x74: {  	vm11 =	vlt.s32 v10, $0x200;
	vm12 =	vgt.s32 v8, $0x1FF;
	(v2sf) =	vpush v12, $0xF;
	v62, _, _ =	vpop (xrf0);
	s28 =	spop (v2sf)  }
0x75: {  	(xrf0) =	vmax.scan.msk.u32 $0xffff, v9;
	vm0 =	vmand vm12, vm11;
	v9 =	vxor.u32 $0x80000000, v10;
	(v2sf) =	vpush v62, $0xF;
	v8, _, _ =	vpop (xrf0);
	s29 =	spop (v2sf)  }
0x76: {  	v9 =	vnsel vm0, $0x7FFFFFFF, v9;
	v10 =	vnsel vm0, $0x7FFFFFFF, v13;
	v7 =	vsub.s32 v8, v7;
	s26 =	sadd.s32 s26, s28;
	s30 =	spop (v2sf)  }
0x77: {  	(xrf0) =	vmax.scan.msk.u32 $0xffff, v6;
	(v2sf) =	vpush v8, $0xF;
	v5 =	vadd.s32 s26, v5;
	v11 =	vadd.s32 s26, v11;
	s31 =	spop (v2sf)  }
0x78: {  	vm13 =	vlt.s32 v5, $0x200;
	vm2 =	vgt.s32 v11, $0x1FF;
	v5 =	vxor.u32 $0x80000000, v5;
	s20 =	sadd.s32 s26, s31  }
0x79: {  	(xrf0) =	vmax.scan.msk.u32 $0xffff, v9;
	vm1 =	vmand vm2, vm13;
	v6 =	vadd.s32 s20, v7;
	v7 =	vadd.s32 s20, v8  }
0x7a: {  	(xrf0) =	vmax.scan.msk.u32 $0xffff, v10;
	v5 =	vnsel vm1, $0x7FFFFFFF, v5;
	vm14 =	vlt.s32 v6, $0x200;
	vm15 =	vgt.s32 v7, $0x1FF  }
0x7b: {  	v9 =	vnsel vm1, $0x7FFFFFFF, v63;
	(xrf0) =	vmax.scan.msk.u32 $0xffff, v5;
	v5 =	vxor.u32 $0x80000000, v6;
	vm0 =	vmand vm15, vm14  }
0x7c: {  	(xrf0) =	vmax.scan.msk.u32 $0xffff, v9;
	v7 =	vor.u32 s18, v4;
	v6, _, _ =	vpop (xrf0);
	v5 =	vnsel vm0, $0x7FFFFFFF, v5  }
0x7d: {  	v8, _, _ =	vpop (xrf0);
	(v2sf) =	vpush v6, $0xF;
	v6 =	vnsel vm0, $0x7FFFFFFF, v7;
	(xrf0) =	vmax.scan.msk.u32 $0xffff, v5  }
0x7e: {  	(v2sf) =	vpush v8, $0xF;
	(xrf0) =	vmax.scan.msk.u32 $0xffff, v6  }
0x7f: {  	v5, _, _ =	vpop (xrf0)  }
0x80: {  	v6, _, _ =	vpop (xrf0);
	(v2sf) =	vpush v5, $0xF  }
0x81: {  	v5, _, _ =	vpop (xrf0);
	(v2sf) =	vpush v6, $0xF  }
0x82: {  	v6, _, _ =	vpop (xrf0);
	(v2sf) =	vpush v5, $0xF  }
0x83: {  	(v2sf) =	vpush v6, $0xF;
	v5, _, _ =	vpop (xrf0)  }
0x84: {  	p1 =	sgt.s32 s16, s19;
	v6, _, _ =	vpop (xrf0);
	(v2sf) =	vpush v5, $0xF  }
0x85: {  	s19 =	smov.u32 @p1 s16;
	s0 =	spop (v2sf);
	s18 =	sxor.u32 $0x80000000, s22;
	(v2sf) =	vpush v6, $0xF  }
0x86: {  	s2 =	spop (v2sf);
	s22 =	sxor.u32 $0x80000000, s23;
	p1 =	sgt.s32 s17, s18  }
0x87: {  	s18 =	smov.u32 @p1 s17;
	s17 =	sxor.u32 $0x80000000, s25;
	p1 =	sgt.s32 s19, s22  }
0x88: {  	s16 =	sxor.u32 $0x80000000, s0;
	p2 =	sgt.s32 s18, s17;
	s22 =	smov.u32 @p1 s19  }
0x89: {  	s19 =	sxor.u32 $0x80000000, s29;
	s17 =	smov.u32 @p2 s18;
	s18 =	sxor.u32 $0x80000000, s30  }
0x8a: {  	p1 =	sgt.s32 s22, s19;
	s23 =	spop (v2sf);
	p2 =	sgt.s32 s17, s18  }
0x8b: {  	s19 =	smov.u32 @p1 s22;
	s18 =	smov.u32 @p2 s17;
	s17 =	sxor.u32 $0x80000000, s2  }
0x8c: {  	p1 =	sgt.s32 s19, s16;
	p2 =	sgt.s32 s18, s17;
	s24 =	spop (v2sf)  }
0x8d: {  	s16 =	smov.u32 @p1 s19;
	s19 =	sxor.u32 $0x80000000, s24;
	s25 =	spop (v2sf)  }
0x8e: {  	s17 =	smov.u32 @p2 s18;
	s18 =	sxor.u32 $0x80000000, s25;
	p1 =	sgt.s32 s16, s19  }
0x8f: {  	p2 =	sgt.s32 s17, s18;
	s19 =	smov.u32 @p1 s16;
	s26 =	spop (v2sf)  }
0x90: {  	s18 =	smov.u32 @p2 s17;
	s16 =	sxor.u32 $0x80000000, s26;
	s28 =	spop (v2sf)  }
0x91: {  	s17 =	sxor.u32 $0x80000000, s28;
	p1 =	sgt.s32 s19, s16;
	s29 =	spop (v2sf)  }
0x92: {  	p2 =	sgt.s32 s18, s17;
	s16 =	smov.u32 @p1 s19;
	s30 =	spop (v2sf)  }
0x93: {  	s17 =	smov.u32 @p2 s18;
	s19 =	sxor.u32 $0x80000000, s30;
	s31 =	spop (v2sf)  }
0x94: {  	s20 =	sxor.u32 $0x80000000, s29;
	p1 =	sgt.s32 s17, s19;
	s21 =	spop (v2sf)  }
0x95: {  	p2 =	sgt.s32 s16, s20;
	s19 =	smov.u32 @p1 s17;
	s17 =	sxor.u32 $0x80000000, s21  }
0x96: {  	s20 =	smov.u32 @p2 s16;
	p1 =	sgt.s32 s19, s17  }
0x97: {  	s18 =	sxor.u32 $0x80000000, s31;
	s17 =	smov.u32 @p1 s19;
	s19 =	simm.s32 $0x1000  }
0x98: {  	p2 =	sgt.s32 s20, s18;
	v5 =	vld [tilespmem:s19+$0x0]  }
0x99: {  	v7 =	vimm.s32 $0x0;
	v6 =	vimm.s32 $0x0;
	s16 =	simm.s32 $0x0;
	s18 =	smov.u32 @p2 s20;
	s20 =	simm.s32 $0x10;
	v8 =	vmov s17  }
.LBB2_7:
0x9a: {  	p1 =	sne.s32 s20, $0xFF0;
	_ =	sdelay $0x2  }
0x9b: {  	v9 =	vshrl.u32 v5, $0x18  }
0x9c: {  	vm0 =	veq.s32 v9, v8  }
0x9d: {  	v9 =	vsel vm0, $0x1, v0;
	v10 =	vmpcnt.ones.xlane vm0  }
0x9e: {  	(xrf0) =	vadd.scan.msk.s32 $0xffff, v9  }
0x9f: {  	v6 =	vadd.s32 v6, v10;
	_ =	sdelay $0x4  }
0xa0: {  	v9, _, _ =	vpop (xrf0)  }
0xa1: {  	v9 =	vadd.s32 v9, v7;
	v7 =	vmov v6  }
0xa2: {  	v9 =	vadd.s32 $0xFFFFFFFF, v9;
	_ =	sdelay $0x3  }
.Ltmp3:
0xa3: {  	(pc) =	sbr.rel @p1 .LBB2_7-.Ltmp3, $4  }
0xa4: {  	v10 =	vor.u32 s16, v1;
	s16 =	smov.u32 s20;
	[tilespmem:v9+s10+$0x0] =	vst.idx.msk vm0, v5  }
0xa5: {  	s19 =	sadd.s32 $0x10, s19;
	[tilespmem:v9+s11+$0x0] =	vst.idx.msk vm0, v10  }
0xa6: {  	v5 =	vld [tilespmem:s19+$0x0]  }
0xa7: {  	s20 =	sadd.s32 $0x10, s20  }
0xa8: {  	_ =	sdelay $0x2  }
0xa9: {  	v9 =	vshrl.u32 v5, $0x18  }
0xaa: {  	vm0 =	veq.s32 v9, v8  }
0xab: {  	v9 =	vmpcnt.ones.xlane vm0;
	_ =	sdelay $0x1  }
0xac: {  	v8 =	vsel vm0, $0x1, v0;
	v6 =	vadd.s32 v6, v9  }
0xad: {  	(xrf0) =	vadd.scan.msk.s32 $0xffff, v8;
	v6 =	vxor.u32 $0x80000000, v6  }
0xae: {  	(xrf0) =	vmax.scan.msk.u32 $0xffff, v6;
	_ =	sdelay $0x4  }
0xaf: {  	v6, _, _ =	vpop (xrf0)  }
0xb0: {  	v6 =	vadd.s32 v6, v7;
	v7, _, _ =	vpop (xrf0)  }
0xb1: {  	(v2sf) =	vpush v7, $0xF  }
0xb2: {  	v6 =	vadd.s32 $0xFFFFFFFF, v6;
	_ =	sdelay $0x4  }
0xb3: {  	v7 =	vor.u32 s16, v1;
	[tilespmem:v6+s10+$0x0] =	vst.idx.msk vm0, v5  }
0xb4: {  	[tilespmem:v6+s11+$0x0] =	vst.idx.msk vm0, v7  }
0xb5: {  	[tilespmem:$0x4600] =	vst v0  }
0xb6: {  	[tilespmem:$0x4610] =	vst v0  }
0xb7: {  	[tilespmem:$0x4620] =	vst v0  }
0xb8: {  	[tilespmem:$0x4630] =	vst v0  }
0xb9: {  	[tilespmem:$0x4640] =	vst v0  }
0xba: {  	[tilespmem:$0x4650] =	vst v0  }
0xbb: {  	[tilespmem:$0x4660] =	vst v0  }
0xbc: {  	[tilespmem:$0x4670] =	vst v0;
	s19 =	spop (v2sf)  }
0xbd: {  	[tilespmem:$0x4680] =	vst v0;
	s31 =	sadd.s32 $0x8000000F, s19  }
0xbe: {  	[tilespmem:$0x4690] =	vst v0;
	s16 =	sshrl.u32 s31, $0x4  }
0xbf: {  	[tilespmem:$0x46A0] =	vst v0;
	p1 =	seq.s32 s16, $0x0  }
.Ltmp4:
0xc0: {  	[tilespmem:$0x46B0] =	vst v0;
	(pc) =	sbr.rel @p1 .LBB2_15-.Ltmp4, $4  }
0xc1: {  	[tilespmem:$0x46C0] =	vst v0  }
0xc2: {  	[tilespmem:$0x46D0] =	vst v0  }
0xc3: {  	[tilespmem:$0x46E0] =	vst v0;
	s19 =	sxor.u32 $0x80000000, s19  }
0xc4: {  	s17 =	sshll.u32 s17, $0x18;
	[tilespmem:$0x46F0] =	vst v0;
	v5 =	vmov s19  }
0xc5: {  	p3 =	seq.s32 s16, $0x1  }
.Ltmp5:
0xc6: {  	_ = 	snop;
	(pc) =	sbr.rel @p3 .LBB2_10-.Ltmp5, $3  }
0xc7: {  	_ =	sdelay $0x1  }
0xc8: {  	s20 =	simm.s32 $0x2600  }
0xc9: {  	v6 =	vmov s17;
	s19 =	simm.s32 $0x0;
	p2 =	por $0x0, $0x0;
	v7 =	vld [tilespmem:s20+$0x0];
	s20 =	sadd.s32 $0xFFFFFFFF, s16  }
0xca: {  	_ =	sdelay $0x3  }
0xcb: {  	v8 =	vor.u32 s19, v1;
	v9 =	vand.u32 $0xFF000000, v7  }
0xcc: {  	vm1 =	vlt.s32 v8, v5;
	vm0 =	veq.s32 v9, v6  }
0xcd: {  	v7 =	vshrl.u32 v7, $0x10;
	vm0 =	vmand vm1, vm0  }
0xce: {  	v7 =	vand.u32 $0xFF, v7  }
0xcf: {  	p3 =	seq.s32 s20, $0x1  }
.Ltmp6:
0xd0: {  	_ = 	snop;
	(pc) =	sbr.rel @p3 .LBB2_12-.Ltmp6, $3  }
0xd1: {  	_ =	sdelay $0x1  }
0xd2: {  	s21 =	simm.s32 $0x2610;
	[tilespmem:v7+s15+$0x0] =	vst.idx.add.s32.msk vm0, v3  }
0xd3: {  	s22 =	sadd.s32 $0xFFFFFFFF, s20;
	p2 =	por $0x1, $0x1;
	s20 =	simm.s32 $0x0;
	v7 =	vld [tilespmem:s21+$0x0]  }
.LBB2_13:
0xd4: {  	p3 =	seq.s32 s22, $0x1;
	_ =	sdelay $0x2  }
0xd5: {  	s20 =	sadd.s32 $0x10, s20  }
0xd6: {  	v8 =	vor.u32 s20, v1;
	v9 =	vand.u32 $0xFF000000, v7  }
0xd7: {  	vm1 =	vlt.s32 v8, v5;
	vm0 =	veq.s32 v9, v6  }
0xd8: {  	v7 =	vshrl.u32 v7, $0x10;
	vm0 =	vmand vm1, vm0  }
0xd9: {  	v7 =	vand.u32 $0xFF, v7;
	_ =	sdelay $0x1  }
.Ltmp7:
0xda: {  	(pc) =	sbr.rel @!p3 .LBB2_13-.Ltmp7, $3  }
0xdb: {  	_ =	sdelay $0x1  }
0xdc: {  	s21 =	sadd.s32 $0x10, s21;
	[tilespmem:v7+s15+$0x0] =	vst.idx.add.s32.msk vm0, v3  }
0xdd: {  	s22 =	sadd.s32 $0xFFFFFFFF, s22;
	v7 =	vld [tilespmem:s21+$0x0]  }
.LBB2_14:
0xde: {  	_ =	sdelay $0x1  }
0xdf: {  	s20 =	sadd.s32 @p2 $0x10, s20  }
0xe0: {  	s19 =	smov.u32 @p2 s20  }
0xe1: {  	v8 =	vor.u32 s19, v1;
	v9 =	vand.u32 $0xFF000000, v7  }
0xe2: {  	vm1 =	vlt.s32 v8, v5;
	vm0 =	veq.s32 v9, v6  }
0xe3: {  	v6 =	vshrl.u32 v7, $0x10;
	vm0 =	vmand vm1, vm0  }
0xe4: {  	v6 =	vand.u32 $0xFF, v6;
	_ =	sdelay $0x4  }
0xe5: {  	[tilespmem:v6+s15+$0x0] =	vst.idx.add.s32.msk vm0, v3  }
.LBB2_15:
0xe6: {  	s21 =	simm.s32 $0x4600  }
0xe7: {  	v7 =	vld [tilespmem:s21+$0x0];
	_ =	sdelay $0x1  }
0xe8: {  	s19 =	simm.s32 $0x4610  }
0xe9: {  	v8 =	vld [tilespmem:s19+$0x0];
	_ =	sdelay $0x1  }
0xea: {  	(xrf0) =	vadd.scan.msk.s32 $0xffff, v7;
	_ =	sdelay $0x2  }
0xeb: {  	s23 =	simm.s32 $0x4620;
	(xrf0) =	vadd.scan.msk.s32 $0xffff, v8  }
0xec: {  	v9 =	vld [tilespmem:s23+$0x0];
	_ =	sdelay $0x1  }
0xed: {  	v10, _, _ =	vpop (xrf0)  }
0xee: {  	(v2sf) =	vpush v10, $0xF;
	_ =	sdelay $0x1  }
0xef: {  	s24 =	simm.s32 $0x4630;
	(xrf0) =	vadd.scan.msk.s32 $0xffff, v9;
	v11, _, _ =	vpop (xrf0)  }
0xf0: {  	v12 =	vld [tilespmem:s24+$0x0];
	(v2sf) =	vpush v11, $0xF  }
0xf1: {  	s18 =	ssub.s32 $0x200, s18;
	s20 =	simm.s32 $0x0;
	v7 =	vsub.s32 v10, v7  }
0xf2: {  	v6 =	vmov s18;
	v10 =	vadd.s32 s20, v10;
	v7 =	vadd.s32 s20, v7  }
0xf3: {  	vm1 =	vge.s32 v10, v6;
	vm0 =	vlt.s32 v7, v6  }
0xf4: {  	v7 =	vxor.u32 $0x80000000, v7;
	vm0 =	vmand vm1, vm0  }
0xf5: {  	(xrf0) =	vadd.scan.msk.s32 $0xffff, v12;
	v10 =	vor.u32 s20, v4;
	v13, _, _ =	vpop (xrf0);
	v7 =	vnsel vm0, $0x7FFFFFFF, v7  }
0xf6: {  	(v2sf) =	vpush v13, $0xF;
	v10 =	vnsel vm0, $0x7FFFFFFF, v10;
	(xrf0) =	vmax.scan.msk.u32 $0xffff, v7  }
0xf7: {  	(xrf0) =	vmax.scan.msk.u32 $0xffff, v10;
	_ =	sdelay $0x3  }
0xf8: {  	s25 =	simm.s32 $0x4640;
	v10, _, _ =	vpop (xrf0)  }
0xf9: {  	v14 =	vld [tilespmem:s25+$0x0];
	(v2sf) =	vpush v10, $0xF;
	v7, _, _ =	vpop (xrf0);
	s26 =	spop (v2sf)  }
0xfa: {  	v8 =	vsub.s32 v11, v8;
	(v2sf) =	vpush v7, $0xF;
	v7, _, _ =	vpop (xrf0);
	s31 =	sadd.s32 $0x0, s26  }
0xfb: {  	s2 =	simm.s32 $0x4650;
	(v2sf) =	vpush v7, $0xF;
	v8 =	vadd.s32 s31, v8;
	v11 =	vadd.s32 s31, v11  }
0xfc: {  	s0 =	simm.s32 $0x10;
	v15 =	vld [tilespmem:s2+$0x0];
	v7 =	vsub.s32 v13, v9;
	s23 =	spop (v2sf);
	vm10 =	vlt.s32 v8, v6;
	vm11 =	vge.s32 v11, v6  }
0xfd: {  	v9 =	vor.u32 s0, v4;
	s20 =	sadd.s32 s31, s23;
	v8 =	vxor.u32 $0x80000000, v8;
	vm0 =	vmand vm11, vm10  }
0xfe: {  	(xrf0) =	vadd.scan.msk.s32 $0xffff, v14;
	v7 =	vadd.s32 s20, v7;
	v11 =	vadd.s32 s20, v13;
	v8 =	vnsel vm0, $0x7FFFFFFF, v8  }
0xff: {  	vm12 =	vlt.s32 v7, v6;
	vm13 =	vge.s32 v11, v6;
	v9 =	vnsel vm0, $0x7FFFFFFF, v9;
	(xrf0) =	vmax.scan.msk.u32 $0xffff, v8  }
0x100: {  	v7 =	vxor.u32 $0x80000000, v7;
	vm0 =	vmand vm13, vm12;
	(xrf0) =	vmax.scan.msk.u32 $0xffff, v9  }
0x101: {  	s19 =	simm.s32 $0x20;
	v7 =	vnsel vm0, $0x7FFFFFFF, v7;
	(xrf0) =	vadd.scan.msk.s32 $0xffff, v15  }
0x102: {  	s24 =	spop (v2sf);
	v8 =	vor.u32 s19, v4;
	(xrf0) =	vmax.scan.msk.u32 $0xffff, v7  }
0x103: {  	s20 =	sadd.s32 s20, s24;
	v8 =	vnsel vm0, $0x7FFFFFFF, v8  }
0x104: {  	v9, _, _ =	vpop (xrf0);
	(xrf0) =	vmax.scan.msk.u32 $0xffff, v8;
	v8 =	vsub.s32 v10, v12;
	v10 =	vadd.s32 s20, v10  }
0x105: {  	(v2sf) =	vpush v9, $0xF;
	v11, _, _ =	vpop (xrf0)  }
0x106: {  	v12, _, _ =	vpop (xrf0);
	(v2sf) =	vpush v11, $0xF  }
0x107: {  	vm15 =	vge.s32 v10, v6;
	(v2sf) =	vpush v12, $0xF;
	v10, _, _ =	vpop (xrf0)  }
0x108: {  	(v2sf) =	vpush v10, $0xF;
	v12, _, _ =	vpop (xrf0)  }
0x109: {  	s23 =	simm.s32 $0x4660;
	s31 =	spop (v2sf);
	(v2sf) =	vpush v12, $0xF  }
0x10a: {  	s25 =	simm.s32 $0x30;
	v7 =	vld [tilespmem:s23+$0x0];
	v16, _, _ =	vpop (xrf0)  }
0x10b: {  	v11 =	vor.u32 s25, v4;
	s25 =	spop (v2sf);
	(v2sf) =	vpush v16, $0xF  }
0x10c: {  	v8 =	vadd.s32 s20, v8  }
0x10d: {  	vm14 =	vlt.s32 v8, v6  }
0x10e: {  	s22 =	simm.s32 $0xFFFFFFFF;
	s30 =	simm.s32 $0x80;
	v8 =	vxor.u32 $0x80000000, v8;
	vm0 =	vmand vm15, vm14  }
0x10f: {  	s29 =	simm.s32 $0x4670;
	s21 =	simm.s32 $0x70;
	s26 =	simm.s32 $0x40;
	(xrf0) =	vadd.scan.msk.s32 $0xffff, v7;
	v8 =	vnsel vm0, $0x7FFFFFFF, v8  }
0x110: {  	s24 =	simm.s32 $0x50;
	s23 =	simm.s32 $0x60;
	s28 =	sadd.s32 s20, s31;
	v13 =	vnsel vm0, $0x7FFFFFFF, v11;
	(xrf0) =	vmax.scan.msk.u32 $0xffff, v8  }
0x111: {  	s20 =	simm.s32 $0xFFFFFFFF;
	v11 =	vsub.s32 v9, v14;
	s0 =	sxor.u32 $0x80000000, s25;
	s25 =	spop (v2sf);
	v8 =	vld [tilespmem:s29+$0x0];
	v12 =	vsub.s32 v10, v15;
	(xrf0) =	vmax.scan.msk.u32 $0xffff, v13  }
.LBB2_16:
0x112: {  	s31 =	smov.u32 s20  }
0x113: {  	s19 =	smov.u32 s22;
	s20 =	sxor.u32 $0x80000000, s25;
	p3 =	sgt.s32 s22, s0  }
0x114: {  	v13 =	vadd.s32 s28, v11;
	v14 =	vadd.s32 s28, v9;
	v9 =	vmovc v10;
	v11 =	vmov v12;
	s25 =	smov.u32 s30;
	s2 =	sadd.s32 $0x10, s30;
	s22 =	smov.u32 s0  }
0x115: {  	p2 =	sne.s32 s30, $0xF0;
	vm0 =	vlt.s32 v13, v6;
	vm1 =	vge.s32 v14, v6;
	p4 =	sgt.s32 s31, s20;
	s22 =	smov.u32 @p3 s19  }
.Ltmp8:
0x116: {  	v12 =	vor.u32 s26, v4;
	s26 =	smov.u32 s24;
	v17 =	vxor.u32 $0x80000000, v13;
	vm0 =	vmand vm1, vm0;
	s20 =	smov.u32 @p4 s31;
	v10, _, _ =	vpop (xrf0);
	(pc) =	sbr.rel @p2 .LBB2_16-.Ltmp8, $4  }
0x117: {  	s24 =	smov.u32 s23;
	s23 =	smov.u32 s21;
	s21 =	smov.u32 s25;
	v14 =	vnsel vm0, $0x7FFFFFFF, v12;
	v16 =	vnsel vm0, $0x7FFFFFFF, v17;
	(xrf0) =	vadd.scan.msk.s32 $0xffff, v8;
	(v2sf) =	vpush v10, $0xF;
	v15, _, _ =	vpop (xrf0)  }
0x118: {  	s29 =	sadd.s32 $0x10, s29;
	v12 =	vsub.s32 v10, v7;
	v7 =	vmov v8;
	(xrf0) =	vmax.scan.msk.u32 $0xffff, v16;
	s0 =	spop (v2sf);
	v13, _, _ =	vpop (xrf0);
	(v2sf) =	vpush v15, $0xF  }
0x119: {  	s30 =	smov.u32 s2;
	v8 =	vld [tilespmem:s29+$0x0];
	(xrf0) =	vmax.scan.msk.u32 $0xffff, v14;
	(v2sf) =	vpush v13, $0xF;
	s19 =	spop (v2sf)  }
0x11a: {  	s28 =	sadd.s32 s28, s0;
	s0 =	sxor.u32 $0x80000000, s19;
	s25 =	spop (v2sf)  }
0x11b: {  	_ =	sdelay $0x1  }
0x11c: {  	v13, _, _ =	vpop (xrf0)  }
0x11d: {  	(v2sf) =	vpush v13, $0xF;
	_ =	sdelay $0x6  }
0x11e: {  	v11 =	vadd.s32 s28, v11;
	v9 =	vadd.s32 s28, v9  }
0x11f: {  	s2 =	spop (v2sf);
	v53 =	vor.u32 s26, v4;
	v15 =	vor.u32 s24, v4;
	v56 =	vor.u32 s23, v4  }
0x120: {  	vm0 =	vlt.s32 v11, v6;
	vm1 =	vge.s32 v9, v6;
	v11 =	vxor.u32 $0x80000000, v11;
	s2 =	sadd.s32 s28, s2;
	(xrf0) =	vadd.scan.msk.s32 $0xffff, v8  }
0x121: {  	s26 =	spop (v2sf);
	vm0 =	vmand vm1, vm0;
	v12 =	vadd.s32 s2, v12;
	v10 =	vadd.s32 s2, v10  }
0x122: {  	s29 =	spop (v2sf);
	v9 =	vnsel vm0, $0x7FFFFFFF, v53;
	v14, _, _ =	vpop (xrf0);
	v11 =	vnsel vm0, $0x7FFFFFFF, v11;
	v7 =	vsub.s32 v13, v7  }
0x123: {  	vm11 =	vlt.s32 v12, v6;
	vm12 =	vge.s32 v10, v6;
	(v2sf) =	vpush v14, $0xF;
	v54, _, _ =	vpop (xrf0);
	s19 =	spop (v2sf)  }
0x124: {  	v57 =	vxor.u32 $0x80000000, v12;
	vm0 =	vmand vm12, vm11;
	(v2sf) =	vpush v54, $0xF;
	s24 =	spop (v2sf);
	s2 =	sadd.s32 s2, s19  }
0x125: {  	(xrf0) =	vmax.scan.msk.u32 $0xffff, v11;
	v11 =	vnsel vm0, $0x7FFFFFFF, v57;
	s31 =	spop (v2sf);
	v7 =	vadd.s32 s2, v7;
	v13 =	vadd.s32 s2, v13  }
0x126: {  	v60 =	vnsel vm0, $0x7FFFFFFF, v15;
	v55, _, _ =	vpop (xrf0);
	(xrf0) =	vmax.scan.msk.u32 $0xffff, v9;
	vm13 =	vlt.s32 v7, v6;
	vm2 =	vge.s32 v13, v6;
	s23 =	spop (v2sf)  }
0x127: {  	v58 =	vsub.s32 v55, v8;
	v7 =	vxor.u32 $0x80000000, v7;
	vm1 =	vmand vm2, vm13;
	s2 =	sadd.s32 s2, s23  }
0x128: {  	(xrf0) =	vmax.scan.msk.u32 $0xffff, v11;
	v7 =	vnsel vm1, $0x7FFFFFFF, v7;
	v8 =	vadd.s32 s2, v58;
	v59 =	vadd.s32 s2, v55  }
0x129: {  	(v2sf) =	vpush v55, $0xF;
	(xrf0) =	vmax.scan.msk.u32 $0xffff, v60;
	vm14 =	vlt.s32 v8, v6;
	vm15 =	vge.s32 v59, v6  }
0x12a: {  	v61 =	vnsel vm1, $0x7FFFFFFF, v56;
	(xrf0) =	vmax.scan.msk.u32 $0xffff, v7;
	v6 =	vxor.u32 $0x80000000, v8;
	vm0 =	vmand vm15, vm14  }
0x12b: {  	v62 =	vor.u32 s21, v4;
	(xrf0) =	vmax.scan.msk.u32 $0xffff, v61;
	v7, _, _ =	vpop (xrf0);
	v6 =	vnsel vm0, $0x7FFFFFFF, v6  }
0x12c: {  	v63, _, _ =	vpop (xrf0);
	(v2sf) =	vpush v7, $0xF;
	v7 =	vnsel vm0, $0x7FFFFFFF, v62;
	(xrf0) =	vmax.scan.msk.u32 $0xffff, v6  }
0x12d: {  	(v2sf) =	vpush v63, $0xF;
	(xrf0) =	vmax.scan.msk.u32 $0xffff, v7  }
0x12e: {  	v6, _, _ =	vpop (xrf0)  }
0x12f: {  	v7, _, _ =	vpop (xrf0);
	(v2sf) =	vpush v6, $0xF  }
0x130: {  	v6, _, _ =	vpop (xrf0);
	(v2sf) =	vpush v7, $0xF  }
0x131: {  	v7, _, _ =	vpop (xrf0);
	(v2sf) =	vpush v6, $0xF  }
0x132: {  	(v2sf) =	vpush v7, $0xF;
	v6, _, _ =	vpop (xrf0)  }
0x133: {  	p2 =	sgt.s32 s22, s0;
	v7, _, _ =	vpop (xrf0);
	(v2sf) =	vpush v6, $0xF  }
0x134: {  	s0 =	smov.u32 @p2 s22;
	s2 =	sxor.u32 $0x80000000, s25;
	s25 =	spop (v2sf);
	(v2sf) =	vpush v7, $0xF  }
0x135: {  	s22 =	sxor.u32 $0x80000000, s26;
	s30 =	spop (v2sf);
	p2 =	sgt.s32 s20, s2  }
0x136: {  	s2 =	smov.u32 @p2 s20;
	s20 =	sxor.u32 $0x80000000, s29;
	p2 =	sgt.s32 s0, s22  }
0x137: {  	s19 =	sxor.u32 $0x80000000, s25;
	p3 =	sgt.s32 s2, s20;
	s22 =	smov.u32 @p2 s0  }
0x138: {  	s0 =	sxor.u32 $0x80000000, s24;
	s20 =	smov.u32 @p3 s2;
	s2 =	sxor.u32 $0x80000000, s31  }
0x139: {  	[tilespmem:$0x4600] =	vst v0;
	p2 =	sgt.s32 s22, s0;
	s31 =	spop (v2sf);
	p3 =	sgt.s32 s20, s2  }
0x13a: {  	[tilespmem:$0x4610] =	vst v0;
	s0 =	smov.u32 @p2 s22;
	s2 =	smov.u32 @p3 s20;
	s20 =	sxor.u32 $0x80000000, s30  }
0x13b: {  	[tilespmem:$0x4620] =	vst v0;
	p2 =	sgt.s32 s0, s19;
	p3 =	sgt.s32 s2, s20;
	s23 =	spop (v2sf)  }
0x13c: {  	[tilespmem:$0x4630] =	vst v0;
	s19 =	smov.u32 @p2 s0;
	s0 =	sxor.u32 $0x80000000, s23;
	s24 =	spop (v2sf)  }
0x13d: {  	[tilespmem:$0x4640] =	vst v0;
	s20 =	smov.u32 @p3 s2;
	s2 =	sxor.u32 $0x80000000, s24;
	p2 =	sgt.s32 s19, s0  }
0x13e: {  	[tilespmem:$0x4650] =	vst v0;
	p3 =	sgt.s32 s20, s2;
	s0 =	smov.u32 @p2 s19;
	s25 =	spop (v2sf)  }
0x13f: {  	[tilespmem:$0x4660] =	vst v0;
	s2 =	smov.u32 @p3 s20;
	s26 =	spop (v2sf);
	s19 =	sxor.u32 $0x80000000, s25  }
0x140: {  	[tilespmem:$0x4670] =	vst v0;
	s20 =	sxor.u32 $0x80000000, s26;
	s28 =	spop (v2sf);
	p2 =	sgt.s32 s0, s19  }
0x141: {  	[tilespmem:$0x4680] =	vst v0;
	p3 =	sgt.s32 s2, s20;
	s29 =	spop (v2sf);
	s19 =	smov.u32 @p2 s0  }
0x142: {  	[tilespmem:$0x4690] =	vst v0;
	s20 =	smov.u32 @p3 s2;
	s2 =	sxor.u32 $0x80000000, s29;
	s30 =	spop (v2sf)  }
0x143: {  	[tilespmem:$0x46A0] =	vst v0;
	s21 =	sxor.u32 $0x80000000, s28;
	p2 =	sgt.s32 s20, s2;
	s31 =	spop (v2sf)  }
.Ltmp9:
0x144: {  	[tilespmem:$0x46B0] =	vst v0;
	s2 =	smov.u32 @p2 s20;
	s0 =	sxor.u32 $0x80000000, s31;
	(pc) =	sbr.rel @p1 .LBB2_24-.Ltmp9, $4  }
0x145: {  	[tilespmem:$0x46C0] =	vst v0;
	p2 =	sgt.s32 s19, s21;
	p3 =	sgt.s32 s2, s0  }
0x146: {  	[tilespmem:$0x46D0] =	vst v0;
	s21 =	smov.u32 @p2 s19;
	s19 =	sxor.u32 $0x80000000, s30;
	s0 =	smov.u32 @p3 s2  }
0x147: {  	[tilespmem:$0x46E0] =	vst v0;
	p2 =	sgt.s32 s21, s19;
	s0 =	sshll.u32 s0, $0x10  }
0x148: {  	[tilespmem:$0x46F0] =	vst v0;
	s19 =	smov.u32 @p2 s21;
	s17 =	sor.u32 s17, s0  }
0x149: {  	p3 =	seq.s32 s16, $0x1  }
.Ltmp10:
0x14a: {  	_ = 	snop;
	(pc) =	sbr.rel @p3 .LBB2_19-.Ltmp10, $3  }
0x14b: {  	_ =	sdelay $0x1  }
0x14c: {  	s21 =	simm.s32 $0x2600  }
0x14d: {  	v6 =	vmov s17;
	s20 =	simm.s32 $0x0;
	p2 =	por $0x0, $0x0;
	v7 =	vld [tilespmem:s21+$0x0];
	s21 =	sadd.s32 $0xFFFFFFFF, s16  }
0x14e: {  	_ =	sdelay $0x3  }
0x14f: {  	v8 =	vor.u32 s20, v1;
	v9 =	vand.u32 $0xFFFF0000, v7  }
0x150: {  	vm1 =	vlt.s32 v8, v5;
	vm0 =	veq.s32 v9, v6  }
0x151: {  	v7 =	vshrl.u32 v7, $0x8;
	vm0 =	vmand vm1, vm0  }
0x152: {  	v7 =	vand.u32 $0xFF, v7  }
0x153: {  	p3 =	seq.s32 s21, $0x1  }
.Ltmp11:
0x154: {  	_ = 	snop;
	(pc) =	sbr.rel @p3 .LBB2_21-.Ltmp11, $3  }
0x155: {  	_ =	sdelay $0x1  }
0x156: {  	s22 =	simm.s32 $0x2610;
	[tilespmem:v7+s15+$0x0] =	vst.idx.add.s32.msk vm0, v3  }
0x157: {  	s23 =	sadd.s32 $0xFFFFFFFF, s21;
	p2 =	por $0x1, $0x1;
	s21 =	simm.s32 $0x0;
	v7 =	vld [tilespmem:s22+$0x0]  }
.LBB2_22:
0x158: {  	p3 =	seq.s32 s23, $0x1;
	_ =	sdelay $0x2  }
0x159: {  	s21 =	sadd.s32 $0x10, s21  }
0x15a: {  	v8 =	vor.u32 s21, v1;
	v9 =	vand.u32 $0xFFFF0000, v7  }
0x15b: {  	vm1 =	vlt.s32 v8, v5;
	vm0 =	veq.s32 v9, v6  }
0x15c: {  	v7 =	vshrl.u32 v7, $0x8;
	vm0 =	vmand vm1, vm0  }
0x15d: {  	v7 =	vand.u32 $0xFF, v7;
	_ =	sdelay $0x1  }
.Ltmp12:
0x15e: {  	(pc) =	sbr.rel @!p3 .LBB2_22-.Ltmp12, $3  }
0x15f: {  	_ =	sdelay $0x1  }
0x160: {  	s22 =	sadd.s32 $0x10, s22;
	[tilespmem:v7+s15+$0x0] =	vst.idx.add.s32.msk vm0, v3  }
0x161: {  	s23 =	sadd.s32 $0xFFFFFFFF, s23;
	v7 =	vld [tilespmem:s22+$0x0]  }
.LBB2_23:
0x162: {  	_ =	sdelay $0x1  }
0x163: {  	s0 =	sadd.s32 @p2 $0x10, s21  }
0x164: {  	s20 =	smov.u32 @p2 s0  }
0x165: {  	v8 =	vor.u32 s20, v1;
	v9 =	vand.u32 $0xFFFF0000, v7  }
0x166: {  	vm1 =	vlt.s32 v8, v5;
	vm0 =	veq.s32 v9, v6  }
0x167: {  	v6 =	vshrl.u32 v7, $0x8;
	vm0 =	vmand vm1, vm0  }
0x168: {  	v6 =	vand.u32 $0xFF, v6;
	_ =	sdelay $0x4  }
0x169: {  	[tilespmem:v6+s15+$0x0] =	vst.idx.add.s32.msk vm0, v3  }
.LBB2_24:
0x16a: {  	s21 =	simm.s32 $0x4600  }
0x16b: {  	v7 =	vld [tilespmem:s21+$0x0];
	_ =	sdelay $0x1  }
0x16c: {  	s0 =	simm.s32 $0x4610  }
0x16d: {  	v8 =	vld [tilespmem:s0+$0x0];
	_ =	sdelay $0x1  }
0x16e: {  	(xrf0) =	vadd.scan.msk.s32 $0xffff, v7;
	_ =	sdelay $0x2  }
0x16f: {  	s2 =	simm.s32 $0x4620;
	(xrf0) =	vadd.scan.msk.s32 $0xffff, v8  }
0x170: {  	v9 =	vld [tilespmem:s2+$0x0];
	_ =	sdelay $0x1  }
0x171: {  	v10, _, _ =	vpop (xrf0)  }
0x172: {  	(v2sf) =	vpush v10, $0xF;
	_ =	sdelay $0x1  }
0x173: {  	s21 =	simm.s32 $0x4630;
	(xrf0) =	vadd.scan.msk.s32 $0xffff, v9;
	v11, _, _ =	vpop (xrf0)  }
0x174: {  	v12 =	vld [tilespmem:s21+$0x0];
	(v2sf) =	vpush v11, $0xF  }
0x175: {  	s18 =	ssub.s32 s18, s19;
	s20 =	simm.s32 $0x0;
	v7 =	vsub.s32 v10, v7  }
0x176: {  	v6 =	vmov s18;
	v10 =	vadd.s32 s20, v10;
	v7 =	vadd.s32 s20, v7  }
0x177: {  	vm1 =	vge.s32 v10, v6;
	vm0 =	vlt.s32 v7, v6  }
0x178: {  	v7 =	vxor.u32 $0x80000000, v7;
	vm0 =	vmand vm1, vm0  }
0x179: {  	(xrf0) =	vadd.scan.msk.s32 $0xffff, v12;
	v10 =	vor.u32 s20, v4;
	v13, _, _ =	vpop (xrf0);
	v7 =	vnsel vm0, $0x7FFFFFFF, v7  }
0x17a: {  	(v2sf) =	vpush v13, $0xF;
	v10 =	vnsel vm0, $0x7FFFFFFF, v10;
	(xrf0) =	vmax.scan.msk.u32 $0xffff, v7  }
0x17b: {  	(xrf0) =	vmax.scan.msk.u32 $0xffff, v10;
	_ =	sdelay $0x3  }
0x17c: {  	s22 =	simm.s32 $0x4640;
	v10, _, _ =	vpop (xrf0)  }
0x17d: {  	v14 =	vld [tilespmem:s22+$0x0];
	(v2sf) =	vpush v10, $0xF;
	v7, _, _ =	vpop (xrf0);
	s2 =	spop (v2sf)  }
0x17e: {  	v8 =	vsub.s32 v11, v8;
	(v2sf) =	vpush v7, $0xF;
	v7, _, _ =	vpop (xrf0);
	s23 =	sadd.s32 $0x0, s2  }
0x17f: {  	s24 =	simm.s32 $0x4650;
	(v2sf) =	vpush v7, $0xF;
	v8 =	vadd.s32 s23, v8;
	v11 =	vadd.s32 s23, v11  }
0x180: {  	s25 =	simm.s32 $0x10;
	v15 =	vld [tilespmem:s24+$0x0];
	v7 =	vsub.s32 v13, v9;
	s26 =	spop (v2sf);
	vm10 =	vlt.s32 v8, v6;
	vm11 =	vge.s32 v11, v6  }
0x181: {  	v9 =	vor.u32 s25, v4;
	s0 =	sadd.s32 s23, s26;
	v8 =	vxor.u32 $0x80000000, v8;
	vm0 =	vmand vm11, vm10  }
0x182: {  	(xrf0) =	vadd.scan.msk.s32 $0xffff, v14;
	v7 =	vadd.s32 s0, v7;
	v11 =	vadd.s32 s0, v13;
	v8 =	vnsel vm0, $0x7FFFFFFF, v8  }
0x183: {  	vm12 =	vlt.s32 v7, v6;
	vm13 =	vge.s32 v11, v6;
	v9 =	vnsel vm0, $0x7FFFFFFF, v9;
	(xrf0) =	vmax.scan.msk.u32 $0xffff, v8  }
0x184: {  	v7 =	vxor.u32 $0x80000000, v7;
	vm0 =	vmand vm13, vm12;
	(xrf0) =	vmax.scan.msk.u32 $0xffff, v9  }
0x185: {  	s31 =	simm.s32 $0x20;
	v7 =	vnsel vm0, $0x7FFFFFFF, v7;
	(xrf0) =	vadd.scan.msk.s32 $0xffff, v15  }
0x186: {  	s21 =	spop (v2sf);
	v8 =	vor.u32 s31, v4;
	(xrf0) =	vmax.scan.msk.u32 $0xffff, v7  }
0x187: {  	s0 =	sadd.s32 s0, s21;
	v8 =	vnsel vm0, $0x7FFFFFFF, v8  }
0x188: {  	v9, _, _ =	vpop (xrf0);
	(xrf0) =	vmax.scan.msk.u32 $0xffff, v8;
	v8 =	vsub.s32 v10, v12;
	v10 =	vadd.s32 s0, v10  }
0x189: {  	(v2sf) =	vpush v9, $0xF;
	v11, _, _ =	vpop (xrf0)  }
0x18a: {  	v12, _, _ =	vpop (xrf0);
	(v2sf) =	vpush v11, $0xF  }
0x18b: {  	vm15 =	vge.s32 v10, v6;
	(v2sf) =	vpush v12, $0xF;
	v10, _, _ =	vpop (xrf0)  }
0x18c: {  	(v2sf) =	vpush v10, $0xF;
	v12, _, _ =	vpop (xrf0)  }
0x18d: {  	s20 =	simm.s32 $0x4660;
	s25 =	spop (v2sf);
	(v2sf) =	vpush v12, $0xF  }
0x18e: {  	v7 =	vld [tilespmem:s20+$0x0];
	v16, _, _ =	vpop (xrf0)  }
0x18f: {  	s31 =	spop (v2sf);
	(v2sf) =	vpush v16, $0xF  }
0x190: {  	v8 =	vadd.s32 s0, v8  }
0x191: {  	vm14 =	vlt.s32 v8, v6  }
0x192: {  	s19 =	simm.s32 $0xFFFFFFFF;
	s30 =	simm.s32 $0x80;
	s22 =	simm.s32 $0x30;
	v8 =	vxor.u32 $0x80000000, v8;
	vm0 =	vmand vm15, vm14  }
0x193: {  	s29 =	simm.s32 $0x4670;
	s24 =	simm.s32 $0x50;
	s26 =	simm.s32 $0x40;
	v11 =	vor.u32 s22, v4;
	(xrf0) =	vadd.scan.msk.s32 $0xffff, v7;
	v8 =	vnsel vm0, $0x7FFFFFFF, v8  }
0x194: {  	s23 =	simm.s32 $0x60;
	s21 =	simm.s32 $0x70;
	s28 =	sadd.s32 s0, s25;
	v13 =	vnsel vm0, $0x7FFFFFFF, v11;
	(xrf0) =	vmax.scan.msk.u32 $0xffff, v8  }
0x195: {  	s20 =	simm.s32 $0xFFFFFFFF;
	s22 =	sxor.u32 $0x80000000, s31;
	s25 =	spop (v2sf);
	v11 =	vsub.s32 v9, v14;
	v8 =	vld [tilespmem:s29+$0x0];
	v12 =	vsub.s32 v10, v15;
	(xrf0) =	vmax.scan.msk.u32 $0xffff, v13  }
.LBB2_25:
0x196: {  	s0 =	smov.u32 s20  }
0x197: {  	s2 =	smov.u32 s19;
	s20 =	sxor.u32 $0x80000000, s25;
	p3 =	sgt.s32 s19, s22  }
0x198: {  	v13 =	vadd.s32 s28, v11;
	v14 =	vadd.s32 s28, v9;
	v9 =	vmovc v10;
	v11 =	vmov v12;
	s25 =	smov.u32 s30;
	s31 =	sadd.s32 $0x10, s30;
	s19 =	smov.u32 s22  }
0x199: {  	p2 =	sne.s32 s30, $0xF0;
	vm0 =	vlt.s32 v13, v6;
	vm1 =	vge.s32 v14, v6;
	p4 =	sgt.s32 s0, s20;
	s19 =	smov.u32 @p3 s2  }
.Ltmp13:
0x19a: {  	v12 =	vor.u32 s26, v4;
	s26 =	smov.u32 s24;
	v17 =	vxor.u32 $0x80000000, v13;
	vm0 =	vmand vm1, vm0;
	s20 =	smov.u32 @p4 s0;
	v10, _, _ =	vpop (xrf0);
	(pc) =	sbr.rel @p2 .LBB2_25-.Ltmp13, $4  }
0x19b: {  	s24 =	smov.u32 s23;
	s23 =	smov.u32 s21;
	s21 =	smov.u32 s25;
	v14 =	vnsel vm0, $0x7FFFFFFF, v12;
	v16 =	vnsel vm0, $0x7FFFFFFF, v17;
	(xrf0) =	vadd.scan.msk.s32 $0xffff, v8;
	(v2sf) =	vpush v10, $0xF;
	v15, _, _ =	vpop (xrf0)  }
0x19c: {  	s29 =	sadd.s32 $0x10, s29;
	v12 =	vsub.s32 v10, v7;
	v7 =	vmov v8;
	(xrf0) =	vmax.scan.msk.u32 $0xffff, v16;
	s0 =	spop (v2sf);
	v13, _, _ =	vpop (xrf0);
	(v2sf) =	vpush v15, $0xF  }
0x19d: {  	s30 =	smov.u32 s31;
	v8 =	vld [tilespmem:s29+$0x0];
	(xrf0) =	vmax.scan.msk.u32 $0xffff, v14;
	(v2sf) =	vpush v13, $0xF;
	s2 =	spop (v2sf)  }
0x19e: {  	s28 =	sadd.s32 s28, s0;
	s22 =	sxor.u32 $0x80000000, s2;
	s25 =	spop (v2sf)  }
0x19f: {  	_ =	sdelay $0x1  }
0x1a0: {  	v13, _, _ =	vpop (xrf0)  }
0x1a1: {  	(v2sf) =	vpush v13, $0xF;
	_ =	sdelay $0x6  }
0x1a2: {  	v11 =	vadd.s32 s28, v11;
	v9 =	vadd.s32 s28, v9  }
0x1a3: {  	s0 =	spop (v2sf);
	v53 =	vor.u32 s26, v4;
	v15 =	vor.u32 s24, v4;
	v56 =	vor.u32 s23, v4  }
0x1a4: {  	vm0 =	vlt.s32 v11, v6;
	vm1 =	vge.s32 v9, v6;
	v11 =	vxor.u32 $0x80000000, v11;
	s0 =	sadd.s32 s28, s0;
	(xrf0) =	vadd.scan.msk.s32 $0xffff, v8  }
0x1a5: {  	s26 =	spop (v2sf);
	vm0 =	vmand vm1, vm0;
	v12 =	vadd.s32 s0, v12;
	v10 =	vadd.s32 s0, v10  }
0x1a6: {  	s29 =	spop (v2sf);
	v9 =	vnsel vm0, $0x7FFFFFFF, v53;
	v14, _, _ =	vpop (xrf0);
	v11 =	vnsel vm0, $0x7FFFFFFF, v11;
	v7 =	vsub.s32 v13, v7  }
0x1a7: {  	vm11 =	vlt.s32 v12, v6;
	vm12 =	vge.s32 v10, v6;
	(v2sf) =	vpush v14, $0xF;
	v54, _, _ =	vpop (xrf0);
	s2 =	spop (v2sf)  }
0x1a8: {  	v57 =	vxor.u32 $0x80000000, v12;
	vm0 =	vmand vm12, vm11;
	(v2sf) =	vpush v54, $0xF;
	s24 =	spop (v2sf);
	s0 =	sadd.s32 s0, s2  }
0x1a9: {  	(xrf0) =	vmax.scan.msk.u32 $0xffff, v11;
	v11 =	vnsel vm0, $0x7FFFFFFF, v57;
	s31 =	spop (v2sf);
	v7 =	vadd.s32 s0, v7;
	v13 =	vadd.s32 s0, v13  }
0x1aa: {  	v60 =	vnsel vm0, $0x7FFFFFFF, v15;
	v55, _, _ =	vpop (xrf0);
	(xrf0) =	vmax.scan.msk.u32 $0xffff, v9;
	vm13 =	vlt.s32 v7, v6;
	vm2 =	vge.s32 v13, v6;
	s23 =	spop (v2sf)  }
0x1ab: {  	v58 =	vsub.s32 v55, v8;
	v7 =	vxor.u32 $0x80000000, v7;
	vm1 =	vmand vm2, vm13;
	s0 =	sadd.s32 s0, s23  }
0x1ac: {  	(xrf0) =	vmax.scan.msk.u32 $0xffff, v11;
	v7 =	vnsel vm1, $0x7FFFFFFF, v7;
	v8 =	vadd.s32 s0, v58;
	v59 =	vadd.s32 s0, v55  }
0x1ad: {  	(xrf0) =	vmax.scan.msk.u32 $0xffff, v60;
	vm14 =	vlt.s32 v8, v6;
	vm15 =	vge.s32 v59, v6  }
0x1ae: {  	v61 =	vnsel vm1, $0x7FFFFFFF, v56;
	(xrf0) =	vmax.scan.msk.u32 $0xffff, v7;
	v6 =	vxor.u32 $0x80000000, v8;
	vm0 =	vmand vm15, vm14  }
0x1af: {  	v62 =	vor.u32 s21, v4;
	(v2sf) =	vpush v55, $0xF;
	(xrf0) =	vmax.scan.msk.u32 $0xffff, v61;
	v7, _, _ =	vpop (xrf0);
	v6 =	vnsel vm0, $0x7FFFFFFF, v6  }
0x1b0: {  	v63, _, _ =	vpop (xrf0);
	(v2sf) =	vpush v7, $0xF;
	v7 =	vnsel vm0, $0x7FFFFFFF, v62;
	(xrf0) =	vmax.scan.msk.u32 $0xffff, v6  }
0x1b1: {  	(v2sf) =	vpush v63, $0xF;
	(xrf0) =	vmax.scan.msk.u32 $0xffff, v7  }
0x1b2: {  	v6, _, _ =	vpop (xrf0)  }
0x1b3: {  	v7, _, _ =	vpop (xrf0);
	(v2sf) =	vpush v6, $0xF  }
0x1b4: {  	v6, _, _ =	vpop (xrf0);
	(v2sf) =	vpush v7, $0xF  }
0x1b5: {  	v7, _, _ =	vpop (xrf0);
	(v2sf) =	vpush v6, $0xF  }
0x1b6: {  	(v2sf) =	vpush v7, $0xF;
	v6, _, _ =	vpop (xrf0)  }
0x1b7: {  	p2 =	sgt.s32 s19, s22;
	v7, _, _ =	vpop (xrf0);
	(v2sf) =	vpush v6, $0xF  }
0x1b8: {  	s22 =	smov.u32 @p2 s19;
	s0 =	sxor.u32 $0x80000000, s25;
	s25 =	spop (v2sf);
	(v2sf) =	vpush v7, $0xF  }
0x1b9: {  	s21 =	sxor.u32 $0x80000000, s26;
	s30 =	spop (v2sf);
	p2 =	sgt.s32 s20, s0  }
0x1ba: {  	s0 =	smov.u32 @p2 s20;
	s20 =	sxor.u32 $0x80000000, s29;
	p2 =	sgt.s32 s22, s21  }
0x1bb: {  	s2 =	sxor.u32 $0x80000000, s25;
	p3 =	sgt.s32 s0, s20;
	s21 =	smov.u32 @p2 s22  }
0x1bc: {  	s22 =	sxor.u32 $0x80000000, s24;
	s20 =	smov.u32 @p3 s0;
	s0 =	sxor.u32 $0x80000000, s31  }
0x1bd: {  	[tilespmem:$0x4600] =	vst v0;
	s19 =	sxor.u32 $0x80000000, s30;
	p2 =	sgt.s32 s21, s22;
	p3 =	sgt.s32 s20, s0  }
0x1be: {  	[tilespmem:$0x4610] =	vst v0;
	s31 =	spop (v2sf);
	s22 =	smov.u32 @p2 s21;
	s0 =	smov.u32 @p3 s20  }
0x1bf: {  	[tilespmem:$0x4620] =	vst v0;
	p2 =	sgt.s32 s22, s2;
	p3 =	sgt.s32 s0, s19;
	s23 =	spop (v2sf)  }
0x1c0: {  	[tilespmem:$0x4630] =	vst v0;
	s2 =	smov.u32 @p2 s22;
	s20 =	sxor.u32 $0x80000000, s23;
	s24 =	spop (v2sf)  }
0x1c1: {  	[tilespmem:$0x4640] =	vst v0;
	s19 =	smov.u32 @p3 s0;
	s0 =	sxor.u32 $0x80000000, s24;
	p2 =	sgt.s32 s2, s20  }
0x1c2: {  	[tilespmem:$0x4650] =	vst v0;
	p3 =	sgt.s32 s19, s0;
	s20 =	smov.u32 @p2 s2;
	s25 =	spop (v2sf)  }
0x1c3: {  	[tilespmem:$0x4660] =	vst v0;
	s0 =	smov.u32 @p3 s19;
	s26 =	spop (v2sf);
	s2 =	sxor.u32 $0x80000000, s25  }
0x1c4: {  	[tilespmem:$0x4670] =	vst v0;
	s19 =	sxor.u32 $0x80000000, s26;
	s28 =	spop (v2sf);
	p2 =	sgt.s32 s20, s2  }
0x1c5: {  	[tilespmem:$0x4680] =	vst v0;
	p3 =	sgt.s32 s0, s19;
	s29 =	spop (v2sf);
	s2 =	smov.u32 @p2 s20  }
0x1c6: {  	[tilespmem:$0x4690] =	vst v0;
	s19 =	smov.u32 @p3 s0;
	s0 =	sxor.u32 $0x80000000, s29;
	s30 =	spop (v2sf)  }
0x1c7: {  	[tilespmem:$0x46A0] =	vst v0;
	s21 =	sxor.u32 $0x80000000, s28;
	p2 =	sgt.s32 s19, s0;
	s31 =	spop (v2sf)  }
.Ltmp14:
0x1c8: {  	[tilespmem:$0x46B0] =	vst v0;
	s0 =	smov.u32 @p2 s19;
	s20 =	sxor.u32 $0x80000000, s31;
	(pc) =	sbr.rel @p1 .LBB2_33-.Ltmp14, $4  }
0x1c9: {  	[tilespmem:$0x46C0] =	vst v0;
	p2 =	sgt.s32 s2, s21;
	p3 =	sgt.s32 s0, s20  }
0x1ca: {  	[tilespmem:$0x46D0] =	vst v0;
	s19 =	sxor.u32 $0x80000000, s30;
	s21 =	smov.u32 @p2 s2;
	s20 =	smov.u32 @p3 s0  }
0x1cb: {  	[tilespmem:$0x46E0] =	vst v0;
	p2 =	sgt.s32 s21, s19;
	s0 =	sshll.u32 s20, $0x8  }
0x1cc: {  	[tilespmem:$0x46F0] =	vst v0;
	s19 =	smov.u32 @p2 s21;
	s17 =	sor.u32 s17, s0  }
0x1cd: {  	p2 =	seq.s32 s16, $0x1  }
.Ltmp15:
0x1ce: {  	_ = 	snop;
	(pc) =	sbr.rel @p2 .LBB2_28-.Ltmp15, $3  }
0x1cf: {  	_ =	sdelay $0x1  }
0x1d0: {  	s21 =	simm.s32 $0x2600  }
0x1d1: {  	v6 =	vmov s17;
	s20 =	simm.s32 $0x0;
	s16 =	sadd.s32 $0xFFFFFFFF, s16;
	p1 =	por $0x0, $0x0;
	v7 =	vld [tilespmem:s21+$0x0]  }
0x1d2: {  	_ =	sdelay $0x3  }
0x1d3: {  	v8 =	vor.u32 s20, v1;
	v9 =	vand.u32 $0xFFFFFF00, v7  }
0x1d4: {  	vm1 =	vlt.s32 v8, v5;
	vm0 =	veq.s32 v9, v6  }
0x1d5: {  	vm0 =	vmand vm1, vm0  }
0x1d6: {  	v7 =	vand.u32 $0xFF, v7  }
0x1d7: {  	p2 =	seq.s32 s16, $0x1  }
.Ltmp16:
0x1d8: {  	_ = 	snop;
	(pc) =	sbr.rel @p2 .LBB2_30-.Ltmp16, $3  }
0x1d9: {  	_ =	sdelay $0x1  }
0x1da: {  	s21 =	simm.s32 $0x2610;
	[tilespmem:v7+s15+$0x0] =	vst.idx.add.s32.msk vm0, v3  }
0x1db: {  	s22 =	sadd.s32 $0xFFFFFFFF, s16;
	p1 =	por $0x1, $0x1;
	s16 =	simm.s32 $0x0;
	v7 =	vld [tilespmem:s21+$0x0]  }
.LBB2_31:
0x1dc: {  	p2 =	seq.s32 s22, $0x1;
	_ =	sdelay $0x2  }
0x1dd: {  	s16 =	sadd.s32 $0x10, s16  }
0x1de: {  	v8 =	vor.u32 s16, v1;
	v9 =	vand.u32 $0xFFFFFF00, v7  }
0x1df: {  	vm1 =	vlt.s32 v8, v5;
	vm0 =	veq.s32 v9, v6  }
0x1e0: {  	vm0 =	vmand vm1, vm0  }
0x1e1: {  	v7 =	vand.u32 $0xFF, v7;
	_ =	sdelay $0x1  }
.Ltmp17:
0x1e2: {  	(pc) =	sbr.rel @!p2 .LBB2_31-.Ltmp17, $3  }
0x1e3: {  	_ =	sdelay $0x1  }
0x1e4: {  	s21 =	sadd.s32 $0x10, s21;
	[tilespmem:v7+s15+$0x0] =	vst.idx.add.s32.msk vm0, v3  }
0x1e5: {  	s22 =	sadd.s32 $0xFFFFFFFF, s22;
	v7 =	vld [tilespmem:s21+$0x0]  }
.LBB2_32:
0x1e6: {  	_ =	sdelay $0x1  }
0x1e7: {  	s0 =	sadd.s32 @p1 $0x10, s16  }
0x1e8: {  	s20 =	smov.u32 @p1 s0  }
0x1e9: {  	v8 =	vor.u32 s20, v1;
	v9 =	vand.u32 $0xFFFFFF00, v7  }
0x1ea: {  	vm1 =	vlt.s32 v8, v5;
	vm0 =	veq.s32 v9, v6  }
0x1eb: {  	vm0 =	vmand vm1, vm0  }
0x1ec: {  	v5 =	vand.u32 $0xFF, v7;
	_ =	sdelay $0x4  }
0x1ed: {  	[tilespmem:v5+s15+$0x0] =	vst.idx.add.s32.msk vm0, v3  }
.LBB2_33:
0x1ee: {  	s20 =	simm.s32 $0x4600  }
0x1ef: {  	v6 =	vld [tilespmem:s20+$0x0];
	_ =	sdelay $0x1  }
0x1f0: {  	s0 =	simm.s32 $0x4610  }
0x1f1: {  	v7 =	vld [tilespmem:s0+$0x0];
	_ =	sdelay $0x1  }
0x1f2: {  	(xrf0) =	vadd.scan.msk.s32 $0xffff, v6;
	_ =	sdelay $0x2  }
0x1f3: {  	s25 =	simm.s32 $0x4620;
	(xrf0) =	vadd.scan.msk.s32 $0xffff, v7  }
0x1f4: {  	v8 =	vld [tilespmem:s25+$0x0];
	_ =	sdelay $0x1  }
0x1f5: {  	v9, _, _ =	vpop (xrf0)  }
0x1f6: {  	(v2sf) =	vpush v9, $0xF;
	_ =	sdelay $0x1  }
0x1f7: {  	s26 =	simm.s32 $0x4630;
	(xrf0) =	vadd.scan.msk.s32 $0xffff, v8;
	v10, _, _ =	vpop (xrf0)  }
0x1f8: {  	v11 =	vld [tilespmem:s26+$0x0];
	(v2sf) =	vpush v10, $0xF  }
0x1f9: {  	s16 =	ssub.s32 s18, s19;
	s24 =	simm.s32 $0x0;
	v6 =	vsub.s32 v9, v6  }
0x1fa: {  	v5 =	vmov s16;
	v9 =	vadd.s32 s24, v9;
	v6 =	vadd.s32 s24, v6  }
0x1fb: {  	vm1 =	vge.s32 v9, v5;
	vm0 =	vlt.s32 v6, v5  }
0x1fc: {  	v6 =	vxor.u32 $0x80000000, v6;
	vm0 =	vmand vm1, vm0  }
0x1fd: {  	(xrf0) =	vadd.scan.msk.s32 $0xffff, v11;
	v9 =	vor.u32 s24, v4;
	v12, _, _ =	vpop (xrf0);
	v6 =	vnsel vm0, $0x7FFFFFFF, v6  }
0x1fe: {  	(v2sf) =	vpush v12, $0xF;
	v9 =	vnsel vm0, $0x7FFFFFFF, v9;
	(xrf0) =	vmax.scan.msk.u32 $0xffff, v6  }
0x1ff: {  	(xrf0) =	vmax.scan.msk.u32 $0xffff, v9;
	_ =	sdelay $0x3  }
0x200: {  	s30 =	simm.s32 $0x4640;
	v9, _, _ =	vpop (xrf0)  }
0x201: {  	v13 =	vld [tilespmem:s30+$0x0];
	(v2sf) =	vpush v9, $0xF;
	v6, _, _ =	vpop (xrf0);
	s2 =	spop (v2sf)  }
0x202: {  	v7 =	vsub.s32 v10, v7;
	(v2sf) =	vpush v6, $0xF;
	v6, _, _ =	vpop (xrf0);
	s31 =	sadd.s32 $0x0, s2  }
0x203: {  	s20 =	simm.s32 $0x4650;
	(v2sf) =	vpush v6, $0xF;
	v7 =	vadd.s32 s31, v7;
	v10 =	vadd.s32 s31, v10  }
0x204: {  	s21 =	simm.s32 $0x10;
	v14 =	vld [tilespmem:s20+$0x0];
	v6 =	vsub.s32 v12, v8;
	s22 =	spop (v2sf);
	vm10 =	vlt.s32 v7, v5;
	vm11 =	vge.s32 v10, v5  }
0x205: {  	v8 =	vor.u32 s21, v4;
	s0 =	sadd.s32 s31, s22;
	v7 =	vxor.u32 $0x80000000, v7;
	vm0 =	vmand vm11, vm10  }
0x206: {  	(xrf0) =	vadd.scan.msk.s32 $0xffff, v13;
	v6 =	vadd.s32 s0, v6;
	v10 =	vadd.s32 s0, v12;
	v7 =	vnsel vm0, $0x7FFFFFFF, v7  }
0x207: {  	vm12 =	vlt.s32 v6, v5;
	vm13 =	vge.s32 v10, v5;
	v8 =	vnsel vm0, $0x7FFFFFFF, v8;
	(xrf0) =	vmax.scan.msk.u32 $0xffff, v7  }
0x208: {  	v6 =	vxor.u32 $0x80000000, v6;
	vm0 =	vmand vm13, vm12;
	(xrf0) =	vmax.scan.msk.u32 $0xffff, v8  }
0x209: {  	s23 =	simm.s32 $0x20;
	v6 =	vnsel vm0, $0x7FFFFFFF, v6;
	(xrf0) =	vadd.scan.msk.s32 $0xffff, v14  }
0x20a: {  	s25 =	spop (v2sf);
	v7 =	vor.u32 s23, v4;
	(xrf0) =	vmax.scan.msk.u32 $0xffff, v6  }
0x20b: {  	s0 =	sadd.s32 s0, s25;
	v7 =	vnsel vm0, $0x7FFFFFFF, v7  }
0x20c: {  	v8, _, _ =	vpop (xrf0);
	(xrf0) =	vmax.scan.msk.u32 $0xffff, v7;
	v7 =	vsub.s32 v9, v11;
	v9 =	vadd.s32 s0, v9  }
0x20d: {  	(v2sf) =	vpush v8, $0xF;
	v10, _, _ =	vpop (xrf0)  }
0x20e: {  	v11, _, _ =	vpop (xrf0);
	(v2sf) =	vpush v10, $0xF  }
0x20f: {  	vm15 =	vge.s32 v9, v5;
	(v2sf) =	vpush v11, $0xF;
	v9, _, _ =	vpop (xrf0)  }
0x210: {  	(v2sf) =	vpush v9, $0xF;
	v11, _, _ =	vpop (xrf0)  }
0x211: {  	s24 =	simm.s32 $0x4660;
	s30 =	spop (v2sf);
	(v2sf) =	vpush v11, $0xF  }
0x212: {  	v6 =	vld [tilespmem:s24+$0x0];
	v15, _, _ =	vpop (xrf0)  }
0x213: {  	s31 =	spop (v2sf);
	(v2sf) =	vpush v15, $0xF  }
0x214: {  	v7 =	vadd.s32 s0, v7  }
0x215: {  	vm14 =	vlt.s32 v7, v5  }
0x216: {  	s18 =	simm.s32 $0xFFFFFFFF;
	s19 =	simm.s32 $0x70;
	s26 =	simm.s32 $0x30;
	v7 =	vxor.u32 $0x80000000, v7;
	vm0 =	vmand vm15, vm14  }
0x217: {  	s29 =	simm.s32 $0x80;
	s28 =	simm.s32 $0x4670;
	s20 =	simm.s32 $0xFFFFFFFF;
	v10 =	vor.u32 s26, v4;
	(xrf0) =	vadd.scan.msk.s32 $0xffff, v6;
	v7 =	vnsel vm0, $0x7FFFFFFF, v7  }
0x218: {  	s22 =	simm.s32 $0x60;
	s25 =	simm.s32 $0x40;
	s23 =	simm.s32 $0x50;
	v63 =	vnsel vm0, $0x7FFFFFFF, v10;
	(xrf0) =	vmax.scan.msk.u32 $0xffff, v7  }
0x219: {  	s26 =	sadd.s32 s0, s30;
	s21 =	sxor.u32 $0x80000000, s31;
	s24 =	spop (v2sf);
	v10 =	vsub.s32 v8, v13;
	v7 =	vld [tilespmem:s28+$0x0];
	v11 =	vsub.s32 v9, v14;
	(xrf0) =	vmax.scan.msk.u32 $0xffff, v63  }
.LBB2_34:
0x21a: {  	s0 =	smov.u32 s20  }
0x21b: {  	s2 =	smov.u32 s18;
	s20 =	sxor.u32 $0x80000000, s24;
	p2 =	sgt.s32 s18, s21  }
0x21c: {  	v12 =	vadd.s32 s26, v10;
	v13 =	vadd.s32 s26, v8;
	v8 =	vmovc v9;
	v10 =	vmov v11;
	s24 =	smov.u32 s29;
	s30 =	sadd.s32 $0x10, s29;
	s18 =	smov.u32 s21  }
0x21d: {  	p1 =	sne.s32 s29, $0xF0;
	vm0 =	vlt.s32 v12, v5;
	vm1 =	vge.s32 v13, v5;
	p3 =	sgt.s32 s0, s20;
	s18 =	smov.u32 @p2 s2  }
.Ltmp18:
0x21e: {  	v11 =	vor.u32 s25, v4;
	s25 =	smov.u32 s23;
	v16 =	vxor.u32 $0x80000000, v12;
	vm0 =	vmand vm1, vm0;
	s20 =	smov.u32 @p3 s0;
	v9, _, _ =	vpop (xrf0);
	(pc) =	sbr.rel @p1 .LBB2_34-.Ltmp18, $4  }
0x21f: {  	s23 =	smov.u32 s22;
	s22 =	smov.u32 s19;
	s19 =	smov.u32 s24;
	v13 =	vnsel vm0, $0x7FFFFFFF, v11;
	v15 =	vnsel vm0, $0x7FFFFFFF, v16;
	(xrf0) =	vadd.scan.msk.s32 $0xffff, v7;
	(v2sf) =	vpush v9, $0xF;
	v14, _, _ =	vpop (xrf0)  }
0x220: {  	s28 =	sadd.s32 $0x10, s28;
	v11 =	vsub.s32 v9, v6;
	v6 =	vmov v7;
	(xrf0) =	vmax.scan.msk.u32 $0xffff, v15;
	s0 =	spop (v2sf);
	v12, _, _ =	vpop (xrf0);
	(v2sf) =	vpush v14, $0xF  }
0x221: {  	s29 =	smov.u32 s30;
	v7 =	vld [tilespmem:s28+$0x0];
	(xrf0) =	vmax.scan.msk.u32 $0xffff, v13;
	(v2sf) =	vpush v12, $0xF;
	s2 =	spop (v2sf)  }
0x222: {  	s26 =	sadd.s32 s26, s0;
	s21 =	sxor.u32 $0x80000000, s2;
	s24 =	spop (v2sf)  }
0x223: {  	_ =	sdelay $0x1  }
0x224: {  	v12, _, _ =	vpop (xrf0)  }
0x225: {  	(v2sf) =	vpush v12, $0xF;
	_ =	sdelay $0x7  }
0x226: {  	v10 =	vadd.s32 s26, v10;
	v8 =	vadd.s32 s26, v8;
	(xrf0) =	vadd.scan.msk.s32 $0xffff, v7  }
0x227: {  	s0 =	spop (v2sf);
	v61 =	vor.u32 s22, v4;
	vm0 =	vlt.s32 v10, v5;
	vm1 =	vge.s32 v8, v5  }
0x228: {  	v8 =	vor.u32 s25, v4;
	v10 =	vxor.u32 $0x80000000, v10;
	s25 =	spop (v2sf);
	s0 =	sadd.s32 s26, s0;
	vm0 =	vmand vm1, vm0  }
0x229: {  	s31 =	spop (v2sf);
	v11 =	vadd.s32 s0, v11;
	v9 =	vadd.s32 s0, v9;
	v10 =	vnsel vm0, $0x7FFFFFFF, v10  }
0x22a: {  	v8 =	vnsel vm0, $0x7FFFFFFF, v8;
	v13, _, _ =	vpop (xrf0);
	vm0 =	vlt.s32 v11, v5;
	vm1 =	vge.s32 v9, v5;
	s2 =	spop (v2sf)  }
0x22b: {  	v9 =	vor.u32 s23, v4;
	v11 =	vxor.u32 $0x80000000, v11;
	v60, _, _ =	vpop (xrf0);
	vm0 =	vmand vm1, vm0;
	(xrf0) =	vmax.scan.msk.u32 $0xffff, v10;
	s23 =	spop (v2sf)  }
0x22c: {  	v6 =	vsub.s32 v12, v6;
	v9 =	vnsel vm0, $0x7FFFFFFF, v9;
	(xrf0) =	vmax.scan.msk.u32 $0xffff, v8;
	v8 =	vnsel vm0, $0x7FFFFFFF, v11;
	v10, _, _ =	vpop (xrf0);
	s0 =	sadd.s32 s0, s2;
	s28 =	spop (v2sf)  }
0x22d: {  	v7 =	vsub.s32 v10, v7;
	v6 =	vadd.s32 s0, v6;
	v12 =	vadd.s32 s0, v12;
	s29 =	spop (v2sf)  }
0x22e: {  	vm1 =	vlt.s32 v6, v5;
	vm2 =	vge.s32 v12, v5;
	v6 =	vxor.u32 $0x80000000, v6;
	s0 =	sadd.s32 s0, s29  }
0x22f: {  	(xrf0) =	vmax.scan.msk.u32 $0xffff, v8;
	vm0 =	vmand vm2, vm1;
	v7 =	vadd.s32 s0, v7;
	v8 =	vadd.s32 s0, v10  }
0x230: {  	(xrf0) =	vmax.scan.msk.u32 $0xffff, v9;
	v6 =	vnsel vm0, $0x7FFFFFFF, v6;
	vm1 =	vlt.s32 v7, v5;
	vm2 =	vge.s32 v8, v5  }
0x231: {  	(xrf0) =	vmax.scan.msk.u32 $0xffff, v6;
	v5 =	vnsel vm0, $0x7FFFFFFF, v61;
	v6 =	vxor.u32 $0x80000000, v7;
	vm0 =	vmand vm2, vm1  }
0x232: {  	(v2sf) =	vpush v13, $0xF;
	(xrf0) =	vmax.scan.msk.u32 $0xffff, v5;
	v5 =	vor.u32 s19, v4;
	v6 =	vnsel vm0, $0x7FFFFFFF, v6  }
0x233: {  	(v2sf) =	vpush v60, $0xF;
	v5 =	vnsel vm0, $0x7FFFFFFF, v5  }
0x234: {  	(v2sf) =	vpush v10, $0xF;
	v7, _, _ =	vpop (xrf0);
	(xrf0) =	vmax.scan.msk.u32 $0xffff, v6  }
0x235: {  	(v2sf) =	vpush v7, $0xF;
	v6, _, _ =	vpop (xrf0);
	(xrf0) =	vmax.scan.msk.u32 $0xffff, v5  }
0x236: {  	v5, _, _ =	vpop (xrf0);
	(v2sf) =	vpush v6, $0xF  }
0x237: {  	v6, _, _ =	vpop (xrf0);
	(v2sf) =	vpush v5, $0xF  }
0x238: {  	v5, _, _ =	vpop (xrf0);
	(v2sf) =	vpush v6, $0xF  }
0x239: {  	v6, _, _ =	vpop (xrf0);
	(v2sf) =	vpush v5, $0xF  }
0x23a: {  	(v2sf) =	vpush v6, $0xF;
	v5, _, _ =	vpop (xrf0)  }
0x23b: {  	v6, _, _ =	vpop (xrf0);
	(v2sf) =	vpush v5, $0xF  }
0x23c: {  	(v2sf) =	vpush v6, $0xF;
	_ =	sdelay $0x1  }
0x23d: {  	s0 =	sxor.u32 $0x80000000, s24  }
0x23e: {  	p1 =	sgt.s32 s20, s0  }
0x23f: {  	s0 =	smov.u32 @p1 s20;
	s20 =	sxor.u32 $0x80000000, s31  }
0x240: {  	p2 =	sgt.s32 s18, s21;
	s19 =	spop (v2sf);
	p1 =	sgt.s32 s0, s20  }
0x241: {  	s30 =	spop (v2sf);
	s20 =	smov.u32 @p1 s0;
	s0 =	sxor.u32 $0x80000000, s28  }
0x242: {  	s21 =	smov.u32 @p2 s18;
	s31 =	spop (v2sf);
	p1 =	sgt.s32 s20, s0  }
0x243: {  	s2 =	sxor.u32 $0x80000000, s30;
	s0 =	smov.u32 @p1 s20;
	s20 =	spop (v2sf)  }
0x244: {  	s22 =	sxor.u32 $0x80000000, s25;
	p1 =	sgt.s32 s0, s2;
	s24 =	spop (v2sf)  }
0x245: {  	s2 =	smov.u32 @p1 s0;
	s0 =	sxor.u32 $0x80000000, s24;
	s25 =	spop (v2sf)  }
0x246: {  	p1 =	sgt.s32 s21, s22;
	p2 =	sgt.s32 s2, s0;
	s26 =	spop (v2sf)  }
0x247: {  	s0 =	smov.u32 @p2 s2;
	s2 =	sxor.u32 $0x80000000, s26;
	s28 =	spop (v2sf)  }
0x248: {  	s22 =	smov.u32 @p1 s21;
	p1 =	sgt.s32 s0, s2;
	s29 =	spop (v2sf)  }
0x249: {  	s2 =	smov.u32 @p1 s0;
	s0 =	sxor.u32 $0x80000000, s29;
	s30 =	spop (v2sf)  }
0x24a: {  	s18 =	simm.s32 $0x1000;
	p1 =	sgt.s32 s2, s0;
	s31 =	spop (v2sf)  }
0x24b: {  	v8 =	vld [tilespmem:s18+$0x0];
	s0 =	smov.u32 @p1 s2;
	s2 =	sxor.u32 $0x80000000, s23;
	s23 =	sxor.u32 $0x80000000, s31  }
0x24c: {  	p1 =	sgt.s32 s22, s2;
	p2 =	sgt.s32 s0, s23  }
0x24d: {  	s19 =	sxor.u32 $0x80000000, s19;
	s2 =	smov.u32 @p1 s22;
	s23 =	smov.u32 @p2 s0  }
0x24e: {  	p1 =	sgt.s32 s2, s19;
	s0 =	sor.u32 s17, s23  }
0x24f: {  	s19 =	smov.u32 @p1 s2;
	s2 =	sxor.u32 $0x80000000, s20;
	v5 =	vmov s0  }
0x250: {  	p1 =	sgt.s32 s19, s2;
	vm1 =	veq.s32 v8, v5  }
0x251: {  	s17 =	sxor.u32 $0x80000000, s25;
	s2 =	smov.u32 @p1 s19;
	v6 =	vsel vm1, $0x1, v0  }
0x252: {  	p1 =	sgt.s32 s2, s17;
	(xrf0) =	vadd.scan.msk.s32 $0xffff, v6  }
0x253: {  	s17 =	smov.u32 @p1 s2;
	s2 =	sxor.u32 $0x80000000, s28  }
0x254: {  	p1 =	sgt.s32 s17, s2  }
0x255: {  	s2 =	smov.u32 @p1 s17;
	s17 =	sxor.u32 $0x80000000, s30  }
0x256: {  	p1 =	sgt.s32 s2, s17  }
0x257: {  	s17 =	smov.u32 @p1 s2  }
0x258: {  	v9 =	vimm.s32 $0x0;
	s2 =	ssub.s32 s16, s17;
	v7, _, _ =	vpop (xrf0)  }
0x259: {  	s0 =	sxor.u32 $0x80000000, s0;
	v6 =	vmov s2;
	v10 =	vadd.s32 v9, v7  }
0x25a: {  	v11 =	vxor.u32 $0x80000000, v8;
	v7 =	vmov s0;
	vm0 =	vle.s32 v10, v6  }
0x25b: {  	vm2 =	vlt.s32 v11, v7;
	vm0 =	vmand vm1, vm0  }
0x25c: {  	vm0 =	vmor vm2, vm0  }
0x25d: {  	v10 =	vsel vm0, $0x1, v0  }
0x25e: {  	(xrf0) =	vadd.scan.msk.s32 $0xffff, v10;
	_ =	sdelay $0x5  }
0x25f: {  	v10, _, _ =	vpop (xrf0)  }
0x260: {  	v10 =	vadd.s32 v10, v9  }
0x261: {  	v10 =	vadd.s32 $0xFFFFFFFF, v10  }
0x262: {  	s16 =	simm.s32 $0x0  }
0x263: {  	v11 =	vld [tilespmem:s16+$0x0];
	_ =	sdelay $0x1  }
0x264: {  	v62 =	vmpcnt.ones.xlane vm1;
	v63 =	vmpcnt.ones.xlane vm0  }
0x265: {  	v14 =	vor.u32 s16, v1;
	[tilespmem:v10+s12+$0x0] =	vst.idx.msk vm0, v8  }
0x266: {  	s17 =	simm.s32 $0x10;
	v8 =	vadd.s32 v9, v62;
	v9 =	vadd.s32 v9, v63;
	[tilespmem:v10+s13+$0x0] =	vst.idx.msk vm0, v14  }
.LBB2_36:
0x267: {  	p1 =	sne.s32 s17, $0xFF0;
	[tilespmem:v10+s14+$0x0] =	vst.idx.msk vm0, v11;
	s18 =	sadd.s32 $0x10, s18;
	s16 =	sadd.s32 $0x10, s16;
	v10 =	vmov v8;
	v11 =	vmov v9  }
0x268: {  	s0 =	smov.u32 s17;
	s17 =	sadd.s32 $0x10, s17;
	v12 =	vld [tilespmem:s18+$0x0];
	_ =	sdelay $0x4  }
0x269: {  	v13 =	vxor.u32 $0x80000000, v12;
	vm0 =	veq.s32 v12, v5  }
0x26a: {  	v14 =	vsel vm0, $0x1, v0;
	v15 =	vmpcnt.ones.xlane vm0  }
0x26b: {  	(xrf0) =	vadd.scan.msk.s32 $0xffff, v14  }
0x26c: {  	v8 =	vadd.s32 v8, v15;
	_ =	sdelay $0x4  }
0x26d: {  	v14, _, _ =	vpop (xrf0)  }
0x26e: {  	v10 =	vadd.s32 v10, v14  }
0x26f: {  	vm1 =	vle.s32 v10, v6  }
0x270: {  	vm2 =	vlt.s32 v13, v7;
	vm0 =	vmand vm0, vm1  }
0x271: {  	vm0 =	vmor vm2, vm0  }
0x272: {  	v10 =	vsel vm0, $0x1, v0;
	v13 =	vmpcnt.ones.xlane vm0  }
0x273: {  	(xrf0) =	vadd.scan.msk.s32 $0xffff, v10  }
0x274: {  	v9 =	vadd.s32 v9, v13;
	_ =	sdelay $0x4  }
0x275: {  	v10, _, _ =	vpop (xrf0)  }
0x276: {  	v10 =	vadd.s32 v10, v11  }
0x277: {  	v10 =	vadd.s32 $0xFFFFFFFF, v10;
	_ =	sdelay $0x1  }
.Ltmp19:
0x278: {  	v11 =	vld [tilespmem:s16+$0x0];
	(pc) =	sbr.rel @p1 .LBB2_36-.Ltmp19, $3  }
0x279: {  	_ =	sdelay $0x1  }
0x27a: {  	v13 =	vor.u32 s0, v1;
	[tilespmem:v10+s12+$0x0] =	vst.idx.msk vm0, v12  }
0x27b: {  	[tilespmem:v10+s13+$0x0] =	vst.idx.msk vm0, v13  }
0x27c: {  	_ =	sdelay $0x4  }
0x27d: {  	[tilespmem:v10+s14+$0x0] =	vst.idx.msk vm0, v11;
	s0 =	rddreg [dreg:$0x5]  }
0x27e: {  	[hbm4b:s0+s7] =	stream.strided.scatter [tilespmem:s13], [sflag:$0x1], $0x200, s8, s7, $0x38;
	[tilespmem:$0x4700] =	vst v63  }
0x27f: {  	_ =	swait.ge [sflag:s9], $0x200  }
0x280: {  	[sflag:s9] =	ssyncset.done $0x0  }
0x281: {  	[sflag:s9] =	ssyncadd.s32 $0xFFFFFE00  }
0x282: {  	v5 =	vld [tilespmem:$0x2400]  }
0x283: {  	v6 =	vld [tilespmem:$0x2410]  }
0x284: {  	v7 =	vld [tilespmem:$0x2420]  }
0x285: {  	v8 =	vld [tilespmem:$0x2430]  }
0x286: {  	v9 =	vld [tilespmem:$0x2440]  }
0x287: {  	v53 =	vld [tilespmem:$0x2450]  }
0x288: {  	v5 =	vmax.f32 v5, v6;
	v6 =	vld [tilespmem:$0x2460]  }
0x289: {  	v5 =	vmax.f32 v5, v7;
	v7 =	vld [tilespmem:$0x2470]  }
0x28a: {  	v5 =	vmax.f32 v5, v8;
	v8 =	vld [tilespmem:$0x2480]  }
0x28b: {  	v54 =	vld [tilespmem:$0x2490];
	v5 =	vmax.f32 v5, v9  }
0x28c: {  	v55 =	vld [tilespmem:$0x24A0];
	v5 =	vmax.f32 v5, v53  }
0x28d: {  	v5 =	vmax.f32 v5, v6;
	v6 =	vld [tilespmem:$0x24B0]  }
0x28e: {  	v5 =	vmax.f32 v5, v7;
	v7 =	vld [tilespmem:$0x24C0]  }
0x28f: {  	v5 =	vmax.f32 v5, v8;
	v8 =	vld [tilespmem:$0x24D0]  }
0x290: {  	v56 =	vld [tilespmem:$0x24E0];
	v5 =	vmax.f32 v5, v54  }
0x291: {  	v57 =	vld [tilespmem:$0x24F0];
	v5 =	vmax.f32 v5, v55  }
0x292: {  	v5 =	vmax.f32 v5, v6;
	v6 =	vld [tilespmem:$0x2500]  }
0x293: {  	v5 =	vmax.f32 v5, v7;
	v7 =	vld [tilespmem:$0x2510]  }
0x294: {  	v5 =	vmax.f32 v5, v8;
	v8 =	vld [tilespmem:$0x2520]  }
0x295: {  	v58 =	vld [tilespmem:$0x2530];
	v5 =	vmax.f32 v5, v56  }
0x296: {  	v59 =	vld [tilespmem:$0x2540];
	v5 =	vmax.f32 v5, v57  }
0x297: {  	v5 =	vmax.f32 v5, v6;
	v6 =	vld [tilespmem:$0x2550]  }
0x298: {  	v5 =	vmax.f32 v5, v7;
	v7 =	vld [tilespmem:$0x2560]  }
0x299: {  	v5 =	vmax.f32 v5, v8;
	v8 =	vld [tilespmem:$0x2570]  }
0x29a: {  	v60 =	vld [tilespmem:$0x2580];
	v5 =	vmax.f32 v5, v58  }
0x29b: {  	v61 =	vld [tilespmem:$0x2590];
	v5 =	vmax.f32 v5, v59  }
0x29c: {  	v5 =	vmax.f32 v5, v6;
	v6 =	vld [tilespmem:$0x25A0]  }
0x29d: {  	v5 =	vmax.f32 v5, v7;
	v7 =	vld [tilespmem:$0x25B0]  }
0x29e: {  	v5 =	vmax.f32 v5, v8;
	v8 =	vld [tilespmem:$0x25C0]  }
0x29f: {  	v62 =	vld [tilespmem:$0x25D0];
	v5 =	vmax.f32 v5, v60  }
0x2a0: {  	v63 =	vld [tilespmem:$0x25E0];
	v5 =	vmax.f32 v5, v61  }
0x2a1: {  	v5 =	vmax.f32 v5, v6;
	v6 =	vld [tilespmem:$0x25F0]  }
0x2a2: {  	v5 =	vmax.f32 v5, v7  }
0x2a3: {  	v5 =	vmax.f32 v5, v8  }
0x2a4: {  	v5 =	vmax.f32 v5, v62  }
0x2a5: {  	v5 =	vmax.f32 v5, v63  }
0x2a6: {  	v5 =	vmax.f32 v5, v6  }
0x2a7: {  	(xrf0) =	vmax.scan.msk.f32 $0xffff, v5;
	_ =	sdelay $0x5  }
0x2a8: {  	v5, _, _ =	vpop (xrf0)  }
0x2a9: {  	s16 =	simm.s32 $0x0;
	s17 =	simm.s32 $0x40;
	v6 =	vbroadcast v5, $0xF;
	v5 =	vimm.f32 $0.0e+00  }
.LBB2_38:
0x2aa: {  	p1 =	sne.s32 s17, $0x7C0;
	v7 =	vld [tilespmem:s16+$0x2400];
	_ =	sdelay $0x4  }
0x2ab: {  	v7 =	vsub.f32 v7, v6;
	_ =	sdelay $0x1  }
0x2ac: {  	v7 =	vmul.f32 $1.442695020e+00, v7;
	_ =	sdelay $0x1  }
0x2ad: {  	(erf) = vpow2.f32 v7;
	_ =	sdelay $0x5  }
.Ltmp20:
0x2ae: {  	(pc) =	sbr.rel @p1 .LBB2_38-.Ltmp20, $3  }
0x2af: {  	_ =	sdelay $0x1  }
0x2b0: {  	v7 =	vpop (erf)  }
0x2b1: {  	[tilespmem:s16+$0x2400] =	vst v7;
	s16 =	sshra.s32 s17, $0x2;
	s17 =	sadd.s32 $0x40, s17;
	v5 =	vadd.f32 v7, v5  }
0x2b2: {  	v7 =	vld [tilespmem:s16+$0x2400];
	_ =	sdelay $0x4  }
0x2b3: {  	v6 =	vsub.f32 v7, v6;
	_ =	sdelay $0x1  }
0x2b4: {  	v6 =	vmul.f32 $1.442695020e+00, v6;
	_ =	sdelay $0x1  }
0x2b5: {  	(erf) = vpow2.f32 v6;
	_ =	sdelay $0x8  }
0x2b6: {  	v6 =	vpop (erf)  }
0x2b7: {  	v5 =	vadd.f32 v6, v5;
	_ =	sdelay $0x1  }
0x2b8: {  	(xrf2) =	vadd.scan.msk.f32 $0xffff, v5;
	_ =	sdelay $0x9  }
0x2b9: {  	v5, _, _ =	vpop (xrf2)  }
0x2ba: {  	v5 =	vbroadcast v5, $0xF;
	_ =	sdelay $0x1  }
0x2bb: {  	(erf) = vrcp.f32 v5;
	_ =	sdelay $0x8  }
0x2bc: {  	s17 =	simm.s32 $0x40;
	[tilespmem:s16+$0x2400] =	vst v6;
	s16 =	simm.s32 $0x0;
	v5 =	vpop (erf)  }
.LBB2_40:
0x2bd: {  	p1 =	sne.s32 s17, $0x7C0;
	v6 =	vld [tilespmem:s16+$0x2400];
	_ =	sdelay $0x2  }
.Ltmp21:
0x2be: {  	(pc) =	sbr.rel @p1 .LBB2_40-.Ltmp21, $3  }
0x2bf: {  	_ = 	snop  }
0x2c0: {  	v6 =	vmul.f32 v6, v5;
	_ =	sdelay $0x1  }
0x2c1: {  	[tilespmem:s16+$0x2400] =	vst v6;
	s16 =	sshra.s32 s17, $0x2;
	s17 =	sadd.s32 $0x40, s17  }
0x2c2: {  	v6 =	vld [tilespmem:s16+$0x2400];
	_ =	sdelay $0x4  }
0x2c3: {  	v5 =	vmul.f32 v6, v5;
	_ =	sdelay $0x1  }
0x2c4: {  	[tilespmem:s16+$0x2400] =	vst v5  }
0x2c5: {  	[hbm4b:s3+s7] =	stream.strided.scatter [tilespmem:s14], [sflag:$0x1], $0x200, s8, s7, $0x38;
	[tilespmem:$0x4700] =	vst v63  }
0x2c6: {  	_ =	swait.ge [sflag:s9], $0x200  }
0x2c7: {  	[sflag:s9] =	ssyncset.done $0x0  }
0x2c8: {  	[sflag:s9] =	ssyncadd.s32 $0xFFFFFE00  }
0x2c9: {  	[tilespmem:$0x4600] =	vst v0  }
0x2ca: {  	[tilespmem:$0x4610] =	vst v0  }
0x2cb: {  	[tilespmem:$0x4620] =	vst v0  }
0x2cc: {  	[tilespmem:$0x4630] =	vst v0  }
0x2cd: {  	[tilespmem:$0x4640] =	vst v0  }
0x2ce: {  	[tilespmem:$0x4650] =	vst v0  }
0x2cf: {  	[tilespmem:$0x4660] =	vst v0  }
0x2d0: {  	[tilespmem:$0x4670] =	vst v0  }
0x2d1: {  	[tilespmem:$0x4680] =	vst v0  }
0x2d2: {  	[tilespmem:$0x4690] =	vst v0  }
0x2d3: {  	[tilespmem:$0x46A0] =	vst v0  }
0x2d4: {  	[tilespmem:$0x46B0] =	vst v0  }
0x2d5: {  	[tilespmem:$0x46C0] =	vst v0  }
0x2d6: {  	[tilespmem:$0x46D0] =	vst v0  }
0x2d7: {  	[tilespmem:$0x46E0] =	vst v0  }
0x2d8: {  	s18 =	simm.s32 $0x0;
	s17 =	simm.s32 $0x40;
	s16 =	simm.s32 $0x0;
	[tilespmem:$0x46F0] =	vst v0  }
.LBB2_42:
0x2d9: {  	p1 =	sne.s32 s17, $0x7C0;
	v5 =	vld [tilespmem:s18+$0x2000];
	_ =	sdelay $0x4  }
0x2da: {  	v5 =	vand.u32 $0xFF, v5  }
.Ltmp22:
0x2db: {  	(pc) =	sbr.rel @p1 .LBB2_42-.Ltmp22, $2  }
0x2dc: {  	_ =	sdelay $0x2  }
0x2dd: {  	s18 =	sshra.s32 s17, $0x2;
	s17 =	sadd.s32 $0x40, s17;
	[tilespmem:v5+s15+$0x0] =	vst.idx.add.s32.msk $0xffff, v3  }
0x2de: {  	v5 =	vld [tilespmem:s18+$0x2000];
	_ =	sdelay $0x4  }
0x2df: {  	v5 =	vand.u32 $0xFF, v5;
	_ =	sdelay $0x4  }
0x2e0: {  	s0 =	simm.s32 $0x0;
	[tilespmem:v5+s15+$0x0] =	vst.idx.add.s32.msk $0xffff, v3  }
0x2e1: {  	v5 =	vld [tilespmem:s0+$0x4600];
	_ =	sdelay $0x4  }
0x2e2: {  	(xrf0) =	vadd.scan.msk.s32 $0xffff, v5;
	_ =	sdelay $0x5  }
0x2e3: {  	v6, _, _ =	vpop (xrf0)  }
0x2e4: {  	(v2sf) =	vpush v6, $0xF  }
0x2e5: {  	v5 =	vsub.s32 s16, v5  }
0x2e6: {  	v5 =	vadd.s32 v6, v5  }
0x2e7: {  	s17 =	simm.s32 $0x10;
	s18 =	simm.s32 $0x80;
	[tilespmem:s0+$0x4600] =	vst v5  }
.LBB2_44:
0x2e8: {  	p1 =	sne.s32 s18, $0x3C0;
	v5 =	vld [tilespmem:s17+$0x4600];
	_ =	sdelay $0x4  }
0x2e9: {  	(xrf0) =	vadd.scan.msk.s32 $0xffff, v5;
	_ =	sdelay $0x5  }
.Ltmp23:
0x2ea: {  	v6, _, _ =	vpop (xrf0);
	s0 =	spop (v2sf);
	(pc) =	sbr.rel @p1 .LBB2_44-.Ltmp23, $4  }
0x2eb: {  	(v2sf) =	vpush v6, $0xF;
	s16 =	sadd.s32 s16, s0  }
0x2ec: {  	v5 =	vsub.s32 s16, v5  }
0x2ed: {  	v5 =	vadd.s32 v6, v5  }
0x2ee: {  	[tilespmem:s17+$0x4600] =	vst v5;
	s17 =	sshra.s32 s18, $0x2;
	s18 =	sadd.s32 $0x40, s18  }
0x2ef: {  	v5 =	vld [tilespmem:s17+$0x4600];
	_ =	sdelay $0x4  }
0x2f0: {  	(xrf0) =	vadd.scan.msk.s32 $0xffff, v5;
	_ =	sdelay $0x5  }
0x2f1: {  	v6, _, _ =	vpop (xrf0)  }
0x2f2: {  	(v2sf) =	vpush v6, $0xF;
	_ =	sdelay $0x8  }
0x2f3: {  	s0 =	spop (v2sf)  }
0x2f4: {  	s0 =	sadd.s32 s16, s0  }
0x2f5: {  	v5 =	vsub.s32 s0, v5  }
0x2f6: {  	v5 =	vadd.s32 v6, v5  }
0x2f7: {  	s31 =	simm.s32 $0x0;
	[tilespmem:s17+$0x4600] =	vst v5  }
0x2f8: {  	v5 =	vld [tilespmem:s31+$0x2000]  }
0x2f9: {  	s16 =	simm.s32 $0x40;
	v6 =	vld [tilespmem:s31+$0x2200];
	s2 =	spop (v2sf)  }
.LBB2_46:
0x2fa: {  	p1 =	sne.s32 s16, $0x7C0;
	_ =	sdelay $0x2  }
0x2fb: {  	v7 =	vand.u32 $0xFF, v5  }
0x2fc: {  	(xrf1) =	vunique.msk.u32 $0xffff, v7;
	_ =	sdelay $0x8  }
0x2fd: {  	v8 =	vld.idx.msk [tilespmem:v7+s15+$0x0], $0xffff;
	_ =	sdelay $0x4  }
0x2fe: {  	_, v9, _ =	vpop (xrf1)  }
0x2ff: {  	v8 =	vadd.s32 v9, v8  }
0x300: {  	v8 =	vadd.s32 $0xFFFFFFFF, v8;
	_ =	sdelay $0x4  }
.Ltmp24:
0x301: {  	[tilespmem:v8+s10+$0x0] =	vst.idx.msk $0xffff, v5;
	(pc) =	sbr.rel @p1 .LBB2_46-.Ltmp24, $4  }
0x302: {  	[tilespmem:v8+s11+$0x0] =	vst.idx.msk $0xffff, v6  }
0x303: {  	s0 =	sshra.s32 s16, $0x2;
	[tilespmem:v7+s15+$0x0] =	vst.idx.add.s32.msk $0xffff, v3  }
0x304: {  	v5 =	vld [tilespmem:s0+$0x2000]  }
0x305: {  	s16 =	sadd.s32 $0x40, s16;
	v6 =	vld [tilespmem:s0+$0x2200]  }
0x306: {  	_ =	sdelay $0x2  }
0x307: {  	v7 =	vand.u32 $0xFF, v5  }
0x308: {  	(xrf1) =	vunique.msk.u32 $0xffff, v7;
	_ =	sdelay $0x9  }
0x309: {  	v8 =	vld.idx.msk [tilespmem:v7+s15+$0x0], $0xffff;
	_ =	sdelay $0x3  }
0x30a: {  	_, v9, _ =	vpop (xrf1)  }
0x30b: {  	v8 =	vadd.s32 v9, v8  }
0x30c: {  	v8 =	vadd.s32 $0xFFFFFFFF, v8;
	_ =	sdelay $0x4  }
0x30d: {  	[tilespmem:v8+s10+$0x0] =	vst.idx.msk $0xffff, v5  }
0x30e: {  	[tilespmem:v8+s11+$0x0] =	vst.idx.msk $0xffff, v6  }
0x30f: {  	[tilespmem:v7+s15+$0x0] =	vst.idx.add.s32.msk $0xffff, v3  }
0x310: {  	[tilespmem:$0x4600] =	vst v0  }
0x311: {  	[tilespmem:$0x4610] =	vst v0  }
0x312: {  	[tilespmem:$0x4620] =	vst v0  }
0x313: {  	[tilespmem:$0x4630] =	vst v0  }
0x314: {  	[tilespmem:$0x4640] =	vst v0  }
0x315: {  	[tilespmem:$0x4650] =	vst v0  }
0x316: {  	[tilespmem:$0x4660] =	vst v0  }
0x317: {  	[tilespmem:$0x4670] =	vst v0  }
0x318: {  	[tilespmem:$0x4680] =	vst v0  }
0x319: {  	[tilespmem:$0x4690] =	vst v0  }
0x31a: {  	[tilespmem:$0x46A0] =	vst v0  }
0x31b: {  	[tilespmem:$0x46B0] =	vst v0  }
0x31c: {  	[tilespmem:$0x46C0] =	vst v0  }
0x31d: {  	[tilespmem:$0x46D0] =	vst v0  }
0x31e: {  	[tilespmem:$0x46E0] =	vst v0  }
0x31f: {  	s16 =	simm.s32 $0x0;
	s18 =	simm.s32 $0x0;
	s17 =	simm.s32 $0x40;
	[tilespmem:$0x46F0] =	vst v0  }
.LBB2_48:
0x320: {  	p1 =	sne.s32 s17, $0x7C0;
	v5 =	vld [tilespmem:s18+$0x2600];
	_ =	sdelay $0x4  }
0x321: {  	v5 =	vshrl.u32 v5, $0x8  }
0x322: {  	v5 =	vand.u32 $0xFF, v5  }
.Ltmp25:
0x323: {  	(pc) =	sbr.rel @p1 .LBB2_48-.Ltmp25, $2  }
0x324: {  	_ =	sdelay $0x2  }
0x325: {  	s18 =	sshra.s32 s17, $0x2;
	s17 =	sadd.s32 $0x40, s17;
	[tilespmem:v5+s15+$0x0] =	vst.idx.add.s32.msk $0xffff, v3  }
0x326: {  	v5 =	vld [tilespmem:s18+$0x2600];
	_ =	sdelay $0x4  }
0x327: {  	v5 =	vshrl.u32 v5, $0x8  }
0x328: {  	v5 =	vand.u32 $0xFF, v5;
	_ =	sdelay $0x4  }
0x329: {  	s0 =	simm.s32 $0x0;
	[tilespmem:v5+s15+$0x0] =	vst.idx.add.s32.msk $0xffff, v3  }
0x32a: {  	v5 =	vld [tilespmem:s0+$0x4600];
	_ =	sdelay $0x4  }
0x32b: {  	(xrf0) =	vadd.scan.msk.s32 $0xffff, v5;
	_ =	sdelay $0x5  }
0x32c: {  	v6, _, _ =	vpop (xrf0)  }
0x32d: {  	(v2sf) =	vpush v6, $0xF  }
0x32e: {  	v5 =	vsub.s32 s16, v5  }
0x32f: {  	v5 =	vadd.s32 v6, v5  }
0x330: {  	s17 =	simm.s32 $0x10;
	s18 =	simm.s32 $0x80;
	[tilespmem:s0+$0x4600] =	vst v5  }
.LBB2_50:
0x331: {  	p1 =	sne.s32 s18, $0x3C0;
	v5 =	vld [tilespmem:s17+$0x4600];
	_ =	sdelay $0x4  }
0x332: {  	(xrf0) =	vadd.scan.msk.s32 $0xffff, v5;
	_ =	sdelay $0x5  }
.Ltmp26:
0x333: {  	v6, _, _ =	vpop (xrf0);
	s0 =	spop (v2sf);
	(pc) =	sbr.rel @p1 .LBB2_50-.Ltmp26, $4  }
0x334: {  	(v2sf) =	vpush v6, $0xF;
	s16 =	sadd.s32 s16, s0  }
0x335: {  	v5 =	vsub.s32 s16, v5  }
0x336: {  	v5 =	vadd.s32 v6, v5  }
0x337: {  	[tilespmem:s17+$0x4600] =	vst v5;
	s17 =	sshra.s32 s18, $0x2;
	s18 =	sadd.s32 $0x40, s18  }
0x338: {  	v5 =	vld [tilespmem:s17+$0x4600];
	_ =	sdelay $0x4  }
0x339: {  	(xrf0) =	vadd.scan.msk.s32 $0xffff, v5;
	_ =	sdelay $0x5  }
0x33a: {  	v6, _, _ =	vpop (xrf0)  }
0x33b: {  	(v2sf) =	vpush v6, $0xF;
	_ =	sdelay $0x8  }
0x33c: {  	s0 =	spop (v2sf)  }
0x33d: {  	s0 =	sadd.s32 s16, s0  }
0x33e: {  	v5 =	vsub.s32 s0, v5  }
0x33f: {  	v5 =	vadd.s32 v6, v5  }
0x340: {  	s31 =	simm.s32 $0x0;
	[tilespmem:s17+$0x4600] =	vst v5  }
0x341: {  	v5 =	vld [tilespmem:s31+$0x2600]  }
0x342: {  	s16 =	simm.s32 $0x40;
	v6 =	vld [tilespmem:s31+$0x3600];
	s2 =	spop (v2sf)  }
.LBB2_52:
0x343: {  	p1 =	sne.s32 s16, $0x7C0;
	_ =	sdelay $0x2  }
0x344: {  	v7 =	vshrl.u32 v5, $0x8  }
0x345: {  	v7 =	vand.u32 $0xFF, v7  }
0x346: {  	(xrf1) =	vunique.msk.u32 $0xffff, v7;
	_ =	sdelay $0x8  }
0x347: {  	v8 =	vld.idx.msk [tilespmem:v7+s15+$0x0], $0xffff;
	_ =	sdelay $0x4  }
0x348: {  	_, v9, _ =	vpop (xrf1)  }
0x349: {  	v8 =	vadd.s32 v9, v8  }
0x34a: {  	v8 =	vadd.s32 $0xFFFFFFFF, v8;
	_ =	sdelay $0x4  }
.Ltmp27:
0x34b: {  	[tilespmem:v8+s12+$0x0] =	vst.idx.msk $0xffff, v5;
	(pc) =	sbr.rel @p1 .LBB2_52-.Ltmp27, $4  }
0x34c: {  	[tilespmem:v8+s13+$0x0] =	vst.idx.msk $0xffff, v6  }
0x34d: {  	s0 =	sshra.s32 s16, $0x2;
	[tilespmem:v7+s15+$0x0] =	vst.idx.add.s32.msk $0xffff, v3  }
0x34e: {  	v5 =	vld [tilespmem:s0+$0x2600]  }
0x34f: {  	s16 =	sadd.s32 $0x40, s16;
	v6 =	vld [tilespmem:s0+$0x3600]  }
0x350: {  	_ =	sdelay $0x2  }
0x351: {  	v7 =	vshrl.u32 v5, $0x8  }
0x352: {  	v7 =	vand.u32 $0xFF, v7  }
0x353: {  	(xrf1) =	vunique.msk.u32 $0xffff, v7;
	_ =	sdelay $0x9  }
0x354: {  	v8 =	vld.idx.msk [tilespmem:v7+s15+$0x0], $0xffff;
	_ =	sdelay $0x3  }
0x355: {  	_, v9, _ =	vpop (xrf1)  }
0x356: {  	v8 =	vadd.s32 v9, v8  }
0x357: {  	v8 =	vadd.s32 $0xFFFFFFFF, v8;
	_ =	sdelay $0x4  }
0x358: {  	[tilespmem:v8+s12+$0x0] =	vst.idx.msk $0xffff, v5  }
0x359: {  	[tilespmem:v8+s13+$0x0] =	vst.idx.msk $0xffff, v6  }
0x35a: {  	[tilespmem:v7+s15+$0x0] =	vst.idx.add.s32.msk $0xffff, v3  }
0x35b: {  	[tilespmem:$0x4600] =	vst v0  }
0x35c: {  	[tilespmem:$0x4610] =	vst v0  }
0x35d: {  	[tilespmem:$0x4620] =	vst v0  }
0x35e: {  	[tilespmem:$0x4630] =	vst v0  }
0x35f: {  	[tilespmem:$0x4640] =	vst v0  }
0x360: {  	[tilespmem:$0x4650] =	vst v0  }
0x361: {  	[tilespmem:$0x4660] =	vst v0  }
0x362: {  	[tilespmem:$0x4670] =	vst v0  }
0x363: {  	[tilespmem:$0x4680] =	vst v0  }
0x364: {  	[tilespmem:$0x4690] =	vst v0  }
0x365: {  	[tilespmem:$0x46A0] =	vst v0  }
0x366: {  	[tilespmem:$0x46B0] =	vst v0  }
0x367: {  	[tilespmem:$0x46C0] =	vst v0  }
0x368: {  	[tilespmem:$0x46D0] =	vst v0  }
0x369: {  	[tilespmem:$0x46E0] =	vst v0  }
0x36a: {  	s16 =	simm.s32 $0x0;
	s18 =	simm.s32 $0x0;
	s17 =	simm.s32 $0x40;
	[tilespmem:$0x46F0] =	vst v0  }
.LBB2_54:
0x36b: {  	p1 =	sne.s32 s17, $0x7C0;
	v5 =	vld [tilespmem:s18+$0x2000];
	_ =	sdelay $0x4  }
0x36c: {  	v5 =	vshrl.u32 v5, $0x10  }
0x36d: {  	v5 =	vand.u32 $0xFF, v5  }
.Ltmp28:
0x36e: {  	(pc) =	sbr.rel @p1 .LBB2_54-.Ltmp28, $2  }
0x36f: {  	_ =	sdelay $0x2  }
0x370: {  	s18 =	sshra.s32 s17, $0x2;
	s17 =	sadd.s32 $0x40, s17;
	[tilespmem:v5+s15+$0x0] =	vst.idx.add.s32.msk $0xffff, v3  }
0x371: {  	v5 =	vld [tilespmem:s18+$0x2000];
	_ =	sdelay $0x4  }
0x372: {  	v5 =	vshrl.u32 v5, $0x10  }
0x373: {  	v5 =	vand.u32 $0xFF, v5;
	_ =	sdelay $0x4  }
0x374: {  	s0 =	simm.s32 $0x0;
	[tilespmem:v5+s15+$0x0] =	vst.idx.add.s32.msk $0xffff, v3  }
0x375: {  	v5 =	vld [tilespmem:s0+$0x4600];
	_ =	sdelay $0x4  }
0x376: {  	(xrf0) =	vadd.scan.msk.s32 $0xffff, v5;
	_ =	sdelay $0x5  }
0x377: {  	v6, _, _ =	vpop (xrf0)  }
0x378: {  	(v2sf) =	vpush v6, $0xF  }
0x379: {  	v5 =	vsub.s32 s16, v5  }
0x37a: {  	v5 =	vadd.s32 v6, v5  }
0x37b: {  	s17 =	simm.s32 $0x10;
	s18 =	simm.s32 $0x80;
	[tilespmem:s0+$0x4600] =	vst v5  }
.LBB2_56:
0x37c: {  	p1 =	sne.s32 s18, $0x3C0;
	v5 =	vld [tilespmem:s17+$0x4600];
	_ =	sdelay $0x4  }
0x37d: {  	(xrf0) =	vadd.scan.msk.s32 $0xffff, v5;
	_ =	sdelay $0x5  }
.Ltmp29:
0x37e: {  	v6, _, _ =	vpop (xrf0);
	s0 =	spop (v2sf);
	(pc) =	sbr.rel @p1 .LBB2_56-.Ltmp29, $4  }
0x37f: {  	(v2sf) =	vpush v6, $0xF;
	s16 =	sadd.s32 s16, s0  }
0x380: {  	v5 =	vsub.s32 s16, v5  }
0x381: {  	v5 =	vadd.s32 v6, v5  }
0x382: {  	[tilespmem:s17+$0x4600] =	vst v5;
	s17 =	sshra.s32 s18, $0x2;
	s18 =	sadd.s32 $0x40, s18  }
0x383: {  	v5 =	vld [tilespmem:s17+$0x4600];
	_ =	sdelay $0x4  }
0x384: {  	(xrf0) =	vadd.scan.msk.s32 $0xffff, v5;
	_ =	sdelay $0x5  }
0x385: {  	v6, _, _ =	vpop (xrf0)  }
0x386: {  	(v2sf) =	vpush v6, $0xF;
	_ =	sdelay $0x8  }
0x387: {  	s0 =	spop (v2sf)  }
0x388: {  	s0 =	sadd.s32 s16, s0  }
0x389: {  	v5 =	vsub.s32 s0, v5  }
0x38a: {  	v5 =	vadd.s32 v6, v5  }
0x38b: {  	s31 =	simm.s32 $0x0;
	[tilespmem:s17+$0x4600] =	vst v5  }
0x38c: {  	v5 =	vld [tilespmem:s31+$0x2000]  }
0x38d: {  	s16 =	simm.s32 $0x40;
	v6 =	vld [tilespmem:s31+$0x2200];
	s2 =	spop (v2sf)  }
.LBB2_58:
0x38e: {  	p1 =	sne.s32 s16, $0x7C0;
	_ =	sdelay $0x2  }
0x38f: {  	v7 =	vshrl.u32 v5, $0x10  }
0x390: {  	v7 =	vand.u32 $0xFF, v7  }
0x391: {  	(xrf1) =	vunique.msk.u32 $0xffff, v7;
	_ =	sdelay $0x8  }
0x392: {  	v8 =	vld.idx.msk [tilespmem:v7+s15+$0x0], $0xffff;
	_ =	sdelay $0x4  }
0x393: {  	_, v9, _ =	vpop (xrf1)  }
0x394: {  	v8 =	vadd.s32 v9, v8  }
0x395: {  	v8 =	vadd.s32 $0xFFFFFFFF, v8;
	_ =	sdelay $0x4  }
.Ltmp30:
0x396: {  	[tilespmem:v8+s10+$0x0] =	vst.idx.msk $0xffff, v5;
	(pc) =	sbr.rel @p1 .LBB2_58-.Ltmp30, $4  }
0x397: {  	[tilespmem:v8+s11+$0x0] =	vst.idx.msk $0xffff, v6  }
0x398: {  	s0 =	sshra.s32 s16, $0x2;
	[tilespmem:v7+s15+$0x0] =	vst.idx.add.s32.msk $0xffff, v3  }
0x399: {  	v5 =	vld [tilespmem:s0+$0x2000]  }
0x39a: {  	s16 =	sadd.s32 $0x40, s16;
	v6 =	vld [tilespmem:s0+$0x2200]  }
0x39b: {  	_ =	sdelay $0x2  }
0x39c: {  	v7 =	vshrl.u32 v5, $0x10  }
0x39d: {  	v7 =	vand.u32 $0xFF, v7  }
0x39e: {  	(xrf1) =	vunique.msk.u32 $0xffff, v7;
	_ =	sdelay $0x9  }
0x39f: {  	v8 =	vld.idx.msk [tilespmem:v7+s15+$0x0], $0xffff;
	_ =	sdelay $0x3  }
0x3a0: {  	_, v9, _ =	vpop (xrf1)  }
0x3a1: {  	v8 =	vadd.s32 v9, v8  }
0x3a2: {  	v8 =	vadd.s32 $0xFFFFFFFF, v8;
	_ =	sdelay $0x4  }
0x3a3: {  	[tilespmem:v8+s10+$0x0] =	vst.idx.msk $0xffff, v5  }
0x3a4: {  	[tilespmem:v8+s11+$0x0] =	vst.idx.msk $0xffff, v6  }
0x3a5: {  	[tilespmem:v7+s15+$0x0] =	vst.idx.add.s32.msk $0xffff, v3  }
0x3a6: {  	[tilespmem:$0x4600] =	vst v0  }
0x3a7: {  	[tilespmem:$0x4610] =	vst v0  }
0x3a8: {  	[tilespmem:$0x4620] =	vst v0  }
0x3a9: {  	[tilespmem:$0x4630] =	vst v0  }
0x3aa: {  	[tilespmem:$0x4640] =	vst v0  }
0x3ab: {  	[tilespmem:$0x4650] =	vst v0  }
0x3ac: {  	[tilespmem:$0x4660] =	vst v0  }
0x3ad: {  	[tilespmem:$0x4670] =	vst v0  }
0x3ae: {  	[tilespmem:$0x4680] =	vst v0  }
0x3af: {  	[tilespmem:$0x4690] =	vst v0  }
0x3b0: {  	[tilespmem:$0x46A0] =	vst v0  }
0x3b1: {  	[tilespmem:$0x46B0] =	vst v0  }
0x3b2: {  	[tilespmem:$0x46C0] =	vst v0  }
0x3b3: {  	[tilespmem:$0x46D0] =	vst v0  }
0x3b4: {  	[tilespmem:$0x46E0] =	vst v0  }
0x3b5: {  	s16 =	simm.s32 $0x0;
	s18 =	simm.s32 $0x0;
	s17 =	simm.s32 $0x40;
	[tilespmem:$0x46F0] =	vst v0  }
.LBB2_60:
0x3b6: {  	p1 =	sne.s32 s17, $0x7C0;
	v5 =	vld [tilespmem:s18+$0x2600];
	_ =	sdelay $0x4  }
0x3b7: {  	v5 =	vshrl.u32 v5, $0x18  }
.Ltmp31:
0x3b8: {  	(pc) =	sbr.rel @p1 .LBB2_60-.Ltmp31, $2  }
0x3b9: {  	_ =	sdelay $0x2  }
0x3ba: {  	s18 =	sshra.s32 s17, $0x2;
	s17 =	sadd.s32 $0x40, s17;
	[tilespmem:v5+s15+$0x0] =	vst.idx.add.s32.msk $0xffff, v3  }
0x3bb: {  	v5 =	vld [tilespmem:s18+$0x2600];
	_ =	sdelay $0x4  }
0x3bc: {  	v5 =	vshrl.u32 v5, $0x18;
	_ =	sdelay $0x4  }
0x3bd: {  	s0 =	simm.s32 $0x0;
	[tilespmem:v5+s15+$0x0] =	vst.idx.add.s32.msk $0xffff, v3  }
0x3be: {  	v5 =	vld [tilespmem:s0+$0x4600];
	_ =	sdelay $0x4  }
0x3bf: {  	(xrf0) =	vadd.scan.msk.s32 $0xffff, v5;
	_ =	sdelay $0x5  }
0x3c0: {  	v6, _, _ =	vpop (xrf0)  }
0x3c1: {  	(v2sf) =	vpush v6, $0xF  }
0x3c2: {  	v5 =	vsub.s32 s16, v5  }
0x3c3: {  	v5 =	vadd.s32 v6, v5  }
0x3c4: {  	s17 =	simm.s32 $0x10;
	s18 =	simm.s32 $0x80;
	[tilespmem:s0+$0x4600] =	vst v5  }
.LBB2_62:
0x3c5: {  	p1 =	sne.s32 s18, $0x3C0;
	v5 =	vld [tilespmem:s17+$0x4600];
	_ =	sdelay $0x4  }
0x3c6: {  	(xrf0) =	vadd.scan.msk.s32 $0xffff, v5;
	_ =	sdelay $0x5  }
.Ltmp32:
0x3c7: {  	v6, _, _ =	vpop (xrf0);
	s0 =	spop (v2sf);
	(pc) =	sbr.rel @p1 .LBB2_62-.Ltmp32, $4  }
0x3c8: {  	(v2sf) =	vpush v6, $0xF;
	s16 =	sadd.s32 s16, s0  }
0x3c9: {  	v5 =	vsub.s32 s16, v5  }
0x3ca: {  	v5 =	vadd.s32 v6, v5  }
0x3cb: {  	[tilespmem:s17+$0x4600] =	vst v5;
	s17 =	sshra.s32 s18, $0x2;
	s18 =	sadd.s32 $0x40, s18  }
0x3cc: {  	v5 =	vld [tilespmem:s17+$0x4600];
	_ =	sdelay $0x4  }
0x3cd: {  	(xrf0) =	vadd.scan.msk.s32 $0xffff, v5;
	_ =	sdelay $0x5  }
0x3ce: {  	v6, _, _ =	vpop (xrf0)  }
0x3cf: {  	(v2sf) =	vpush v6, $0xF;
	_ =	sdelay $0x8  }
0x3d0: {  	s0 =	spop (v2sf)  }
0x3d1: {  	s0 =	sadd.s32 s16, s0  }
0x3d2: {  	v5 =	vsub.s32 s0, v5  }
0x3d3: {  	v5 =	vadd.s32 v6, v5  }
0x3d4: {  	s31 =	simm.s32 $0x0;
	[tilespmem:s17+$0x4600] =	vst v5  }
0x3d5: {  	v5 =	vld [tilespmem:s31+$0x2600]  }
0x3d6: {  	s16 =	simm.s32 $0x40;
	v6 =	vld [tilespmem:s31+$0x3600];
	s2 =	spop (v2sf)  }
.LBB2_64:
0x3d7: {  	p1 =	sne.s32 s16, $0x7C0;
	_ =	sdelay $0x2  }
0x3d8: {  	v7 =	vshrl.u32 v5, $0x18  }
0x3d9: {  	(xrf1) =	vunique.msk.u32 $0xffff, v7;
	_ =	sdelay $0x8  }
0x3da: {  	v8 =	vld.idx.msk [tilespmem:v7+s15+$0x0], $0xffff;
	_ =	sdelay $0x4  }
0x3db: {  	_, v9, _ =	vpop (xrf1)  }
0x3dc: {  	v8 =	vadd.s32 v9, v8  }
0x3dd: {  	v8 =	vadd.s32 $0xFFFFFFFF, v8;
	_ =	sdelay $0x4  }
.Ltmp33:
0x3de: {  	[tilespmem:v8+s12+$0x0] =	vst.idx.msk $0xffff, v5;
	(pc) =	sbr.rel @p1 .LBB2_64-.Ltmp33, $4  }
0x3df: {  	[tilespmem:v8+s13+$0x0] =	vst.idx.msk $0xffff, v6  }
0x3e0: {  	s0 =	sshra.s32 s16, $0x2;
	[tilespmem:v7+s15+$0x0] =	vst.idx.add.s32.msk $0xffff, v3  }
0x3e1: {  	v5 =	vld [tilespmem:s0+$0x2600]  }
0x3e2: {  	s16 =	sadd.s32 $0x40, s16;
	v6 =	vld [tilespmem:s0+$0x3600]  }
0x3e3: {  	_ =	sdelay $0x2  }
0x3e4: {  	v7 =	vshrl.u32 v5, $0x18  }
0x3e5: {  	(xrf1) =	vunique.msk.u32 $0xffff, v7;
	_ =	sdelay $0x9  }
0x3e6: {  	v8 =	vld.idx.msk [tilespmem:v7+s15+$0x0], $0xffff;
	_ =	sdelay $0x3  }
0x3e7: {  	_, v9, _ =	vpop (xrf1)  }
0x3e8: {  	v8 =	vadd.s32 v9, v8  }
0x3e9: {  	v8 =	vadd.s32 $0xFFFFFFFF, v8;
	_ =	sdelay $0x4  }
0x3ea: {  	[tilespmem:v8+s12+$0x0] =	vst.idx.msk $0xffff, v5  }
0x3eb: {  	s1 =	sadd.s32 $0x1, s1;
	[tilespmem:v8+s13+$0x0] =	vst.idx.msk $0xffff, v6  }
0x3ec: {  	p1 =	sne.s32 s1, s6;
	[tilespmem:v7+s15+$0x0] =	vst.idx.add.s32.msk $0xffff, v3  }
0x3ed: {  	[hbm4b:s4+s7] =	stream.strided.scatter [tilespmem:s13], [sflag:$0x1], $0x200, s8, s7, $0x38;
	[tilespmem:$0x4700] =	vst v63  }
.Ltmp34:
0x3ee: {  	_ = 	snop;
	(pc) =	sbr.rel @p1 .LBB2_2-.Ltmp34, $4  }
.Ltmp35:
0x3ef: {  	_ = 	snop;
	(pc) =	sbr.rel @!p1 .LBB2_66-.Ltmp35, $4  }
0x3f0: {  	_ =	swait.ge [sflag:s9], $0x200  }
0x3f1: {  	[sflag:s9] =	ssyncset.done $0x0  }
0x3f2: {  	[sflag:s9] =	ssyncadd.s32 $0xFFFFFE00  }
0x3f3: {  	_ = 	snop  }
.LBB2_10:
.Ltmp36:
0x3f4: {  	(pc) =	sbr.rel .LBB2_14-.Ltmp36, $2  }
0x3f5: {  	_ =	sdelay $0x2  }
0x3f6: {  	s20 =	simm.s32 $0x0  }
.LBB2_19:
.Ltmp37:
0x3f7: {  	(pc) =	sbr.rel .LBB2_23-.Ltmp37, $2  }
0x3f8: {  	_ =	sdelay $0x2  }
0x3f9: {  	s21 =	simm.s32 $0x0  }
.LBB2_28:
.Ltmp38:
0x3fa: {  	(pc) =	sbr.rel .LBB2_32-.Ltmp38, $2  }
0x3fb: {  	_ =	sdelay $0x2  }
0x3fc: {  	s16 =	simm.s32 $0x0  }
.LBB2_12:
.Ltmp39:
0x3fd: {  	(pc) =	sbr.rel .LBB2_14-.Ltmp39, $2  }
0x3fe: {  	_ =	sdelay $0x2  }
0x3ff: {  	s20 =	simm.s32 $0x0  }
.LBB2_21:
.Ltmp40:
0x400: {  	(pc) =	sbr.rel .LBB2_23-.Ltmp40, $2  }
0x401: {  	_ =	sdelay $0x2  }
0x402: {  	s21 =	simm.s32 $0x0  }
.LBB2_30:
.Ltmp41:
0x403: {  	(pc) =	sbr.rel .LBB2_32-.Ltmp41, $2  }
0x404: {  	_ =	sdelay $0x2  }
0x405: {  	s16 =	simm.s32 $0x0  }
.Lfunc_end2:
_tile_overlayer_lowered:
.L_overlay_start_2:
0x406: {  	(tag) =	ssettag $0x2  }
0x407: {  	s0 =	rddreg [dreg:$0x0];
	s2 =	stileid.u32  }
0x408: {  	s1 =	rddreg [dreg:$0x1];
	p0 =	sne.s32 s2, $0x0  }
0x409: {  	s3 =	rddreg [dreg:$0x2];
	[bflag:$0x3] =	sbarrier.arrive $0xFFFF;
	s2 =	simm.s32 @!p0 $0x1C01  }
0x40a: {  	[timem:s3], [sflag:s2] =	dma.local @!p0 [hbm:s0], s1  }
0x40b: {  	s0 =	simm.s32 @!p0 $0x1  }
0x40c: {  	_ =	swait.ge @!p0 [sflag:s0], s1  }
0x40d: {  	s1 =	ssub.s32 @!p0 $0x0, s1;
	[sflag:s0] =	ssyncset.done @!p0 $0x0  }
0x40e: {  	[sflag:s0] =	ssyncadd.s32 @!p0 s1  }
0x40f: {  	[bflag:$0x3] =	sbarrier.arrive $0xFFFF  }
0x410: {  	_ =	shalt  }

</sc_bundles>
